<compile_context>
chip_gen: v7x
topology: tpu7x:2x2x1
jax: 0.10.2.dev20260603
libtpu: 0.0.44.dev20260713+nightly
codegen_flags: <defaults>
</compile_context>

<pallas_src>
import functools

import jax
import jax.numpy as jnp
from jax import lax
from jax.experimental import pallas as pl
from jax.experimental.pallas import tpu as pltpu
from jax.experimental.pallas import tpu_sc as plsc

N = 10000
D = 128
E = 320000
NC, NS = 2, 16
NW = NC * NS
CH = 128
CPT = 80
EPAD = NW * CPT * CH
NPAD = 10240
NPT = NPAD // NS
BLK = 640
GRID = NPAD // BLK

_MESH = plsc.VectorSubcoreMesh(
    core_axis_name="c", subcore_axis_name="s", num_cores=NC, num_subcores=NS)



def _deg_body(ei_hbm, deg_out, row_v, ones_v, zv, deg_s):
    c = lax.axis_index("c")
    s = lax.axis_index("s")
    w = c * NS + s

    def zb(r, carry):
        zv[pl.ds(r * 16, 16)] = jnp.zeros((16,), jnp.float32)
        return carry
    lax.fori_loop(0, NPT // 16, zb, 0)
    for k in range(8):
        ones_v[pl.ds(k * 16, 16)] = jnp.ones((16,), jnp.float32)
    pltpu.sync_copy(zv, deg_s.at[pl.ds(s * NPT, NPT)])
    plsc.subcore_barrier()

    pltpu.sync_copy(ei_hbm.at[0, pl.ds(w * CPT, CPT), :], row_v)

    def body(j, carry):
        pltpu.sync_copy(ones_v, deg_s.at[row_v.at[j]], add=True)
        return carry
    lax.fori_loop(0, CPT, body, 0)
    plsc.subcore_barrier()

    @pl.when(s == 0)
    def _():
        pltpu.sync_copy(deg_s, deg_out.at[c])


_deg_kernel = pl.kernel(
    _deg_body,
    out_type=jax.ShapeDtypeStruct((NC, NPAD), jnp.float32),
    mesh=_MESH,
    scratch_types=[
        pltpu.VMEM((CPT, CH), jnp.int32),
        pltpu.VMEM((CH,), jnp.float32),
        pltpu.VMEM((NPT,), jnp.float32),
        pltpu.VMEM_SHARED((NPAD,), jnp.float32),
    ],
)



CPH = 40
NBUF = 2
NGRP = CPH // NBUF
SLOW_CORE = 1
Q_SLOW, Q_FAST = CPH, 3 * CPH


def _prop_body(h_hbm, ei_hbm, out_hbm, row_v, col_v, bufs, acc_s, *sems):
    gsem, ssem = sems[:NBUF], sems[NBUF:]
    c = lax.axis_index("c")
    s = lax.axis_index("s")
    slow = c == SLOW_CORE
    nst = jnp.where(slow, Q_SLOW // CPH, Q_FAST // CPH)
    core_base = jnp.where(slow, s * Q_SLOW, NS * Q_SLOW + s * Q_FAST)

    def zb(r, carry):
        for k in range(8):
            bufs[0, r, pl.ds(k * 16, 16)] = jnp.zeros((16,), jnp.float32)
        return carry
    lax.fori_loop(0, CH, zb, 0)
    for i in range(NPT // CH):
        pltpu.sync_copy(bufs.at[0], acc_s.at[pl.ds(s * NPT + i * CH, CH), :])
    plsc.subcore_barrier()

    def stage(st, carry):
        base = core_base + st * CPH
        pltpu.sync_copy(ei_hbm.at[0, pl.ds(base, CPH), :], row_v)
        pltpu.sync_copy(ei_hbm.at[1, pl.ds(base, CPH), :], col_v)

        for b in range(NBUF):
            pltpu.async_copy(h_hbm.at[row_v.at[b]], bufs.at[b], gsem[b])

        def group(i, carry2):
            for b in range(NBUF):
                j = i * NBUF + b
                pltpu.make_async_copy(h_hbm.at[row_v.at[j]], bufs.at[b],
                                      gsem[b]).wait()
                pltpu.async_copy(bufs.at[b], acc_s.at[col_v.at[j]],
                                 ssem[b], add=True)
            for b in range(NBUF):
                j = i * NBUF + b

                @pl.when(i < NGRP - 1)
                def _():
                    pltpu.make_async_copy(bufs.at[b], acc_s.at[col_v.at[j]],
                                          ssem[b]).wait()
                    pltpu.async_copy(h_hbm.at[row_v.at[j + NBUF]],
                                     bufs.at[b], gsem[b])
            return carry2
        lax.fori_loop(0, NGRP, group, 0)
        for b in range(NBUF):
            j = (NGRP - 1) * NBUF + b
            pltpu.make_async_copy(bufs.at[b], acc_s.at[col_v.at[j]],
                                  ssem[b]).wait()
        return carry
    lax.fori_loop(0, nst, stage, 0)
    plsc.subcore_barrier()

    pltpu.sync_copy(acc_s.at[pl.ds(s * NPT, NPT), :],
                    out_hbm.at[c, pl.ds(s * NPT, NPT), :])


_prop_kernel = pl.kernel(
    _prop_body,
    out_type=jax.ShapeDtypeStruct((NC, NPAD, D), jnp.float32),
    mesh=_MESH,
    scratch_types=[
        pltpu.VMEM((CPH, CH), jnp.int32),
        pltpu.VMEM((CPH, CH), jnp.int32),
        pltpu.VMEM((NBUF, CH, D), jnp.float32),
        pltpu.VMEM_SHARED((NPAD, D), jnp.float32),
    ] + [pltpu.SemaphoreType.DMA] * (2 * NBUF),
)



def _tc1_body(x_ref, degp_ref, w_ref, b_ref, h_ref, dis_ref):
    deg = degp_ref[0, :] + degp_ref[1, :] + 1.0
    dis = lax.rsqrt(deg)
    h = lax.dot_general(x_ref[...], w_ref[...], (((1,), (1,)), ((), ())),
                        preferred_element_type=jnp.float32) + b_ref[...]
    h_ref[...] = h * dis[:, None]
    dis_ref[...] = dis[:, None]


_tc1 = pl.pallas_call(
    _tc1_body,
    grid=(GRID,),
    in_specs=[
        pl.BlockSpec((BLK, D), lambda i: (i, 0)),
        pl.BlockSpec((NC, BLK), lambda i: (0, i)),
        pl.BlockSpec((D, D), lambda i: (0, 0)),
        pl.BlockSpec((1, D), lambda i: (0, 0)),
    ],
    out_specs=[
        pl.BlockSpec((BLK, D), lambda i: (i, 0)),
        pl.BlockSpec((BLK, 1), lambda i: (i, 0)),
    ],
    out_shape=[
        jax.ShapeDtypeStruct((NPAD, D), jnp.float32),
        jax.ShapeDtypeStruct((NPAD, 1), jnp.float32),
    ],
)


def _tc2_body(acc_ref, h1_ref, dis_ref, w_ref, b_ref, o_ref):
    dis = dis_ref[...]
    agg = (acc_ref[0] + acc_ref[1] + h1_ref[...]) * dis
    x2 = jnp.maximum(agg, 0.0)
    h = lax.dot_general(x2, w_ref[...], (((1,), (1,)), ((), ())),
                        preferred_element_type=jnp.float32) + b_ref[...]
    o_ref[...] = h * dis


_tc2 = pl.pallas_call(
    _tc2_body,
    grid=(GRID,),
    in_specs=[
        pl.BlockSpec((NC, BLK, D), lambda i: (0, i, 0)),
        pl.BlockSpec((BLK, D), lambda i: (i, 0)),
        pl.BlockSpec((BLK, 1), lambda i: (i, 0)),
        pl.BlockSpec((D, D), lambda i: (0, 0)),
        pl.BlockSpec((1, D), lambda i: (0, 0)),
    ],
    out_specs=pl.BlockSpec((BLK, D), lambda i: (i, 0)),
    out_shape=jax.ShapeDtypeStruct((NPAD, D), jnp.float32),
)


def _tc3_body(acc_ref, h2_ref, dis_ref, o_ref):
    agg = (acc_ref[0] + acc_ref[1] + h2_ref[...]) * dis_ref[...]
    o_ref[...] = jnp.maximum(agg, 0.0)


_tc3 = pl.pallas_call(
    _tc3_body,
    grid=(GRID,),
    in_specs=[
        pl.BlockSpec((NC, BLK, D), lambda i: (0, i, 0)),
        pl.BlockSpec((BLK, D), lambda i: (i, 0)),
        pl.BlockSpec((BLK, 1), lambda i: (i, 0)),
    ],
    out_specs=pl.BlockSpec((BLK, D), lambda i: (i, 0)),
    out_shape=jax.ShapeDtypeStruct((NPAD, D), jnp.float32),
)



@jax.jit
def kernel(x, edge_index, W1, b1, W2, b2):
    xp = jnp.pad(x[0], ((0, NPAD - N), (0, 0)))
    ei32 = edge_index.astype(jnp.int32)
    pad = jnp.full((2, EPAD - E), N, dtype=jnp.int32)
    eip = jnp.concatenate([ei32, pad], axis=1).reshape(2, NW * CPT, CH)

    deg_parts = _deg_kernel(eip)
    h1p, dis = _tc1(xp, deg_parts, W1, b1.reshape(1, D))
    acc1 = _prop_kernel(h1p, eip)
    h2p = _tc2(acc1, h1p, dis, W2, b2.reshape(1, D))
    acc2 = _prop_kernel(h2p, eip)
    outp = _tc3(acc2, h2p, dis)
    return outp[:N][None]

# --- scband reference (transcript-rebuilt; emitter-appended) ---
"""Pipeline reference for scband-gconv-seq-7859790152279 (READ-ONLY COPY).

The authoritative reference and input builder live on the scoring server;
editing this copy changes nothing except your own understanding.
"""

import jax, jax.numpy as jnp
import numpy as np

N_NODES = 10000


def _gconv(x, edge_index, W, b):
    # add self loops
    n = N_NODES
    loops = jnp.arange(n, dtype=edge_index.dtype)
    ei = jnp.concatenate([edge_index, jnp.stack([loops, loops], axis=0)], axis=1)
    # linear layer
    x = x @ W.T + b
    row, col = ei[0], ei[1]
    # degree over row (source) nodes
    deg = jnp.zeros((n,), dtype=x.dtype).at[row].add(1.0)
    deg_inv_sqrt = deg ** -0.5
    norm = deg_inv_sqrt[row] * deg_inv_sqrt[col]
    # message: norm * x_j where x_j = x gathered at source nodes (node_dim=-2)
    msg = norm[None, :, None] * x[:, row, :]
    # aggregate (add) at target nodes
    out = jnp.zeros_like(x).at[:, col, :].add(msg)
    return out


def setup_inputs(seed: int = 0) -> dict:
    key = jax.random.key(seed)
    k1, k2, k3, k4 = jax.random.split(key, 4)
    x = jax.random.normal(k1, (1, N_NODES, 128), dtype=jnp.float32)
    edge_index = jax.random.randint(k2, (2, 320000), 0, N_NODES, dtype=jnp.int64)
    # xavier-uniform init for linear weights
    limit = np.sqrt(6.0 / (128 + 128))
    W1 = jax.random.uniform(k3, (128, 128), dtype=jnp.float32, minval=-limit, maxval=limit)
    b1 = jnp.zeros((128,), dtype=jnp.float32)
    W2 = jax.random.uniform(k4, (128, 128), dtype=jnp.float32, minval=-limit, maxval=limit)
    b2 = jnp.zeros((128,), dtype=jnp.float32)
    return {"x": x, "edge_index": edge_index, "W1": W1, "b1": b1, "W2": W2, "b2": b2}


def reference(x, edge_index, W1, b1, W2, b2):
    x = _gconv(x, edge_index, W1, b1)
    x = jax.nn.relu(x)
    x = _gconv(x, edge_index, W2, b2)
    x = jax.nn.relu(x)
    return x

if __name__ == "__main__":
    import jax
    _d = setup_inputs()
    print(jax.jit(kernel)(*tuple(_d.values())))

</pallas_src>

<mosaic_0001>
#map = affine_map<(d0, d1) -> (0, 0, 0)>
#map1 = affine_map<(d0, d1) -> (0, 0)>
module attributes {stable_mosaic.version = 14 : i64} {
  func.func @_deg_body(%arg0: i32, %arg1: i32, %arg2: memref<2x2560x128xi32, #tpu.memory_space<hbm>>, %arg3: memref<2x10240xf32, #tpu.memory_space<hbm>>, %arg4: memref<80x128xi32, #tpu.memory_space<vmem>>, %arg5: memref<128xf32, #tpu.memory_space<vmem>>, %arg6: memref<640xf32, #tpu.memory_space<vmem>>, %arg7: memref<10240xf32, #tpu.memory_space<vmem_shared>>) attributes {dimension_semantics = [#tpu.dimension_semantics<core_parallel>, #tpu.dimension_semantics<subcore_parallel>], iteration_bounds = array<i64: 2, 16>, scalar_prefetch = 0 : i64, scratch_operands = 4 : i64, tpu.core_type = #tpu.core_type<sc_vector_subcore>, window_params = [{transform_indices = #map}, {transform_indices = #map1}]} {
    %mul3A = arith.constant 16 : i32
    %mul3A_0 = arith.muli %arg0, %mul3A : i32
    %add3A = arith.addi %mul3A_0, %arg1 : i32
    %scan3A = arith.constant 0 : i32
    %scan3A_1 = arith.constant 0 : i32
    %scan3A_2 = arith.constant 40 : i32
    %scan3A_3 = arith.addi %scan3A_1, %scan3A_2 : i32
    %scan3A_4 = arith.constant 1 : i32
    scf.for %scan3A_65 = %scan3A_1 to %scan3A_3 step %scan3A_4  : i32 {
      %broadcast_in_dim3A_66 = arith.constant 0.000000e+00 : f32
      %broadcast_in_dim3A_67 = vector.broadcast %broadcast_in_dim3A_66 : f32 to vector<16xf32>
      %mul3A_68 = arith.constant 16 : i32
      %mul3A_69 = arith.muli %scan3A_65, %mul3A_68 : i32
      %swap3A_70 = arith.index_cast %mul3A_69 : i32 to index
      %swap3A_71 = tpu.vector_load %arg6[%swap3A_70] {strides = array<i32>} : memref<640xf32, #tpu.memory_space<vmem>>, vector<16xf32>,
      %swap3A_72 = vector.shape_cast %swap3A_71 : vector<16xf32> to vector<16xf32>
      %swap3A_73 = vector.shape_cast %broadcast_in_dim3A_67 : vector<16xf32> to vector<16xf32>
      tpu.vector_store %arg6[%swap3A_70], %swap3A_73 {strides = array<i32>} : memref<640xf32, #tpu.memory_space<vmem>>, vector<16xf32>,
    }
    %scan3A_5 = arith.constant 40 : i32
    %broadcast_in_dim3A = arith.constant 1.000000e+00 : f32
    %broadcast_in_dim3A_6 = vector.broadcast %broadcast_in_dim3A : f32 to vector<16xf32>
    %swap3A = arith.constant 0 : index
    %swap3A_7 = tpu.vector_load %arg5[%swap3A] {strides = array<i32>} : memref<128xf32, #tpu.memory_space<vmem>>, vector<16xf32>,
    %swap3A_8 = vector.shape_cast %swap3A_7 : vector<16xf32> to vector<16xf32>
    %swap3A_9 = vector.shape_cast %broadcast_in_dim3A_6 : vector<16xf32> to vector<16xf32>
    tpu.vector_store %arg5[%swap3A], %swap3A_9 {strides = array<i32>} : memref<128xf32, #tpu.memory_space<vmem>>, vector<16xf32>,
    %broadcast_in_dim3A_10 = arith.constant 1.000000e+00 : f32
    %broadcast_in_dim3A_11 = vector.broadcast %broadcast_in_dim3A_10 : f32 to vector<16xf32>
    %swap3A_12 = arith.constant 16 : index
    %swap3A_13 = tpu.vector_load %arg5[%swap3A_12] {strides = array<i32>} : memref<128xf32, #tpu.memory_space<vmem>>, vector<16xf32>,
    %swap3A_14 = vector.shape_cast %swap3A_13 : vector<16xf32> to vector<16xf32>
    %swap3A_15 = vector.shape_cast %broadcast_in_dim3A_11 : vector<16xf32> to vector<16xf32>
    tpu.vector_store %arg5[%swap3A_12], %swap3A_15 {strides = array<i32>} : memref<128xf32, #tpu.memory_space<vmem>>, vector<16xf32>,
    %broadcast_in_dim3A_16 = arith.constant 1.000000e+00 : f32
    %broadcast_in_dim3A_17 = vector.broadcast %broadcast_in_dim3A_16 : f32 to vector<16xf32>
    %swap3A_18 = arith.constant 32 : index
    %swap3A_19 = tpu.vector_load %arg5[%swap3A_18] {strides = array<i32>} : memref<128xf32, #tpu.memory_space<vmem>>, vector<16xf32>,
    %swap3A_20 = vector.shape_cast %swap3A_19 : vector<16xf32> to vector<16xf32>
    %swap3A_21 = vector.shape_cast %broadcast_in_dim3A_17 : vector<16xf32> to vector<16xf32>
    tpu.vector_store %arg5[%swap3A_18], %swap3A_21 {strides = array<i32>} : memref<128xf32, #tpu.memory_space<vmem>>, vector<16xf32>,
    %broadcast_in_dim3A_22 = arith.constant 1.000000e+00 : f32
    %broadcast_in_dim3A_23 = vector.broadcast %broadcast_in_dim3A_22 : f32 to vector<16xf32>
    %swap3A_24 = arith.constant 48 : index
    %swap3A_25 = tpu.vector_load %arg5[%swap3A_24] {strides = array<i32>} : memref<128xf32, #tpu.memory_space<vmem>>, vector<16xf32>,
    %swap3A_26 = vector.shape_cast %swap3A_25 : vector<16xf32> to vector<16xf32>
    %swap3A_27 = vector.shape_cast %broadcast_in_dim3A_23 : vector<16xf32> to vector<16xf32>
    tpu.vector_store %arg5[%swap3A_24], %swap3A_27 {strides = array<i32>} : memref<128xf32, #tpu.memory_space<vmem>>, vector<16xf32>,
    %broadcast_in_dim3A_28 = arith.constant 1.000000e+00 : f32
    %broadcast_in_dim3A_29 = vector.broadcast %broadcast_in_dim3A_28 : f32 to vector<16xf32>
    %swap3A_30 = arith.constant 64 : index
    %swap3A_31 = tpu.vector_load %arg5[%swap3A_30] {strides = array<i32>} : memref<128xf32, #tpu.memory_space<vmem>>, vector<16xf32>,
    %swap3A_32 = vector.shape_cast %swap3A_31 : vector<16xf32> to vector<16xf32>
    %swap3A_33 = vector.shape_cast %broadcast_in_dim3A_29 : vector<16xf32> to vector<16xf32>
    tpu.vector_store %arg5[%swap3A_30], %swap3A_33 {strides = array<i32>} : memref<128xf32, #tpu.memory_space<vmem>>, vector<16xf32>,
    %broadcast_in_dim3A_34 = arith.constant 1.000000e+00 : f32
    %broadcast_in_dim3A_35 = vector.broadcast %broadcast_in_dim3A_34 : f32 to vector<16xf32>
    %swap3A_36 = arith.constant 80 : index
    %swap3A_37 = tpu.vector_load %arg5[%swap3A_36] {strides = array<i32>} : memref<128xf32, #tpu.memory_space<vmem>>, vector<16xf32>,
    %swap3A_38 = vector.shape_cast %swap3A_37 : vector<16xf32> to vector<16xf32>
    %swap3A_39 = vector.shape_cast %broadcast_in_dim3A_35 : vector<16xf32> to vector<16xf32>
    tpu.vector_store %arg5[%swap3A_36], %swap3A_39 {strides = array<i32>} : memref<128xf32, #tpu.memory_space<vmem>>, vector<16xf32>,
    %broadcast_in_dim3A_40 = arith.constant 1.000000e+00 : f32
    %broadcast_in_dim3A_41 = vector.broadcast %broadcast_in_dim3A_40 : f32 to vector<16xf32>
    %swap3A_42 = arith.constant 96 : index
    %swap3A_43 = tpu.vector_load %arg5[%swap3A_42] {strides = array<i32>} : memref<128xf32, #tpu.memory_space<vmem>>, vector<16xf32>,
    %swap3A_44 = vector.shape_cast %swap3A_43 : vector<16xf32> to vector<16xf32>
    %swap3A_45 = vector.shape_cast %broadcast_in_dim3A_41 : vector<16xf32> to vector<16xf32>
    tpu.vector_store %arg5[%swap3A_42], %swap3A_45 {strides = array<i32>} : memref<128xf32, #tpu.memory_space<vmem>>, vector<16xf32>,
    %broadcast_in_dim3A_46 = arith.constant 1.000000e+00 : f32
    %broadcast_in_dim3A_47 = vector.broadcast %broadcast_in_dim3A_46 : f32 to vector<16xf32>
    %swap3A_48 = arith.constant 112 : index
    %swap3A_49 = tpu.vector_load %arg5[%swap3A_48] {strides = array<i32>} : memref<128xf32, #tpu.memory_space<vmem>>, vector<16xf32>,
    %swap3A_50 = vector.shape_cast %swap3A_49 : vector<16xf32> to vector<16xf32>
    %swap3A_51 = vector.shape_cast %broadcast_in_dim3A_47 : vector<16xf32> to vector<16xf32>
    tpu.vector_store %arg5[%swap3A_48], %swap3A_51 {strides = array<i32>} : memref<128xf32, #tpu.memory_space<vmem>>, vector<16xf32>,
    %mul3A_52 = arith.constant 640 : i32
    %mul3A_53 = arith.muli %arg1, %mul3A_52 : i32
    "tpu.region"() ({
      %run_scoped3A_65 = tpu.sem_alloc : memref<!tpu.dma_semaphore, #tpu.memory_space<semaphore_mem>>
      %dma_start3A = tpu.memref_slice %arg7[%mul3A_53] : memref<10240xf32, #tpu.memory_space<vmem_shared>> -> memref<640xf32, #tpu.memory_space<vmem_shared>>
      %dma_start3A_66 = tpu.memref_slice %arg7[%mul3A_53] : memref<10240xf32, #tpu.memory_space<vmem_shared>> -> memref<640xf32, #tpu.memory_space<vmem_shared>>
      tpu.enqueue_dma source(%arg6 : memref<640xf32, #tpu.memory_space<vmem>>) target(%dma_start3A_66 : memref<640xf32, #tpu.memory_space<vmem_shared>>) target_semaphore(%run_scoped3A_65 : memref<!tpu.dma_semaphore, #tpu.memory_space<semaphore_mem>>)
      %dma_wait3A = tpu.memref_slice %arg7[%mul3A_53] : memref<10240xf32, #tpu.memory_space<vmem_shared>> -> memref<640xf32, #tpu.memory_space<vmem_shared>>
      %dma_wait3A_67 = tpu.memref_slice %arg7[%mul3A_53] : memref<10240xf32, #tpu.memory_space<vmem_shared>> -> memref<640xf32, #tpu.memory_space<vmem_shared>>
      tpu.wait_dma2 semaphore(%run_scoped3A_65 : memref<!tpu.dma_semaphore, #tpu.memory_space<semaphore_mem>>) src(%arg6 : memref<640xf32, #tpu.memory_space<vmem>>) dst(%dma_wait3A_67 : memref<640xf32, #tpu.memory_space<vmem_shared>>)
      tpu.yield
    }) : () -> ()
    %barrier3A = arith.constant 0 : index
    tpu.barrier barrier_id(%barrier3A)
    %mul3A_54 = arith.constant 80 : i32
    %mul3A_55 = arith.muli %add3A, %mul3A_54 : i32
    %run_scoped3A = arith.constant 0 : i32
    "tpu.region"() ({
      %run_scoped3A_65 = tpu.sem_alloc : memref<!tpu.dma_semaphore, #tpu.memory_space<semaphore_mem>>
      %dma_start3A = arith.constant 0 : i32
      %dma_start3A_66 = tpu.memref_slice %arg2[%run_scoped3A, %mul3A_55, %dma_start3A] : memref<2x2560x128xi32, #tpu.memory_space<hbm>> -> memref<1x80x128xi32, #tpu.memory_space<hbm>>
      %dma_start3A_67 = tpu.memref_squeeze %dma_start3A_66 : memref<1x80x128xi32, #tpu.memory_space<hbm>> -> memref<80x128xi32, #tpu.memory_space<hbm>>
      %dma_start3A_68 = arith.constant 0 : i32
      %dma_start3A_69 = tpu.memref_slice %arg2[%run_scoped3A, %mul3A_55, %dma_start3A_68] : memref<2x2560x128xi32, #tpu.memory_space<hbm>> -> memref<1x80x128xi32, #tpu.memory_space<hbm>>
      %dma_start3A_70 = tpu.memref_squeeze %dma_start3A_69 : memref<1x80x128xi32, #tpu.memory_space<hbm>> -> memref<80x128xi32, #tpu.memory_space<hbm>>
      tpu.enqueue_dma source(%dma_start3A_70 : memref<80x128xi32, #tpu.memory_space<hbm>>) target(%arg4 : memref<80x128xi32, #tpu.memory_space<vmem>>) target_semaphore(%run_scoped3A_65 : memref<!tpu.dma_semaphore, #tpu.memory_space<semaphore_mem>>)
      %dma_wait3A = arith.constant 0 : i32
      %dma_wait3A_71 = tpu.memref_slice %arg2[%run_scoped3A, %mul3A_55, %dma_wait3A] : memref<2x2560x128xi32, #tpu.memory_space<hbm>> -> memref<1x80x128xi32, #tpu.memory_space<hbm>>
      %dma_wait3A_72 = tpu.memref_squeeze %dma_wait3A_71 : memref<1x80x128xi32, #tpu.memory_space<hbm>> -> memref<80x128xi32, #tpu.memory_space<hbm>>
      %dma_wait3A_73 = arith.constant 0 : i32
      %dma_wait3A_74 = tpu.memref_slice %arg2[%run_scoped3A, %mul3A_55, %dma_wait3A_73] : memref<2x2560x128xi32, #tpu.memory_space<hbm>> -> memref<1x80x128xi32, #tpu.memory_space<hbm>>
      %dma_wait3A_75 = tpu.memref_squeeze %dma_wait3A_74 : memref<1x80x128xi32, #tpu.memory_space<hbm>> -> memref<80x128xi32, #tpu.memory_space<hbm>>
      tpu.wait_dma2 semaphore(%run_scoped3A_65 : memref<!tpu.dma_semaphore, #tpu.memory_space<semaphore_mem>>) src(%dma_wait3A_75 : memref<80x128xi32, #tpu.memory_space<hbm>>) dst(%arg4 : memref<80x128xi32, #tpu.memory_space<vmem>>)
      tpu.yield
    }) : () -> ()
    %scan3A_56 = arith.constant 0 : i32
    %scan3A_57 = arith.constant 0 : i32
    %scan3A_58 = arith.constant 80 : i32
    %scan3A_59 = arith.addi %scan3A_57, %scan3A_58 : i32
    %scan3A_60 = arith.constant 1 : i32
    scf.for %scan3A_65 = %scan3A_57 to %scan3A_59 step %scan3A_60  : i32 {
      "tpu.region"() ({
        %run_scoped3A_66 = tpu.sem_alloc : memref<!tpu.dma_semaphore, #tpu.memory_space<semaphore_mem>>
        %dma_start3A = arith.constant 0 : i32
        %dma_start3A_67 = tpu.memref_slice %arg4[%scan3A_65, %dma_start3A] : memref<80x128xi32, #tpu.memory_space<vmem>> -> memref<1x128xi32, #tpu.memory_space<vmem>>
        %dma_start3A_68 = tpu.memref_squeeze %dma_start3A_67 : memref<1x128xi32, #tpu.memory_space<vmem>> -> memref<128xi32, #tpu.memory_space<vmem>>
        %dma_start3A_69 = arith.constant 0 : i32
        %dma_start3A_70 = tpu.memref_slice %arg7[%dma_start3A_69] : memref<10240xf32, #tpu.memory_space<vmem_shared>> -> memref<10240xf32, #tpu.memory_space<vmem_shared>>
        tpu.enqueue_indirect_dma source(%arg5 : memref<128xf32, #tpu.memory_space<vmem>>) target(%dma_start3A_70 : memref<10240xf32, #tpu.memory_space<vmem_shared>>) offsets(%dma_start3A_68 : memref<128xi32, #tpu.memory_space<vmem>>) semaphore(%run_scoped3A_66 : memref<!tpu.dma_semaphore, #tpu.memory_space<semaphore_mem>>) {add = true}
        %dma_wait3A = arith.constant 0 : i32
        %dma_wait3A_71 = tpu.memref_slice %arg4[%scan3A_65, %dma_wait3A] : memref<80x128xi32, #tpu.memory_space<vmem>> -> memref<1x128xi32, #tpu.memory_space<vmem>>
        %dma_wait3A_72 = tpu.memref_squeeze %dma_wait3A_71 : memref<1x128xi32, #tpu.memory_space<vmem>> -> memref<128xi32, #tpu.memory_space<vmem>>
        %dma_wait3A_73 = arith.constant 0 : i32
        %dma_wait3A_74 = tpu.memref_slice %arg7[%dma_wait3A_73] : memref<10240xf32, #tpu.memory_space<vmem_shared>> -> memref<10240xf32, #tpu.memory_space<vmem_shared>>
        tpu.wait_indirect_dma semaphore(%run_scoped3A_66 : memref<!tpu.dma_semaphore, #tpu.memory_space<semaphore_mem>>) src(%arg5 : memref<128xf32, #tpu.memory_space<vmem>>) dst(%dma_wait3A_74 : memref<10240xf32, #tpu.memory_space<vmem_shared>>)
        tpu.yield
      }) : () -> ()
    }
    %scan3A_61 = arith.constant 80 : i32
    %barrier3A_62 = arith.constant 0 : index
    tpu.barrier barrier_id(%barrier3A_62)
    %eq3A = arith.constant 0 : i32
    %eq3A_63 = arith.cmpi eq, %arg1, %eq3A : i32
    %convert_element_type3A = arith.extui %eq3A_63 : i1 to i32
    %cond3A = arith.constant 0 : i32
    %cond3A_64 = arith.cmpi ne, %convert_element_type3A, %cond3A : i32
    scf.if %cond3A_64 {
      "tpu.region"() ({
        %run_scoped3A_65 = tpu.sem_alloc : memref<!tpu.dma_semaphore, #tpu.memory_space<semaphore_mem>>
        %dma_start3A = arith.constant 0 : i32
        %dma_start3A_66 = tpu.memref_slice %arg3[%arg0, %dma_start3A] : memref<2x10240xf32, #tpu.memory_space<hbm>> -> memref<1x10240xf32, #tpu.memory_space<hbm>>
        %dma_start3A_67 = tpu.memref_squeeze %dma_start3A_66 : memref<1x10240xf32, #tpu.memory_space<hbm>> -> memref<10240xf32, #tpu.memory_space<hbm>>
        tpu.enqueue_dma source(%arg7 : memref<10240xf32, #tpu.memory_space<vmem_shared>>) target(%dma_start3A_67 : memref<10240xf32, #tpu.memory_space<hbm>>) target_semaphore(%run_scoped3A_65 : memref<!tpu.dma_semaphore, #tpu.memory_space<semaphore_mem>>)
        %dma_wait3A = arith.constant 0 : i32
        %dma_wait3A_68 = tpu.memref_slice %arg3[%arg0, %dma_wait3A] : memref<2x10240xf32, #tpu.memory_space<hbm>> -> memref<1x10240xf32, #tpu.memory_space<hbm>>
        %dma_wait3A_69 = tpu.memref_squeeze %dma_wait3A_68 : memref<1x10240xf32, #tpu.memory_space<hbm>> -> memref<10240xf32, #tpu.memory_space<hbm>>
        tpu.wait_dma2 semaphore(%run_scoped3A_65 : memref<!tpu.dma_semaphore, #tpu.memory_space<semaphore_mem>>) src(%arg7 : memref<10240xf32, #tpu.memory_space<vmem_shared>>) dst(%dma_wait3A_69 : memref<10240xf32, #tpu.memory_space<hbm>>)
        tpu.yield
      }) : () -> ()
    } else {
    }
    return
  }
}

#map = affine_map<(d0, d1) -> (0, 0)>
#map1 = affine_map<(d0, d1) -> (0, 0, 0)>
module attributes {stable_mosaic.version = 14 : i64} {
  func.func @_prop_body(%arg0: i32, %arg1: i32, %arg2: memref<10240x128xf32, #tpu.memory_space<hbm>>, %arg3: memref<2x2560x128xi32, #tpu.memory_space<hbm>>, %arg4: memref<2x10240x128xf32, #tpu.memory_space<hbm>>, %arg5: memref<40x128xi32, #tpu.memory_space<vmem>>, %arg6: memref<40x128xi32, #tpu.memory_space<vmem>>, %arg7: memref<2x128x128xf32, #tpu.memory_space<vmem>>, %arg8: memref<10240x128xf32, #tpu.memory_space<vmem_shared>>, %arg9: memref<!tpu.dma_semaphore, #tpu.memory_space<semaphore_mem>>, %arg10: memref<!tpu.dma_semaphore, #tpu.memory_space<semaphore_mem>>, %arg11: memref<!tpu.dma_semaphore, #tpu.memory_space<semaphore_mem>>, %arg12: memref<!tpu.dma_semaphore, #tpu.memory_space<semaphore_mem>>) attributes {dimension_semantics = [#tpu.dimension_semantics<core_parallel>, #tpu.dimension_semantics<subcore_parallel>], iteration_bounds = array<i64: 2, 16>, scalar_prefetch = 0 : i64, scratch_operands = 8 : i64, tpu.core_type = #tpu.core_type<sc_vector_subcore>, window_params = [{transform_indices = #map}, {transform_indices = #map1}, {transform_indices = #map1}]} {
    %eq3A = arith.constant 1 : i32
    %eq3A_0 = arith.cmpi eq, %arg0, %eq3A : i32
    %jit3A = arith.constant 1 : i32
    %jit3A_1 = arith.constant 3 : i32
    %select_n3A = arith.select %eq3A_0, %jit3A, %jit3A_1 : i32
    %mul3A = arith.constant 40 : i32
    %mul3A_2 = arith.muli %arg1, %mul3A : i32
    %mul3A_3 = arith.constant 120 : i32
    %mul3A_4 = arith.muli %arg1, %mul3A_3 : i32
    %add3A = arith.constant 640 : i32
    %add3A_5 = arith.addi %add3A, %mul3A_4 : i32
    %select_n3A_6 = arith.select %eq3A_0, %mul3A_2, %add3A_5 : i32
    %scan3A = arith.constant 0 : i32
    %scan3A_7 = arith.constant 0 : i32
    %scan3A_8 = arith.constant 128 : i32
    %scan3A_9 = arith.addi %scan3A_7, %scan3A_8 : i32
    %scan3A_10 = arith.constant 1 : i32
    scf.for %scan3A_50 = %scan3A_7 to %scan3A_9 step %scan3A_10  : i32 {
      %broadcast_in_dim3A = arith.constant 0.000000e+00 : f32
      %broadcast_in_dim3A_51 = vector.broadcast %broadcast_in_dim3A : f32 to vector<16xf32>
      %swap3A = arith.constant 0 : i32
      %swap3A_52 = arith.index_cast %swap3A : i32 to index
      %swap3A_53 = arith.index_cast %scan3A_50 : i32 to index
      %swap3A_54 = arith.constant 0 : index
      %swap3A_55 = tpu.vector_load %arg7[%swap3A_52, %swap3A_53, %swap3A_54] {strides = array<i32>} : memref<2x128x128xf32, #tpu.memory_space<vmem>>, vector<1x1x16xf32>,
      %swap3A_56 = vector.shape_cast %swap3A_55 : vector<1x1x16xf32> to vector<16xf32>
      %swap3A_57 = vector.shape_cast %broadcast_in_dim3A_51 : vector<16xf32> to vector<1x1x16xf32>
      tpu.vector_store %arg7[%swap3A_52, %swap3A_53, %swap3A_54], %swap3A_57 {strides = array<i32>} : memref<2x128x128xf32, #tpu.memory_space<vmem>>, vector<1x1x16xf32>,
      %broadcast_in_dim3A_58 = arith.constant 0.000000e+00 : f32
      %broadcast_in_dim3A_59 = vector.broadcast %broadcast_in_dim3A_58 : f32 to vector<16xf32>
      %swap3A_60 = arith.constant 0 : i32
      %swap3A_61 = arith.index_cast %swap3A_60 : i32 to index
      %swap3A_62 = arith.index_cast %scan3A_50 : i32 to index
      %swap3A_63 = arith.constant 16 : index
      %swap3A_64 = tpu.vector_load %arg7[%swap3A_61, %swap3A_62, %swap3A_63] {strides = array<i32>} : memref<2x128x128xf32, #tpu.memory_space<vmem>>, vector<1x1x16xf32>,
      %swap3A_65 = vector.shape_cast %swap3A_64 : vector<1x1x16xf32> to vector<16xf32>
      %swap3A_66 = vector.shape_cast %broadcast_in_dim3A_59 : vector<16xf32> to vector<1x1x16xf32>
      tpu.vector_store %arg7[%swap3A_61, %swap3A_62, %swap3A_63], %swap3A_66 {strides = array<i32>} : memref<2x128x128xf32, #tpu.memory_space<vmem>>, vector<1x1x16xf32>,
      %broadcast_in_dim3A_67 = arith.constant 0.000000e+00 : f32
      %broadcast_in_dim3A_68 = vector.broadcast %broadcast_in_dim3A_67 : f32 to vector<16xf32>
      %swap3A_69 = arith.constant 0 : i32
      %swap3A_70 = arith.index_cast %swap3A_69 : i32 to index
      %swap3A_71 = arith.index_cast %scan3A_50 : i32 to index
      %swap3A_72 = arith.constant 32 : index
      %swap3A_73 = tpu.vector_load %arg7[%swap3A_70, %swap3A_71, %swap3A_72] {strides = array<i32>} : memref<2x128x128xf32, #tpu.memory_space<vmem>>, vector<1x1x16xf32>,
      %swap3A_74 = vector.shape_cast %swap3A_73 : vector<1x1x16xf32> to vector<16xf32>
      %swap3A_75 = vector.shape_cast %broadcast_in_dim3A_68 : vector<16xf32> to vector<1x1x16xf32>
      tpu.vector_store %arg7[%swap3A_70, %swap3A_71, %swap3A_72], %swap3A_75 {strides = array<i32>} : memref<2x128x128xf32, #tpu.memory_space<vmem>>, vector<1x1x16xf32>,
      %broadcast_in_dim3A_76 = arith.constant 0.000000e+00 : f32
      %broadcast_in_dim3A_77 = vector.broadcast %broadcast_in_dim3A_76 : f32 to vector<16xf32>
      %swap3A_78 = arith.constant 0 : i32
      %swap3A_79 = arith.index_cast %swap3A_78 : i32 to index
      %swap3A_80 = arith.index_cast %scan3A_50 : i32 to index
      %swap3A_81 = arith.constant 48 : index
      %swap3A_82 = tpu.vector_load %arg7[%swap3A_79, %swap3A_80, %swap3A_81] {strides = array<i32>} : memref<2x128x128xf32, #tpu.memory_space<vmem>>, vector<1x1x16xf32>,
      %swap3A_83 = vector.shape_cast %swap3A_82 : vector<1x1x16xf32> to vector<16xf32>
      %swap3A_84 = vector.shape_cast %broadcast_in_dim3A_77 : vector<16xf32> to vector<1x1x16xf32>
      tpu.vector_store %arg7[%swap3A_79, %swap3A_80, %swap3A_81], %swap3A_84 {strides = array<i32>} : memref<2x128x128xf32, #tpu.memory_space<vmem>>, vector<1x1x16xf32>,
      %broadcast_in_dim3A_85 = arith.constant 0.000000e+00 : f32
      %broadcast_in_dim3A_86 = vector.broadcast %broadcast_in_dim3A_85 : f32 to vector<16xf32>
      %swap3A_87 = arith.constant 0 : i32
      %swap3A_88 = arith.index_cast %swap3A_87 : i32 to index
      %swap3A_89 = arith.index_cast %scan3A_50 : i32 to index
      %swap3A_90 = arith.constant 64 : index
      %swap3A_91 = tpu.vector_load %arg7[%swap3A_88, %swap3A_89, %swap3A_90] {strides = array<i32>} : memref<2x128x128xf32, #tpu.memory_space<vmem>>, vector<1x1x16xf32>,
      %swap3A_92 = vector.shape_cast %swap3A_91 : vector<1x1x16xf32> to vector<16xf32>
      %swap3A_93 = vector.shape_cast %broadcast_in_dim3A_86 : vector<16xf32> to vector<1x1x16xf32>
      tpu.vector_store %arg7[%swap3A_88, %swap3A_89, %swap3A_90], %swap3A_93 {strides = array<i32>} : memref<2x128x128xf32, #tpu.memory_space<vmem>>, vector<1x1x16xf32>,
      %broadcast_in_dim3A_94 = arith.constant 0.000000e+00 : f32
      %broadcast_in_dim3A_95 = vector.broadcast %broadcast_in_dim3A_94 : f32 to vector<16xf32>
      %swap3A_96 = arith.constant 0 : i32
      %swap3A_97 = arith.index_cast %swap3A_96 : i32 to index
      %swap3A_98 = arith.index_cast %scan3A_50 : i32 to index
      %swap3A_99 = arith.constant 80 : index
      %swap3A_100 = tpu.vector_load %arg7[%swap3A_97, %swap3A_98, %swap3A_99] {strides = array<i32>} : memref<2x128x128xf32, #tpu.memory_space<vmem>>, vector<1x1x16xf32>,
      %swap3A_101 = vector.shape_cast %swap3A_100 : vector<1x1x16xf32> to vector<16xf32>
      %swap3A_102 = vector.shape_cast %broadcast_in_dim3A_95 : vector<16xf32> to vector<1x1x16xf32>
      tpu.vector_store %arg7[%swap3A_97, %swap3A_98, %swap3A_99], %swap3A_102 {strides = array<i32>} : memref<2x128x128xf32, #tpu.memory_space<vmem>>, vector<1x1x16xf32>,
      %broadcast_in_dim3A_103 = arith.constant 0.000000e+00 : f32
      %broadcast_in_dim3A_104 = vector.broadcast %broadcast_in_dim3A_103 : f32 to vector<16xf32>
      %swap3A_105 = arith.constant 0 : i32
      %swap3A_106 = arith.index_cast %swap3A_105 : i32 to index
      %swap3A_107 = arith.index_cast %scan3A_50 : i32 to index
      %swap3A_108 = arith.constant 96 : index
      %swap3A_109 = tpu.vector_load %arg7[%swap3A_106, %swap3A_107, %swap3A_108] {strides = array<i32>} : memref<2x128x128xf32, #tpu.memory_space<vmem>>, vector<1x1x16xf32>,
      %swap3A_110 = vector.shape_cast %swap3A_109 : vector<1x1x16xf32> to vector<16xf32>
      %swap3A_111 = vector.shape_cast %broadcast_in_dim3A_104 : vector<16xf32> to vector<1x1x16xf32>
      tpu.vector_store %arg7[%swap3A_106, %swap3A_107, %swap3A_108], %swap3A_111 {strides = array<i32>} : memref<2x128x128xf32, #tpu.memory_space<vmem>>, vector<1x1x16xf32>,
      %broadcast_in_dim3A_112 = arith.constant 0.000000e+00 : f32
      %broadcast_in_dim3A_113 = vector.broadcast %broadcast_in_dim3A_112 : f32 to vector<16xf32>
      %swap3A_114 = arith.constant 0 : i32
      %swap3A_115 = arith.index_cast %swap3A_114 : i32 to index
      %swap3A_116 = arith.index_cast %scan3A_50 : i32 to index
      %swap3A_117 = arith.constant 112 : index
      %swap3A_118 = tpu.vector_load %arg7[%swap3A_115, %swap3A_116, %swap3A_117] {strides = array<i32>} : memref<2x128x128xf32, #tpu.memory_space<vmem>>, vector<1x1x16xf32>,
      %swap3A_119 = vector.shape_cast %swap3A_118 : vector<1x1x16xf32> to vector<16xf32>
      %swap3A_120 = vector.shape_cast %broadcast_in_dim3A_113 : vector<16xf32> to vector<1x1x16xf32>
      tpu.vector_store %arg7[%swap3A_115, %swap3A_116, %swap3A_117], %swap3A_120 {strides = array<i32>} : memref<2x128x128xf32, #tpu.memory_space<vmem>>, vector<1x1x16xf32>,
    }
    %scan3A_11 = arith.constant 128 : i32
    %mul3A_12 = arith.constant 640 : i32
    %mul3A_13 = arith.muli %arg1, %mul3A_12 : i32
    %add3A_14 = arith.constant 0 : i32
    %add3A_15 = arith.addi %mul3A_13, %add3A_14 : i32
    %run_scoped3A = arith.constant 0 : i32
    "tpu.region"() ({
      %run_scoped3A_50 = tpu.sem_alloc : memref<!tpu.dma_semaphore, #tpu.memory_space<semaphore_mem>>
      %dma_start3A = arith.constant 0 : i32
      %dma_start3A_51 = arith.constant 0 : i32
      %dma_start3A_52 = tpu.memref_slice %arg7[%run_scoped3A, %dma_start3A, %dma_start3A_51] : memref<2x128x128xf32, #tpu.memory_space<vmem>> -> memref<1x128x128xf32, #tpu.memory_space<vmem>>
      %dma_start3A_53 = tpu.memref_squeeze %dma_start3A_52 : memref<1x128x128xf32, #tpu.memory_space<vmem>> -> memref<128x128xf32, #tpu.memory_space<vmem>>
      %dma_start3A_54 = arith.constant 0 : i32
      %dma_start3A_55 = tpu.memref_slice %arg8[%add3A_15, %dma_start3A_54] : memref<10240x128xf32, #tpu.memory_space<vmem_shared>> -> memref<128x128xf32, #tpu.memory_space<vmem_shared>>
      %dma_start3A_56 = arith.constant 0 : i32
      %dma_start3A_57 = tpu.memref_slice %arg8[%add3A_15, %dma_start3A_56] : memref<10240x128xf32, #tpu.memory_space<vmem_shared>> -> memref<128x128xf32, #tpu.memory_space<vmem_shared>>
      %dma_start3A_58 = arith.constant 0 : i32
      %dma_start3A_59 = arith.constant 0 : i32
      %dma_start3A_60 = tpu.memref_slice %arg7[%run_scoped3A, %dma_start3A_58, %dma_start3A_59] : memref<2x128x128xf32, #tpu.memory_space<vmem>> -> memref<1x128x128xf32, #tpu.memory_space<vmem>>
      %dma_start3A_61 = tpu.memref_squeeze %dma_start3A_60 : memref<1x128x128xf32, #tpu.memory_space<vmem>> -> memref<128x128xf32, #tpu.memory_space<vmem>>
      tpu.enqueue_dma source(%dma_start3A_61 : memref<128x128xf32, #tpu.memory_space<vmem>>) target(%dma_start3A_57 : memref<128x128xf32, #tpu.memory_space<vmem_shared>>) target_semaphore(%run_scoped3A_50 : memref<!tpu.dma_semaphore, #tpu.memory_space<semaphore_mem>>)
      %dma_wait3A = arith.constant 0 : i32
      %dma_wait3A_62 = arith.constant 0 : i32
      %dma_wait3A_63 = tpu.memref_slice %arg7[%run_scoped3A, %dma_wait3A, %dma_wait3A_62] : memref<2x128x128xf32, #tpu.memory_space<vmem>> -> memref<1x128x128xf32, #tpu.memory_space<vmem>>
      %dma_wait3A_64 = tpu.memref_squeeze %dma_wait3A_63 : memref<1x128x128xf32, #tpu.memory_space<vmem>> -> memref<128x128xf32, #tpu.memory_space<vmem>>
      %dma_wait3A_65 = arith.constant 0 : i32
      %dma_wait3A_66 = tpu.memref_slice %arg8[%add3A_15, %dma_wait3A_65] : memref<10240x128xf32, #tpu.memory_space<vmem_shared>> -> memref<128x128xf32, #tpu.memory_space<vmem_shared>>
      %dma_wait3A_67 = arith.constant 0 : i32
      %dma_wait3A_68 = tpu.memref_slice %arg8[%add3A_15, %dma_wait3A_67] : memref<10240x128xf32, #tpu.memory_space<vmem_shared>> -> memref<128x128xf32, #tpu.memory_space<vmem_shared>>
      %dma_wait3A_69 = arith.constant 0 : i32
      %dma_wait3A_70 = arith.constant 0 : i32
      %dma_wait3A_71 = tpu.memref_slice %arg7[%run_scoped3A, %dma_wait3A_69, %dma_wait3A_70] : memref<2x128x128xf32, #tpu.memory_space<vmem>> -> memref<1x128x128xf32, #tpu.memory_space<vmem>>
      %dma_wait3A_72 = tpu.memref_squeeze %dma_wait3A_71 : memref<1x128x128xf32, #tpu.memory_space<vmem>> -> memref<128x128xf32, #tpu.memory_space<vmem>>
      tpu.wait_dma2 semaphore(%run_scoped3A_50 : memref<!tpu.dma_semaphore, #tpu.memory_space<semaphore_mem>>) src(%dma_wait3A_72 : memref<128x128xf32, #tpu.memory_space<vmem>>) dst(%dma_wait3A_68 : memref<128x128xf32, #tpu.memory_space<vmem_shared>>)
      tpu.yield
    }) : () -> ()
    %mul3A_16 = arith.constant 640 : i32
    %mul3A_17 = arith.muli %arg1, %mul3A_16 : i32
    %add3A_18 = arith.constant 128 : i32
    %add3A_19 = arith.addi %mul3A_17, %add3A_18 : i32
    %run_scoped3A_20 = arith.constant 0 : i32
    "tpu.region"() ({
      %run_scoped3A_50 = tpu.sem_alloc : memref<!tpu.dma_semaphore, #tpu.memory_space<semaphore_mem>>
      %dma_start3A = arith.constant 0 : i32
      %dma_start3A_51 = arith.constant 0 : i32
      %dma_start3A_52 = tpu.memref_slice %arg7[%run_scoped3A_20, %dma_start3A, %dma_start3A_51] : memref<2x128x128xf32, #tpu.memory_space<vmem>> -> memref<1x128x128xf32, #tpu.memory_space<vmem>>
      %dma_start3A_53 = tpu.memref_squeeze %dma_start3A_52 : memref<1x128x128xf32, #tpu.memory_space<vmem>> -> memref<128x128xf32, #tpu.memory_space<vmem>>
      %dma_start3A_54 = arith.constant 0 : i32
      %dma_start3A_55 = tpu.memref_slice %arg8[%add3A_19, %dma_start3A_54] : memref<10240x128xf32, #tpu.memory_space<vmem_shared>> -> memref<128x128xf32, #tpu.memory_space<vmem_shared>>
      %dma_start3A_56 = arith.constant 0 : i32
      %dma_start3A_57 = tpu.memref_slice %arg8[%add3A_19, %dma_start3A_56] : memref<10240x128xf32, #tpu.memory_space<vmem_shared>> -> memref<128x128xf32, #tpu.memory_space<vmem_shared>>
      %dma_start3A_58 = arith.constant 0 : i32
      %dma_start3A_59 = arith.constant 0 : i32
      %dma_start3A_60 = tpu.memref_slice %arg7[%run_scoped3A_20, %dma_start3A_58, %dma_start3A_59] : memref<2x128x128xf32, #tpu.memory_space<vmem>> -> memref<1x128x128xf32, #tpu.memory_space<vmem>>
      %dma_start3A_61 = tpu.memref_squeeze %dma_start3A_60 : memref<1x128x128xf32, #tpu.memory_space<vmem>> -> memref<128x128xf32, #tpu.memory_space<vmem>>
      tpu.enqueue_dma source(%dma_start3A_61 : memref<128x128xf32, #tpu.memory_space<vmem>>) target(%dma_start3A_57 : memref<128x128xf32, #tpu.memory_space<vmem_shared>>) target_semaphore(%run_scoped3A_50 : memref<!tpu.dma_semaphore, #tpu.memory_space<semaphore_mem>>)
      %dma_wait3A = arith.constant 0 : i32
      %dma_wait3A_62 = arith.constant 0 : i32
      %dma_wait3A_63 = tpu.memref_slice %arg7[%run_scoped3A_20, %dma_wait3A, %dma_wait3A_62] : memref<2x128x128xf32, #tpu.memory_space<vmem>> -> memref<1x128x128xf32, #tpu.memory_space<vmem>>
      %dma_wait3A_64 = tpu.memref_squeeze %dma_wait3A_63 : memref<1x128x128xf32, #tpu.memory_space<vmem>> -> memref<128x128xf32, #tpu.memory_space<vmem>>
      %dma_wait3A_65 = arith.constant 0 : i32
      %dma_wait3A_66 = tpu.memref_slice %arg8[%add3A_19, %dma_wait3A_65] : memref<10240x128xf32, #tpu.memory_space<vmem_shared>> -> memref<128x128xf32, #tpu.memory_space<vmem_shared>>
      %dma_wait3A_67 = arith.constant 0 : i32
      %dma_wait3A_68 = tpu.memref_slice %arg8[%add3A_19, %dma_wait3A_67] : memref<10240x128xf32, #tpu.memory_space<vmem_shared>> -> memref<128x128xf32, #tpu.memory_space<vmem_shared>>
      %dma_wait3A_69 = arith.constant 0 : i32
      %dma_wait3A_70 = arith.constant 0 : i32
      %dma_wait3A_71 = tpu.memref_slice %arg7[%run_scoped3A_20, %dma_wait3A_69, %dma_wait3A_70] : memref<2x128x128xf32, #tpu.memory_space<vmem>> -> memref<1x128x128xf32, #tpu.memory_space<vmem>>
      %dma_wait3A_72 = tpu.memref_squeeze %dma_wait3A_71 : memref<1x128x128xf32, #tpu.memory_space<vmem>> -> memref<128x128xf32, #tpu.memory_space<vmem>>
      tpu.wait_dma2 semaphore(%run_scoped3A_50 : memref<!tpu.dma_semaphore, #tpu.memory_space<semaphore_mem>>) src(%dma_wait3A_72 : memref<128x128xf32, #tpu.memory_space<vmem>>) dst(%dma_wait3A_68 : memref<128x128xf32, #tpu.memory_space<vmem_shared>>)
      tpu.yield
    }) : () -> ()
    %mul3A_21 = arith.constant 640 : i32
    %mul3A_22 = arith.muli %arg1, %mul3A_21 : i32
    %add3A_23 = arith.constant 256 : i32
    %add3A_24 = arith.addi %mul3A_22, %add3A_23 : i32
    %run_scoped3A_25 = arith.constant 0 : i32
    "tpu.region"() ({
      %run_scoped3A_50 = tpu.sem_alloc : memref<!tpu.dma_semaphore, #tpu.memory_space<semaphore_mem>>
      %dma_start3A = arith.constant 0 : i32
      %dma_start3A_51 = arith.constant 0 : i32
      %dma_start3A_52 = tpu.memref_slice %arg7[%run_scoped3A_25, %dma_start3A, %dma_start3A_51] : memref<2x128x128xf32, #tpu.memory_space<vmem>> -> memref<1x128x128xf32, #tpu.memory_space<vmem>>
      %dma_start3A_53 = tpu.memref_squeeze %dma_start3A_52 : memref<1x128x128xf32, #tpu.memory_space<vmem>> -> memref<128x128xf32, #tpu.memory_space<vmem>>
      %dma_start3A_54 = arith.constant 0 : i32
      %dma_start3A_55 = tpu.memref_slice %arg8[%add3A_24, %dma_start3A_54] : memref<10240x128xf32, #tpu.memory_space<vmem_shared>> -> memref<128x128xf32, #tpu.memory_space<vmem_shared>>
      %dma_start3A_56 = arith.constant 0 : i32
      %dma_start3A_57 = tpu.memref_slice %arg8[%add3A_24, %dma_start3A_56] : memref<10240x128xf32, #tpu.memory_space<vmem_shared>> -> memref<128x128xf32, #tpu.memory_space<vmem_shared>>
      %dma_start3A_58 = arith.constant 0 : i32
      %dma_start3A_59 = arith.constant 0 : i32
      %dma_start3A_60 = tpu.memref_slice %arg7[%run_scoped3A_25, %dma_start3A_58, %dma_start3A_59] : memref<2x128x128xf32, #tpu.memory_space<vmem>> -> memref<1x128x128xf32, #tpu.memory_space<vmem>>
      %dma_start3A_61 = tpu.memref_squeeze %dma_start3A_60 : memref<1x128x128xf32, #tpu.memory_space<vmem>> -> memref<128x128xf32, #tpu.memory_space<vmem>>
      tpu.enqueue_dma source(%dma_start3A_61 : memref<128x128xf32, #tpu.memory_space<vmem>>) target(%dma_start3A_57 : memref<128x128xf32, #tpu.memory_space<vmem_shared>>) target_semaphore(%run_scoped3A_50 : memref<!tpu.dma_semaphore, #tpu.memory_space<semaphore_mem>>)
      %dma_wait3A = arith.constant 0 : i32
      %dma_wait3A_62 = arith.constant 0 : i32
      %dma_wait3A_63 = tpu.memref_slice %arg7[%run_scoped3A_25, %dma_wait3A, %dma_wait3A_62] : memref<2x128x128xf32, #tpu.memory_space<vmem>> -> memref<1x128x128xf32, #tpu.memory_space<vmem>>
      %dma_wait3A_64 = tpu.memref_squeeze %dma_wait3A_63 : memref<1x128x128xf32, #tpu.memory_space<vmem>> -> memref<128x128xf32, #tpu.memory_space<vmem>>
      %dma_wait3A_65 = arith.constant 0 : i32
      %dma_wait3A_66 = tpu.memref_slice %arg8[%add3A_24, %dma_wait3A_65] : memref<10240x128xf32, #tpu.memory_space<vmem_shared>> -> memref<128x128xf32, #tpu.memory_space<vmem_shared>>
      %dma_wait3A_67 = arith.constant 0 : i32
      %dma_wait3A_68 = tpu.memref_slice %arg8[%add3A_24, %dma_wait3A_67] : memref<10240x128xf32, #tpu.memory_space<vmem_shared>> -> memref<128x128xf32, #tpu.memory_space<vmem_shared>>
      %dma_wait3A_69 = arith.constant 0 : i32
      %dma_wait3A_70 = arith.constant 0 : i32
      %dma_wait3A_71 = tpu.memref_slice %arg7[%run_scoped3A_25, %dma_wait3A_69, %dma_wait3A_70] : memref<2x128x128xf32, #tpu.memory_space<vmem>> -> memref<1x128x128xf32, #tpu.memory_space<vmem>>
      %dma_wait3A_72 = tpu.memref_squeeze %dma_wait3A_71 : memref<1x128x128xf32, #tpu.memory_space<vmem>> -> memref<128x128xf32, #tpu.memory_space<vmem>>
      tpu.wait_dma2 semaphore(%run_scoped3A_50 : memref<!tpu.dma_semaphore, #tpu.memory_space<semaphore_mem>>) src(%dma_wait3A_72 : memref<128x128xf32, #tpu.memory_space<vmem>>) dst(%dma_wait3A_68 : memref<128x128xf32, #tpu.memory_space<vmem_shared>>)
      tpu.yield
    }) : () -> ()
    %mul3A_26 = arith.constant 640 : i32
    %mul3A_27 = arith.muli %arg1, %mul3A_26 : i32
    %add3A_28 = arith.constant 384 : i32
    %add3A_29 = arith.addi %mul3A_27, %add3A_28 : i32
    %run_scoped3A_30 = arith.constant 0 : i32
    "tpu.region"() ({
      %run_scoped3A_50 = tpu.sem_alloc : memref<!tpu.dma_semaphore, #tpu.memory_space<semaphore_mem>>
      %dma_start3A = arith.constant 0 : i32
      %dma_start3A_51 = arith.constant 0 : i32
      %dma_start3A_52 = tpu.memref_slice %arg7[%run_scoped3A_30, %dma_start3A, %dma_start3A_51] : memref<2x128x128xf32, #tpu.memory_space<vmem>> -> memref<1x128x128xf32, #tpu.memory_space<vmem>>
      %dma_start3A_53 = tpu.memref_squeeze %dma_start3A_52 : memref<1x128x128xf32, #tpu.memory_space<vmem>> -> memref<128x128xf32, #tpu.memory_space<vmem>>
      %dma_start3A_54 = arith.constant 0 : i32
      %dma_start3A_55 = tpu.memref_slice %arg8[%add3A_29, %dma_start3A_54] : memref<10240x128xf32, #tpu.memory_space<vmem_shared>> -> memref<128x128xf32, #tpu.memory_space<vmem_shared>>
      %dma_start3A_56 = arith.constant 0 : i32
      %dma_start3A_57 = tpu.memref_slice %arg8[%add3A_29, %dma_start3A_56] : memref<10240x128xf32, #tpu.memory_space<vmem_shared>> -> memref<128x128xf32, #tpu.memory_space<vmem_shared>>
      %dma_start3A_58 = arith.constant 0 : i32
      %dma_start3A_59 = arith.constant 0 : i32
      %dma_start3A_60 = tpu.memref_slice %arg7[%run_scoped3A_30, %dma_start3A_58, %dma_start3A_59] : memref<2x128x128xf32, #tpu.memory_space<vmem>> -> memref<1x128x128xf32, #tpu.memory_space<vmem>>
      %dma_start3A_61 = tpu.memref_squeeze %dma_start3A_60 : memref<1x128x128xf32, #tpu.memory_space<vmem>> -> memref<128x128xf32, #tpu.memory_space<vmem>>
      tpu.enqueue_dma source(%dma_start3A_61 : memref<128x128xf32, #tpu.memory_space<vmem>>) target(%dma_start3A_57 : memref<128x128xf32, #tpu.memory_space<vmem_shared>>) target_semaphore(%run_scoped3A_50 : memref<!tpu.dma_semaphore, #tpu.memory_space<semaphore_mem>>)
      %dma_wait3A = arith.constant 0 : i32
      %dma_wait3A_62 = arith.constant 0 : i32
      %dma_wait3A_63 = tpu.memref_slice %arg7[%run_scoped3A_30, %dma_wait3A, %dma_wait3A_62] : memref<2x128x128xf32, #tpu.memory_space<vmem>> -> memref<1x128x128xf32, #tpu.memory_space<vmem>>
      %dma_wait3A_64 = tpu.memref_squeeze %dma_wait3A_63 : memref<1x128x128xf32, #tpu.memory_space<vmem>> -> memref<128x128xf32, #tpu.memory_space<vmem>>
      %dma_wait3A_65 = arith.constant 0 : i32
      %dma_wait3A_66 = tpu.memref_slice %arg8[%add3A_29, %dma_wait3A_65] : memref<10240x128xf32, #tpu.memory_space<vmem_shared>> -> memref<128x128xf32, #tpu.memory_space<vmem_shared>>
      %dma_wait3A_67 = arith.constant 0 : i32
      %dma_wait3A_68 = tpu.memref_slice %arg8[%add3A_29, %dma_wait3A_67] : memref<10240x128xf32, #tpu.memory_space<vmem_shared>> -> memref<128x128xf32, #tpu.memory_space<vmem_shared>>
      %dma_wait3A_69 = arith.constant 0 : i32
      %dma_wait3A_70 = arith.constant 0 : i32
      %dma_wait3A_71 = tpu.memref_slice %arg7[%run_scoped3A_30, %dma_wait3A_69, %dma_wait3A_70] : memref<2x128x128xf32, #tpu.memory_space<vmem>> -> memref<1x128x128xf32, #tpu.memory_space<vmem>>
      %dma_wait3A_72 = tpu.memref_squeeze %dma_wait3A_71 : memref<1x128x128xf32, #tpu.memory_space<vmem>> -> memref<128x128xf32, #tpu.memory_space<vmem>>
      tpu.wait_dma2 semaphore(%run_scoped3A_50 : memref<!tpu.dma_semaphore, #tpu.memory_space<semaphore_mem>>) src(%dma_wait3A_72 : memref<128x128xf32, #tpu.memory_space<vmem>>) dst(%dma_wait3A_68 : memref<128x128xf32, #tpu.memory_space<vmem_shared>>)
      tpu.yield
    }) : () -> ()
    %mul3A_31 = arith.constant 640 : i32
    %mul3A_32 = arith.muli %arg1, %mul3A_31 : i32
    %add3A_33 = arith.constant 512 : i32
    %add3A_34 = arith.addi %mul3A_32, %add3A_33 : i32
    %run_scoped3A_35 = arith.constant 0 : i32
    "tpu.region"() ({
      %run_scoped3A_50 = tpu.sem_alloc : memref<!tpu.dma_semaphore, #tpu.memory_space<semaphore_mem>>
      %dma_start3A = arith.constant 0 : i32
      %dma_start3A_51 = arith.constant 0 : i32
      %dma_start3A_52 = tpu.memref_slice %arg7[%run_scoped3A_35, %dma_start3A, %dma_start3A_51] : memref<2x128x128xf32, #tpu.memory_space<vmem>> -> memref<1x128x128xf32, #tpu.memory_space<vmem>>
      %dma_start3A_53 = tpu.memref_squeeze %dma_start3A_52 : memref<1x128x128xf32, #tpu.memory_space<vmem>> -> memref<128x128xf32, #tpu.memory_space<vmem>>
      %dma_start3A_54 = arith.constant 0 : i32
      %dma_start3A_55 = tpu.memref_slice %arg8[%add3A_34, %dma_start3A_54] : memref<10240x128xf32, #tpu.memory_space<vmem_shared>> -> memref<128x128xf32, #tpu.memory_space<vmem_shared>>
      %dma_start3A_56 = arith.constant 0 : i32
      %dma_start3A_57 = tpu.memref_slice %arg8[%add3A_34, %dma_start3A_56] : memref<10240x128xf32, #tpu.memory_space<vmem_shared>> -> memref<128x128xf32, #tpu.memory_space<vmem_shared>>
      %dma_start3A_58 = arith.constant 0 : i32
      %dma_start3A_59 = arith.constant 0 : i32
      %dma_start3A_60 = tpu.memref_slice %arg7[%run_scoped3A_35, %dma_start3A_58, %dma_start3A_59] : memref<2x128x128xf32, #tpu.memory_space<vmem>> -> memref<1x128x128xf32, #tpu.memory_space<vmem>>
      %dma_start3A_61 = tpu.memref_squeeze %dma_start3A_60 : memref<1x128x128xf32, #tpu.memory_space<vmem>> -> memref<128x128xf32, #tpu.memory_space<vmem>>
      tpu.enqueue_dma source(%dma_start3A_61 : memref<128x128xf32, #tpu.memory_space<vmem>>) target(%dma_start3A_57 : memref<128x128xf32, #tpu.memory_space<vmem_shared>>) target_semaphore(%run_scoped3A_50 : memref<!tpu.dma_semaphore, #tpu.memory_space<semaphore_mem>>)
      %dma_wait3A = arith.constant 0 : i32
      %dma_wait3A_62 = arith.constant 0 : i32
      %dma_wait3A_63 = tpu.memref_slice %arg7[%run_scoped3A_35, %dma_wait3A, %dma_wait3A_62] : memref<2x128x128xf32, #tpu.memory_space<vmem>> -> memref<1x128x128xf32, #tpu.memory_space<vmem>>
      %dma_wait3A_64 = tpu.memref_squeeze %dma_wait3A_63 : memref<1x128x128xf32, #tpu.memory_space<vmem>> -> memref<128x128xf32, #tpu.memory_space<vmem>>
      %dma_wait3A_65 = arith.constant 0 : i32
      %dma_wait3A_66 = tpu.memref_slice %arg8[%add3A_34, %dma_wait3A_65] : memref<10240x128xf32, #tpu.memory_space<vmem_shared>> -> memref<128x128xf32, #tpu.memory_space<vmem_shared>>
      %dma_wait3A_67 = arith.constant 0 : i32
      %dma_wait3A_68 = tpu.memref_slice %arg8[%add3A_34, %dma_wait3A_67] : memref<10240x128xf32, #tpu.memory_space<vmem_shared>> -> memref<128x128xf32, #tpu.memory_space<vmem_shared>>
      %dma_wait3A_69 = arith.constant 0 : i32
      %dma_wait3A_70 = arith.constant 0 : i32
      %dma_wait3A_71 = tpu.memref_slice %arg7[%run_scoped3A_35, %dma_wait3A_69, %dma_wait3A_70] : memref<2x128x128xf32, #tpu.memory_space<vmem>> -> memref<1x128x128xf32, #tpu.memory_space<vmem>>
      %dma_wait3A_72 = tpu.memref_squeeze %dma_wait3A_71 : memref<1x128x128xf32, #tpu.memory_space<vmem>> -> memref<128x128xf32, #tpu.memory_space<vmem>>
      tpu.wait_dma2 semaphore(%run_scoped3A_50 : memref<!tpu.dma_semaphore, #tpu.memory_space<semaphore_mem>>) src(%dma_wait3A_72 : memref<128x128xf32, #tpu.memory_space<vmem>>) dst(%dma_wait3A_68 : memref<128x128xf32, #tpu.memory_space<vmem_shared>>)
      tpu.yield
    }) : () -> ()
    %barrier3A = arith.constant 0 : index
    tpu.barrier barrier_id(%barrier3A)
    %while3A = arith.constant 0 : i32
    %while3A_36 = arith.constant 0 : i32
    %while3A_37 = arith.subi %select_n3A, %while3A_36 : i32
    %while3A_38 = arith.addi %while3A_36, %while3A_37 : i32
    %while3A_39 = arith.constant 1 : i32
    %while3A_40 = arith.divsi %while3A_37, %while3A_39 : i32
    %while3A_41 = arith.muli %while3A_40, %while3A_39 : i32
    %while3A_42 = arith.addi %while3A_36, %while3A_41 : i32
    %while3A_43 = arith.constant 1 : i32
    scf.for %while3A_50 = %while3A_36 to %while3A_42 step %while3A_43  : i32 {
      %mul3A_51 = arith.constant 40 : i32
      %mul3A_52 = arith.muli %while3A_50, %mul3A_51 : i32
      %add3A_53 = arith.addi %select_n3A_6, %mul3A_52 : i32
      %run_scoped3A_54 = arith.constant 0 : i32
      "tpu.region"() ({
        %run_scoped3A_108 = tpu.sem_alloc : memref<!tpu.dma_semaphore, #tpu.memory_space<semaphore_mem>>
        %dma_start3A_109 = arith.constant 0 : i32
        %dma_start3A_110 = tpu.memref_slice %arg3[%run_scoped3A_54, %add3A_53, %dma_start3A_109] : memref<2x2560x128xi32, #tpu.memory_space<hbm>> -> memref<1x40x128xi32, #tpu.memory_space<hbm>>
        %dma_start3A_111 = tpu.memref_squeeze %dma_start3A_110 : memref<1x40x128xi32, #tpu.memory_space<hbm>> -> memref<40x128xi32, #tpu.memory_space<hbm>>
        %dma_start3A_112 = arith.constant 0 : i32
        %dma_start3A_113 = tpu.memref_slice %arg3[%run_scoped3A_54, %add3A_53, %dma_start3A_112] : memref<2x2560x128xi32, #tpu.memory_space<hbm>> -> memref<1x40x128xi32, #tpu.memory_space<hbm>>
        %dma_start3A_114 = tpu.memref_squeeze %dma_start3A_113 : memref<1x40x128xi32, #tpu.memory_space<hbm>> -> memref<40x128xi32, #tpu.memory_space<hbm>>
        tpu.enqueue_dma source(%dma_start3A_114 : memref<40x128xi32, #tpu.memory_space<hbm>>) target(%arg5 : memref<40x128xi32, #tpu.memory_space<vmem>>) target_semaphore(%run_scoped3A_108 : memref<!tpu.dma_semaphore, #tpu.memory_space<semaphore_mem>>)
        %dma_wait3A_115 = arith.constant 0 : i32
        %dma_wait3A_116 = tpu.memref_slice %arg3[%run_scoped3A_54, %add3A_53, %dma_wait3A_115] : memref<2x2560x128xi32, #tpu.memory_space<hbm>> -> memref<1x40x128xi32, #tpu.memory_space<hbm>>
        %dma_wait3A_117 = tpu.memref_squeeze %dma_wait3A_116 : memref<1x40x128xi32, #tpu.memory_space<hbm>> -> memref<40x128xi32, #tpu.memory_space<hbm>>
        %dma_wait3A_118 = arith.constant 0 : i32
        %dma_wait3A_119 = tpu.memref_slice %arg3[%run_scoped3A_54, %add3A_53, %dma_wait3A_118] : memref<2x2560x128xi32, #tpu.memory_space<hbm>> -> memref<1x40x128xi32, #tpu.memory_space<hbm>>
        %dma_wait3A_120 = tpu.memref_squeeze %dma_wait3A_119 : memref<1x40x128xi32, #tpu.memory_space<hbm>> -> memref<40x128xi32, #tpu.memory_space<hbm>>
        tpu.wait_dma2 semaphore(%run_scoped3A_108 : memref<!tpu.dma_semaphore, #tpu.memory_space<semaphore_mem>>) src(%dma_wait3A_120 : memref<40x128xi32, #tpu.memory_space<hbm>>) dst(%arg5 : memref<40x128xi32, #tpu.memory_space<vmem>>)
        tpu.yield
      }) : () -> ()
      %run_scoped3A_55 = arith.constant 1 : i32
      "tpu.region"() ({
        %run_scoped3A_108 = tpu.sem_alloc : memref<!tpu.dma_semaphore, #tpu.memory_space<semaphore_mem>>
        %dma_start3A_109 = arith.constant 0 : i32
        %dma_start3A_110 = tpu.memref_slice %arg3[%run_scoped3A_55, %add3A_53, %dma_start3A_109] : memref<2x2560x128xi32, #tpu.memory_space<hbm>> -> memref<1x40x128xi32, #tpu.memory_space<hbm>>
        %dma_start3A_111 = tpu.memref_squeeze %dma_start3A_110 : memref<1x40x128xi32, #tpu.memory_space<hbm>> -> memref<40x128xi32, #tpu.memory_space<hbm>>
        %dma_start3A_112 = arith.constant 0 : i32
        %dma_start3A_113 = tpu.memref_slice %arg3[%run_scoped3A_55, %add3A_53, %dma_start3A_112] : memref<2x2560x128xi32, #tpu.memory_space<hbm>> -> memref<1x40x128xi32, #tpu.memory_space<hbm>>
        %dma_start3A_114 = tpu.memref_squeeze %dma_start3A_113 : memref<1x40x128xi32, #tpu.memory_space<hbm>> -> memref<40x128xi32, #tpu.memory_space<hbm>>
        tpu.enqueue_dma source(%dma_start3A_114 : memref<40x128xi32, #tpu.memory_space<hbm>>) target(%arg6 : memref<40x128xi32, #tpu.memory_space<vmem>>) target_semaphore(%run_scoped3A_108 : memref<!tpu.dma_semaphore, #tpu.memory_space<semaphore_mem>>)
        %dma_wait3A_115 = arith.constant 0 : i32
        %dma_wait3A_116 = tpu.memref_slice %arg3[%run_scoped3A_55, %add3A_53, %dma_wait3A_115] : memref<2x2560x128xi32, #tpu.memory_space<hbm>> -> memref<1x40x128xi32, #tpu.memory_space<hbm>>
        %dma_wait3A_117 = tpu.memref_squeeze %dma_wait3A_116 : memref<1x40x128xi32, #tpu.memory_space<hbm>> -> memref<40x128xi32, #tpu.memory_space<hbm>>
        %dma_wait3A_118 = arith.constant 0 : i32
        %dma_wait3A_119 = tpu.memref_slice %arg3[%run_scoped3A_55, %add3A_53, %dma_wait3A_118] : memref<2x2560x128xi32, #tpu.memory_space<hbm>> -> memref<1x40x128xi32, #tpu.memory_space<hbm>>
        %dma_wait3A_120 = tpu.memref_squeeze %dma_wait3A_119 : memref<1x40x128xi32, #tpu.memory_space<hbm>> -> memref<40x128xi32, #tpu.memory_space<hbm>>
        tpu.wait_dma2 semaphore(%run_scoped3A_108 : memref<!tpu.dma_semaphore, #tpu.memory_space<semaphore_mem>>) src(%dma_wait3A_120 : memref<40x128xi32, #tpu.memory_space<hbm>>) dst(%arg6 : memref<40x128xi32, #tpu.memory_space<vmem>>)
        tpu.yield
      }) : () -> ()
      %dma_start3A = arith.constant 0 : i32
      %dma_start3A_56 = arith.constant 0 : i32
      %dma_start3A_57 = arith.constant 0 : i32
      %dma_start3A_58 = arith.constant 0 : i32
      %dma_start3A_59 = tpu.memref_slice %arg7[%dma_start3A_56, %dma_start3A_57, %dma_start3A_58] : memref<2x128x128xf32, #tpu.memory_space<vmem>> -> memref<1x128x128xf32, #tpu.memory_space<vmem>>
      %dma_start3A_60 = tpu.memref_squeeze %dma_start3A_59 : memref<1x128x128xf32, #tpu.memory_space<vmem>> -> memref<128x128xf32, #tpu.memory_space<vmem>>
      %dma_start3A_61 = arith.constant 0 : i32
      %dma_start3A_62 = tpu.memref_slice %arg5[%dma_start3A, %dma_start3A_61] : memref<40x128xi32, #tpu.memory_space<vmem>> -> memref<1x128xi32, #tpu.memory_space<vmem>>
      %dma_start3A_63 = tpu.memref_squeeze %dma_start3A_62 : memref<1x128xi32, #tpu.memory_space<vmem>> -> memref<128xi32, #tpu.memory_space<vmem>>
      %dma_start3A_64 = arith.constant 0 : i32
      %dma_start3A_65 = arith.constant 0 : i32
      %dma_start3A_66 = tpu.memref_slice %arg2[%dma_start3A_64, %dma_start3A_65] : memref<10240x128xf32, #tpu.memory_space<hbm>> -> memref<10240x128xf32, #tpu.memory_space<hbm>>
      tpu.enqueue_indirect_dma source(%dma_start3A_66 : memref<10240x128xf32, #tpu.memory_space<hbm>>) target(%dma_start3A_60 : memref<128x128xf32, #tpu.memory_space<vmem>>) offsets(%dma_start3A_63 : memref<128xi32, #tpu.memory_space<vmem>>) semaphore(%arg9 : memref<!tpu.dma_semaphore, #tpu.memory_space<semaphore_mem>>)
      %dma_start3A_67 = arith.constant 1 : i32
      %dma_start3A_68 = arith.constant 1 : i32
      %dma_start3A_69 = arith.constant 0 : i32
      %dma_start3A_70 = arith.constant 0 : i32
      %dma_start3A_71 = tpu.memref_slice %arg7[%dma_start3A_68, %dma_start3A_69, %dma_start3A_70] : memref<2x128x128xf32, #tpu.memory_space<vmem>> -> memref<1x128x128xf32, #tpu.memory_space<vmem>>
      %dma_start3A_72 = tpu.memref_squeeze %dma_start3A_71 : memref<1x128x128xf32, #tpu.memory_space<vmem>> -> memref<128x128xf32, #tpu.memory_space<vmem>>
      %dma_start3A_73 = arith.constant 0 : i32
      %dma_start3A_74 = tpu.memref_slice %arg5[%dma_start3A_67, %dma_start3A_73] : memref<40x128xi32, #tpu.memory_space<vmem>> -> memref<1x128xi32, #tpu.memory_space<vmem>>
      %dma_start3A_75 = tpu.memref_squeeze %dma_start3A_74 : memref<1x128xi32, #tpu.memory_space<vmem>> -> memref<128xi32, #tpu.memory_space<vmem>>
      %dma_start3A_76 = arith.constant 0 : i32
      %dma_start3A_77 = arith.constant 0 : i32
      %dma_start3A_78 = tpu.memref_slice %arg2[%dma_start3A_76, %dma_start3A_77] : memref<10240x128xf32, #tpu.memory_space<hbm>> -> memref<10240x128xf32, #tpu.memory_space<hbm>>
      tpu.enqueue_indirect_dma source(%dma_start3A_78 : memref<10240x128xf32, #tpu.memory_space<hbm>>) target(%dma_start3A_72 : memref<128x128xf32, #tpu.memory_space<vmem>>) offsets(%dma_start3A_75 : memref<128xi32, #tpu.memory_space<vmem>>) semaphore(%arg10 : memref<!tpu.dma_semaphore, #tpu.memory_space<semaphore_mem>>)
      %scan3A_79 = arith.constant 0 : i32
      %scan3A_80 = arith.constant 0 : i32
      %scan3A_81 = arith.constant 20 : i32
      %scan3A_82 = arith.addi %scan3A_80, %scan3A_81 : i32
      %scan3A_83 = arith.constant 1 : i32
      scf.for %scan3A_108 = %scan3A_80 to %scan3A_82 step %scan3A_83  : i32 {
        %mul3A_109 = arith.constant 2 : i32
        %mul3A_110 = arith.muli %scan3A_108, %mul3A_109 : i32
        %add3A_111 = arith.constant 0 : i32
        %add3A_112 = arith.addi %mul3A_110, %add3A_111 : i32
        %dma_wait3A_113 = arith.constant 0 : i32
        %dma_wait3A_114 = arith.constant 0 : i32
        %dma_wait3A_115 = arith.constant 0 : i32
        %dma_wait3A_116 = tpu.memref_slice %arg7[%dma_wait3A_113, %dma_wait3A_114, %dma_wait3A_115] : memref<2x128x128xf32, #tpu.memory_space<vmem>> -> memref<1x128x128xf32, #tpu.memory_space<vmem>>
        %dma_wait3A_117 = tpu.memref_squeeze %dma_wait3A_116 : memref<1x128x128xf32, #tpu.memory_space<vmem>> -> memref<128x128xf32, #tpu.memory_space<vmem>>
        %dma_wait3A_118 = arith.constant 0 : i32
        %dma_wait3A_119 = tpu.memref_slice %arg5[%add3A_112, %dma_wait3A_118] : memref<40x128xi32, #tpu.memory_space<vmem>> -> memref<1x128xi32, #tpu.memory_space<vmem>>
        %dma_wait3A_120 = tpu.memref_squeeze %dma_wait3A_119 : memref<1x128xi32, #tpu.memory_space<vmem>> -> memref<128xi32, #tpu.memory_space<vmem>>
        %dma_wait3A_121 = arith.constant 0 : i32
        %dma_wait3A_122 = arith.constant 0 : i32
        %dma_wait3A_123 = tpu.memref_slice %arg2[%dma_wait3A_121, %dma_wait3A_122] : memref<10240x128xf32, #tpu.memory_space<hbm>> -> memref<10240x128xf32, #tpu.memory_space<hbm>>
        tpu.wait_indirect_dma semaphore(%arg9 : memref<!tpu.dma_semaphore, #tpu.memory_space<semaphore_mem>>) src(%dma_wait3A_123 : memref<10240x128xf32, #tpu.memory_space<hbm>>) dst(%dma_wait3A_117 : memref<128x128xf32, #tpu.memory_space<vmem>>)
        %dma_start3A_124 = arith.constant 0 : i32
        %dma_start3A_125 = arith.constant 0 : i32
        %dma_start3A_126 = arith.constant 0 : i32
        %dma_start3A_127 = tpu.memref_slice %arg7[%dma_start3A_124, %dma_start3A_125, %dma_start3A_126] : memref<2x128x128xf32, #tpu.memory_space<vmem>> -> memref<1x128x128xf32, #tpu.memory_space<vmem>>
        %dma_start3A_128 = tpu.memref_squeeze %dma_start3A_127 : memref<1x128x128xf32, #tpu.memory_space<vmem>> -> memref<128x128xf32, #tpu.memory_space<vmem>>
        %dma_start3A_129 = arith.constant 0 : i32
        %dma_start3A_130 = tpu.memref_slice %arg6[%add3A_112, %dma_start3A_129] : memref<40x128xi32, #tpu.memory_space<vmem>> -> memref<1x128xi32, #tpu.memory_space<vmem>>
        %dma_start3A_131 = tpu.memref_squeeze %dma_start3A_130 : memref<1x128xi32, #tpu.memory_space<vmem>> -> memref<128xi32, #tpu.memory_space<vmem>>
        %dma_start3A_132 = arith.constant 0 : i32
        %dma_start3A_133 = arith.constant 0 : i32
        %dma_start3A_134 = tpu.memref_slice %arg8[%dma_start3A_132, %dma_start3A_133] : memref<10240x128xf32, #tpu.memory_space<vmem_shared>> -> memref<10240x128xf32, #tpu.memory_space<vmem_shared>>
        tpu.enqueue_indirect_dma source(%dma_start3A_128 : memref<128x128xf32, #tpu.memory_space<vmem>>) target(%dma_start3A_134 : memref<10240x128xf32, #tpu.memory_space<vmem_shared>>) offsets(%dma_start3A_131 : memref<128xi32, #tpu.memory_space<vmem>>) semaphore(%arg11 : memref<!tpu.dma_semaphore, #tpu.memory_space<semaphore_mem>>) {add = true}
        %mul3A_135 = arith.constant 2 : i32
        %mul3A_136 = arith.muli %scan3A_108, %mul3A_135 : i32
        %add3A_137 = arith.constant 1 : i32
        %add3A_138 = arith.addi %mul3A_136, %add3A_137 : i32
        %dma_wait3A_139 = arith.constant 1 : i32
        %dma_wait3A_140 = arith.constant 0 : i32
        %dma_wait3A_141 = arith.constant 0 : i32
        %dma_wait3A_142 = tpu.memref_slice %arg7[%dma_wait3A_139, %dma_wait3A_140, %dma_wait3A_141] : memref<2x128x128xf32, #tpu.memory_space<vmem>> -> memref<1x128x128xf32, #tpu.memory_space<vmem>>
        %dma_wait3A_143 = tpu.memref_squeeze %dma_wait3A_142 : memref<1x128x128xf32, #tpu.memory_space<vmem>> -> memref<128x128xf32, #tpu.memory_space<vmem>>
        %dma_wait3A_144 = arith.constant 0 : i32
        %dma_wait3A_145 = tpu.memref_slice %arg5[%add3A_138, %dma_wait3A_144] : memref<40x128xi32, #tpu.memory_space<vmem>> -> memref<1x128xi32, #tpu.memory_space<vmem>>
        %dma_wait3A_146 = tpu.memref_squeeze %dma_wait3A_145 : memref<1x128xi32, #tpu.memory_space<vmem>> -> memref<128xi32, #tpu.memory_space<vmem>>
        %dma_wait3A_147 = arith.constant 0 : i32
        %dma_wait3A_148 = arith.constant 0 : i32
        %dma_wait3A_149 = tpu.memref_slice %arg2[%dma_wait3A_147, %dma_wait3A_148] : memref<10240x128xf32, #tpu.memory_space<hbm>> -> memref<10240x128xf32, #tpu.memory_space<hbm>>
        tpu.wait_indirect_dma semaphore(%arg10 : memref<!tpu.dma_semaphore, #tpu.memory_space<semaphore_mem>>) src(%dma_wait3A_149 : memref<10240x128xf32, #tpu.memory_space<hbm>>) dst(%dma_wait3A_143 : memref<128x128xf32, #tpu.memory_space<vmem>>)
        %dma_start3A_150 = arith.constant 1 : i32
        %dma_start3A_151 = arith.constant 0 : i32
        %dma_start3A_152 = arith.constant 0 : i32
        %dma_start3A_153 = tpu.memref_slice %arg7[%dma_start3A_150, %dma_start3A_151, %dma_start3A_152] : memref<2x128x128xf32, #tpu.memory_space<vmem>> -> memref<1x128x128xf32, #tpu.memory_space<vmem>>
        %dma_start3A_154 = tpu.memref_squeeze %dma_start3A_153 : memref<1x128x128xf32, #tpu.memory_space<vmem>> -> memref<128x128xf32, #tpu.memory_space<vmem>>
        %dma_start3A_155 = arith.constant 0 : i32
        %dma_start3A_156 = tpu.memref_slice %arg6[%add3A_138, %dma_start3A_155] : memref<40x128xi32, #tpu.memory_space<vmem>> -> memref<1x128xi32, #tpu.memory_space<vmem>>
        %dma_start3A_157 = tpu.memref_squeeze %dma_start3A_156 : memref<1x128xi32, #tpu.memory_space<vmem>> -> memref<128xi32, #tpu.memory_space<vmem>>
        %dma_start3A_158 = arith.constant 0 : i32
        %dma_start3A_159 = arith.constant 0 : i32
        %dma_start3A_160 = tpu.memref_slice %arg8[%dma_start3A_158, %dma_start3A_159] : memref<10240x128xf32, #tpu.memory_space<vmem_shared>> -> memref<10240x128xf32, #tpu.memory_space<vmem_shared>>
        tpu.enqueue_indirect_dma source(%dma_start3A_154 : memref<128x128xf32, #tpu.memory_space<vmem>>) target(%dma_start3A_160 : memref<10240x128xf32, #tpu.memory_space<vmem_shared>>) offsets(%dma_start3A_157 : memref<128xi32, #tpu.memory_space<vmem>>) semaphore(%arg12 : memref<!tpu.dma_semaphore, #tpu.memory_space<semaphore_mem>>) {add = true}
        %mul3A_161 = arith.constant 2 : i32
        %mul3A_162 = arith.muli %scan3A_108, %mul3A_161 : i32
        %add3A_163 = arith.constant 0 : i32
        %add3A_164 = arith.addi %mul3A_162, %add3A_163 : i32
        %lt3A = arith.constant 19 : i32
        %lt3A_165 = arith.cmpi slt, %scan3A_108, %lt3A : i32
        %convert_element_type3A = arith.extui %lt3A_165 : i1 to i32
        %cond3A = arith.constant 0 : i32
        %cond3A_166 = arith.cmpi ne, %convert_element_type3A, %cond3A : i32
        scf.if %cond3A_166 {
          %dma_wait3A_176 = arith.constant 0 : i32
          %dma_wait3A_177 = arith.constant 0 : i32
          %dma_wait3A_178 = arith.constant 0 : i32
          %dma_wait3A_179 = tpu.memref_slice %arg7[%dma_wait3A_176, %dma_wait3A_177, %dma_wait3A_178] : memref<2x128x128xf32, #tpu.memory_space<vmem>> -> memref<1x128x128xf32, #tpu.memory_space<vmem>>
          %dma_wait3A_180 = tpu.memref_squeeze %dma_wait3A_179 : memref<1x128x128xf32, #tpu.memory_space<vmem>> -> memref<128x128xf32, #tpu.memory_space<vmem>>
          %dma_wait3A_181 = arith.constant 0 : i32
          %dma_wait3A_182 = tpu.memref_slice %arg6[%add3A_164, %dma_wait3A_181] : memref<40x128xi32, #tpu.memory_space<vmem>> -> memref<1x128xi32, #tpu.memory_space<vmem>>
          %dma_wait3A_183 = tpu.memref_squeeze %dma_wait3A_182 : memref<1x128xi32, #tpu.memory_space<vmem>> -> memref<128xi32, #tpu.memory_space<vmem>>
          %dma_wait3A_184 = arith.constant 0 : i32
          %dma_wait3A_185 = arith.constant 0 : i32
          %dma_wait3A_186 = tpu.memref_slice %arg8[%dma_wait3A_184, %dma_wait3A_185] : memref<10240x128xf32, #tpu.memory_space<vmem_shared>> -> memref<10240x128xf32, #tpu.memory_space<vmem_shared>>
          tpu.wait_indirect_dma semaphore(%arg11 : memref<!tpu.dma_semaphore, #tpu.memory_space<semaphore_mem>>) src(%dma_wait3A_180 : memref<128x128xf32, #tpu.memory_space<vmem>>) dst(%dma_wait3A_186 : memref<10240x128xf32, #tpu.memory_space<vmem_shared>>)
          %add3A_187 = arith.constant 2 : i32
          %add3A_188 = arith.addi %add3A_164, %add3A_187 : i32
          %dma_start3A_189 = arith.constant 0 : i32
          %dma_start3A_190 = arith.constant 0 : i32
          %dma_start3A_191 = arith.constant 0 : i32
          %dma_start3A_192 = tpu.memref_slice %arg7[%dma_start3A_189, %dma_start3A_190, %dma_start3A_191] : memref<2x128x128xf32, #tpu.memory_space<vmem>> -> memref<1x128x128xf32, #tpu.memory_space<vmem>>
          %dma_start3A_193 = tpu.memref_squeeze %dma_start3A_192 : memref<1x128x128xf32, #tpu.memory_space<vmem>> -> memref<128x128xf32, #tpu.memory_space<vmem>>
          %dma_start3A_194 = arith.constant 0 : i32
          %dma_start3A_195 = tpu.memref_slice %arg5[%add3A_188, %dma_start3A_194] : memref<40x128xi32, #tpu.memory_space<vmem>> -> memref<1x128xi32, #tpu.memory_space<vmem>>
          %dma_start3A_196 = tpu.memref_squeeze %dma_start3A_195 : memref<1x128xi32, #tpu.memory_space<vmem>> -> memref<128xi32, #tpu.memory_space<vmem>>
          %dma_start3A_197 = arith.constant 0 : i32
          %dma_start3A_198 = arith.constant 0 : i32
          %dma_start3A_199 = tpu.memref_slice %arg2[%dma_start3A_197, %dma_start3A_198] : memref<10240x128xf32, #tpu.memory_space<hbm>> -> memref<10240x128xf32, #tpu.memory_space<hbm>>
          tpu.enqueue_indirect_dma source(%dma_start3A_199 : memref<10240x128xf32, #tpu.memory_space<hbm>>) target(%dma_start3A_193 : memref<128x128xf32, #tpu.memory_space<vmem>>) offsets(%dma_start3A_196 : memref<128xi32, #tpu.memory_space<vmem>>) semaphore(%arg9 : memref<!tpu.dma_semaphore, #tpu.memory_space<semaphore_mem>>)
        } else {
        }
        %mul3A_167 = arith.constant 2 : i32
        %mul3A_168 = arith.muli %scan3A_108, %mul3A_167 : i32
        %add3A_169 = arith.constant 1 : i32
        %add3A_170 = arith.addi %mul3A_168, %add3A_169 : i32
        %lt3A_171 = arith.constant 19 : i32
        %lt3A_172 = arith.cmpi slt, %scan3A_108, %lt3A_171 : i32
        %convert_element_type3A_173 = arith.extui %lt3A_172 : i1 to i32
        %cond3A_174 = arith.constant 0 : i32
        %cond3A_175 = arith.cmpi ne, %convert_element_type3A_173, %cond3A_174 : i32
        scf.if %cond3A_175 {
          %dma_wait3A_176 = arith.constant 1 : i32
          %dma_wait3A_177 = arith.constant 0 : i32
          %dma_wait3A_178 = arith.constant 0 : i32
          %dma_wait3A_179 = tpu.memref_slice %arg7[%dma_wait3A_176, %dma_wait3A_177, %dma_wait3A_178] : memref<2x128x128xf32, #tpu.memory_space<vmem>> -> memref<1x128x128xf32, #tpu.memory_space<vmem>>
          %dma_wait3A_180 = tpu.memref_squeeze %dma_wait3A_179 : memref<1x128x128xf32, #tpu.memory_space<vmem>> -> memref<128x128xf32, #tpu.memory_space<vmem>>
          %dma_wait3A_181 = arith.constant 0 : i32
          %dma_wait3A_182 = tpu.memref_slice %arg6[%add3A_170, %dma_wait3A_181] : memref<40x128xi32, #tpu.memory_space<vmem>> -> memref<1x128xi32, #tpu.memory_space<vmem>>
          %dma_wait3A_183 = tpu.memref_squeeze %dma_wait3A_182 : memref<1x128xi32, #tpu.memory_space<vmem>> -> memref<128xi32, #tpu.memory_space<vmem>>
          %dma_wait3A_184 = arith.constant 0 : i32
          %dma_wait3A_185 = arith.constant 0 : i32
          %dma_wait3A_186 = tpu.memref_slice %arg8[%dma_wait3A_184, %dma_wait3A_185] : memref<10240x128xf32, #tpu.memory_space<vmem_shared>> -> memref<10240x128xf32, #tpu.memory_space<vmem_shared>>
          tpu.wait_indirect_dma semaphore(%arg12 : memref<!tpu.dma_semaphore, #tpu.memory_space<semaphore_mem>>) src(%dma_wait3A_180 : memref<128x128xf32, #tpu.memory_space<vmem>>) dst(%dma_wait3A_186 : memref<10240x128xf32, #tpu.memory_space<vmem_shared>>)
          %add3A_187 = arith.constant 2 : i32
          %add3A_188 = arith.addi %add3A_170, %add3A_187 : i32
          %dma_start3A_189 = arith.constant 1 : i32
          %dma_start3A_190 = arith.constant 0 : i32
          %dma_start3A_191 = arith.constant 0 : i32
          %dma_start3A_192 = tpu.memref_slice %arg7[%dma_start3A_189, %dma_start3A_190, %dma_start3A_191] : memref<2x128x128xf32, #tpu.memory_space<vmem>> -> memref<1x128x128xf32, #tpu.memory_space<vmem>>
          %dma_start3A_193 = tpu.memref_squeeze %dma_start3A_192 : memref<1x128x128xf32, #tpu.memory_space<vmem>> -> memref<128x128xf32, #tpu.memory_space<vmem>>
          %dma_start3A_194 = arith.constant 0 : i32
          %dma_start3A_195 = tpu.memref_slice %arg5[%add3A_188, %dma_start3A_194] : memref<40x128xi32, #tpu.memory_space<vmem>> -> memref<1x128xi32, #tpu.memory_space<vmem>>
          %dma_start3A_196 = tpu.memref_squeeze %dma_start3A_195 : memref<1x128xi32, #tpu.memory_space<vmem>> -> memref<128xi32, #tpu.memory_space<vmem>>
          %dma_start3A_197 = arith.constant 0 : i32
          %dma_start3A_198 = arith.constant 0 : i32
          %dma_start3A_199 = tpu.memref_slice %arg2[%dma_start3A_197, %dma_start3A_198] : memref<10240x128xf32, #tpu.memory_space<hbm>> -> memref<10240x128xf32, #tpu.memory_space<hbm>>
          tpu.enqueue_indirect_dma source(%dma_start3A_199 : memref<10240x128xf32, #tpu.memory_space<hbm>>) target(%dma_start3A_193 : memref<128x128xf32, #tpu.memory_space<vmem>>) offsets(%dma_start3A_196 : memref<128xi32, #tpu.memory_space<vmem>>) semaphore(%arg10 : memref<!tpu.dma_semaphore, #tpu.memory_space<semaphore_mem>>)
        } else {
        }
      }
      %scan3A_84 = arith.constant 20 : i32
      %dma_wait3A = arith.constant 0 : i32
      %dma_wait3A_85 = arith.constant 38 : i32
      %dma_wait3A_86 = arith.constant 0 : i32
      %dma_wait3A_87 = arith.constant 0 : i32
      %dma_wait3A_88 = tpu.memref_slice %arg7[%dma_wait3A, %dma_wait3A_86, %dma_wait3A_87] : memref<2x128x128xf32, #tpu.memory_space<vmem>> -> memref<1x128x128xf32, #tpu.memory_space<vmem>>
      %dma_wait3A_89 = tpu.memref_squeeze %dma_wait3A_88 : memref<1x128x128xf32, #tpu.memory_space<vmem>> -> memref<128x128xf32, #tpu.memory_space<vmem>>
      %dma_wait3A_90 = arith.constant 0 : i32
      %dma_wait3A_91 = tpu.memref_slice %arg6[%dma_wait3A_85, %dma_wait3A_90] : memref<40x128xi32, #tpu.memory_space<vmem>> -> memref<1x128xi32, #tpu.memory_space<vmem>>
      %dma_wait3A_92 = tpu.memref_squeeze %dma_wait3A_91 : memref<1x128xi32, #tpu.memory_space<vmem>> -> memref<128xi32, #tpu.memory_space<vmem>>
      %dma_wait3A_93 = arith.constant 0 : i32
      %dma_wait3A_94 = arith.constant 0 : i32
      %dma_wait3A_95 = tpu.memref_slice %arg8[%dma_wait3A_93, %dma_wait3A_94] : memref<10240x128xf32, #tpu.memory_space<vmem_shared>> -> memref<10240x128xf32, #tpu.memory_space<vmem_shared>>
      tpu.wait_indirect_dma semaphore(%arg11 : memref<!tpu.dma_semaphore, #tpu.memory_space<semaphore_mem>>) src(%dma_wait3A_89 : memref<128x128xf32, #tpu.memory_space<vmem>>) dst(%dma_wait3A_95 : memref<10240x128xf32, #tpu.memory_space<vmem_shared>>)
      %dma_wait3A_96 = arith.constant 1 : i32
      %dma_wait3A_97 = arith.constant 39 : i32
      %dma_wait3A_98 = arith.constant 0 : i32
      %dma_wait3A_99 = arith.constant 0 : i32
      %dma_wait3A_100 = tpu.memref_slice %arg7[%dma_wait3A_96, %dma_wait3A_98, %dma_wait3A_99] : memref<2x128x128xf32, #tpu.memory_space<vmem>> -> memref<1x128x128xf32, #tpu.memory_space<vmem>>
      %dma_wait3A_101 = tpu.memref_squeeze %dma_wait3A_100 : memref<1x128x128xf32, #tpu.memory_space<vmem>> -> memref<128x128xf32, #tpu.memory_space<vmem>>
      %dma_wait3A_102 = arith.constant 0 : i32
      %dma_wait3A_103 = tpu.memref_slice %arg6[%dma_wait3A_97, %dma_wait3A_102] : memref<40x128xi32, #tpu.memory_space<vmem>> -> memref<1x128xi32, #tpu.memory_space<vmem>>
      %dma_wait3A_104 = tpu.memref_squeeze %dma_wait3A_103 : memref<1x128xi32, #tpu.memory_space<vmem>> -> memref<128xi32, #tpu.memory_space<vmem>>
      %dma_wait3A_105 = arith.constant 0 : i32
      %dma_wait3A_106 = arith.constant 0 : i32
      %dma_wait3A_107 = tpu.memref_slice %arg8[%dma_wait3A_105, %dma_wait3A_106] : memref<10240x128xf32, #tpu.memory_space<vmem_shared>> -> memref<10240x128xf32, #tpu.memory_space<vmem_shared>>
      tpu.wait_indirect_dma semaphore(%arg12 : memref<!tpu.dma_semaphore, #tpu.memory_space<semaphore_mem>>) src(%dma_wait3A_101 : memref<128x128xf32, #tpu.memory_space<vmem>>) dst(%dma_wait3A_107 : memref<10240x128xf32, #tpu.memory_space<vmem_shared>>)
    }
    %while3A_44 = arith.constant 1 : i32
    scf.for %while3A_50 = %while3A_42 to %while3A_38 step %while3A_44  : i32 {
      %mul3A_51 = arith.constant 40 : i32
      %mul3A_52 = arith.muli %while3A_50, %mul3A_51 : i32
      %add3A_53 = arith.addi %select_n3A_6, %mul3A_52 : i32
      %run_scoped3A_54 = arith.constant 0 : i32
      "tpu.region"() ({
        %run_scoped3A_108 = tpu.sem_alloc : memref<!tpu.dma_semaphore, #tpu.memory_space<semaphore_mem>>
        %dma_start3A_109 = arith.constant 0 : i32
        %dma_start3A_110 = tpu.memref_slice %arg3[%run_scoped3A_54, %add3A_53, %dma_start3A_109] : memref<2x2560x128xi32, #tpu.memory_space<hbm>> -> memref<1x40x128xi32, #tpu.memory_space<hbm>>
        %dma_start3A_111 = tpu.memref_squeeze %dma_start3A_110 : memref<1x40x128xi32, #tpu.memory_space<hbm>> -> memref<40x128xi32, #tpu.memory_space<hbm>>
        %dma_start3A_112 = arith.constant 0 : i32
        %dma_start3A_113 = tpu.memref_slice %arg3[%run_scoped3A_54, %add3A_53, %dma_start3A_112] : memref<2x2560x128xi32, #tpu.memory_space<hbm>> -> memref<1x40x128xi32, #tpu.memory_space<hbm>>
        %dma_start3A_114 = tpu.memref_squeeze %dma_start3A_113 : memref<1x40x128xi32, #tpu.memory_space<hbm>> -> memref<40x128xi32, #tpu.memory_space<hbm>>
        tpu.enqueue_dma source(%dma_start3A_114 : memref<40x128xi32, #tpu.memory_space<hbm>>) target(%arg5 : memref<40x128xi32, #tpu.memory_space<vmem>>) target_semaphore(%run_scoped3A_108 : memref<!tpu.dma_semaphore, #tpu.memory_space<semaphore_mem>>)
        %dma_wait3A_115 = arith.constant 0 : i32
        %dma_wait3A_116 = tpu.memref_slice %arg3[%run_scoped3A_54, %add3A_53, %dma_wait3A_115] : memref<2x2560x128xi32, #tpu.memory_space<hbm>> -> memref<1x40x128xi32, #tpu.memory_space<hbm>>
        %dma_wait3A_117 = tpu.memref_squeeze %dma_wait3A_116 : memref<1x40x128xi32, #tpu.memory_space<hbm>> -> memref<40x128xi32, #tpu.memory_space<hbm>>
        %dma_wait3A_118 = arith.constant 0 : i32
        %dma_wait3A_119 = tpu.memref_slice %arg3[%run_scoped3A_54, %add3A_53, %dma_wait3A_118] : memref<2x2560x128xi32, #tpu.memory_space<hbm>> -> memref<1x40x128xi32, #tpu.memory_space<hbm>>
        %dma_wait3A_120 = tpu.memref_squeeze %dma_wait3A_119 : memref<1x40x128xi32, #tpu.memory_space<hbm>> -> memref<40x128xi32, #tpu.memory_space<hbm>>
        tpu.wait_dma2 semaphore(%run_scoped3A_108 : memref<!tpu.dma_semaphore, #tpu.memory_space<semaphore_mem>>) src(%dma_wait3A_120 : memref<40x128xi32, #tpu.memory_space<hbm>>) dst(%arg5 : memref<40x128xi32, #tpu.memory_space<vmem>>)
        tpu.yield
      }) : () -> ()
      %run_scoped3A_55 = arith.constant 1 : i32
      "tpu.region"() ({
        %run_scoped3A_108 = tpu.sem_alloc : memref<!tpu.dma_semaphore, #tpu.memory_space<semaphore_mem>>
        %dma_start3A_109 = arith.constant 0 : i32
        %dma_start3A_110 = tpu.memref_slice %arg3[%run_scoped3A_55, %add3A_53, %dma_start3A_109] : memref<2x2560x128xi32, #tpu.memory_space<hbm>> -> memref<1x40x128xi32, #tpu.memory_space<hbm>>
        %dma_start3A_111 = tpu.memref_squeeze %dma_start3A_110 : memref<1x40x128xi32, #tpu.memory_space<hbm>> -> memref<40x128xi32, #tpu.memory_space<hbm>>
        %dma_start3A_112 = arith.constant 0 : i32
        %dma_start3A_113 = tpu.memref_slice %arg3[%run_scoped3A_55, %add3A_53, %dma_start3A_112] : memref<2x2560x128xi32, #tpu.memory_space<hbm>> -> memref<1x40x128xi32, #tpu.memory_space<hbm>>
        %dma_start3A_114 = tpu.memref_squeeze %dma_start3A_113 : memref<1x40x128xi32, #tpu.memory_space<hbm>> -> memref<40x128xi32, #tpu.memory_space<hbm>>
        tpu.enqueue_dma source(%dma_start3A_114 : memref<40x128xi32, #tpu.memory_space<hbm>>) target(%arg6 : memref<40x128xi32, #tpu.memory_space<vmem>>) target_semaphore(%run_scoped3A_108 : memref<!tpu.dma_semaphore, #tpu.memory_space<semaphore_mem>>)
        %dma_wait3A_115 = arith.constant 0 : i32
        %dma_wait3A_116 = tpu.memref_slice %arg3[%run_scoped3A_55, %add3A_53, %dma_wait3A_115] : memref<2x2560x128xi32, #tpu.memory_space<hbm>> -> memref<1x40x128xi32, #tpu.memory_space<hbm>>
        %dma_wait3A_117 = tpu.memref_squeeze %dma_wait3A_116 : memref<1x40x128xi32, #tpu.memory_space<hbm>> -> memref<40x128xi32, #tpu.memory_space<hbm>>
        %dma_wait3A_118 = arith.constant 0 : i32
        %dma_wait3A_119 = tpu.memref_slice %arg3[%run_scoped3A_55, %add3A_53, %dma_wait3A_118] : memref<2x2560x128xi32, #tpu.memory_space<hbm>> -> memref<1x40x128xi32, #tpu.memory_space<hbm>>
        %dma_wait3A_120 = tpu.memref_squeeze %dma_wait3A_119 : memref<1x40x128xi32, #tpu.memory_space<hbm>> -> memref<40x128xi32, #tpu.memory_space<hbm>>
        tpu.wait_dma2 semaphore(%run_scoped3A_108 : memref<!tpu.dma_semaphore, #tpu.memory_space<semaphore_mem>>) src(%dma_wait3A_120 : memref<40x128xi32, #tpu.memory_space<hbm>>) dst(%arg6 : memref<40x128xi32, #tpu.memory_space<vmem>>)
        tpu.yield
      }) : () -> ()
      %dma_start3A = arith.constant 0 : i32
      %dma_start3A_56 = arith.constant 0 : i32
      %dma_start3A_57 = arith.constant 0 : i32
      %dma_start3A_58 = arith.constant 0 : i32
      %dma_start3A_59 = tpu.memref_slice %arg7[%dma_start3A_56, %dma_start3A_57, %dma_start3A_58] : memref<2x128x128xf32, #tpu.memory_space<vmem>> -> memref<1x128x128xf32, #tpu.memory_space<vmem>>
      %dma_start3A_60 = tpu.memref_squeeze %dma_start3A_59 : memref<1x128x128xf32, #tpu.memory_space<vmem>> -> memref<128x128xf32, #tpu.memory_space<vmem>>
      %dma_start3A_61 = arith.constant 0 : i32
      %dma_start3A_62 = tpu.memref_slice %arg5[%dma_start3A, %dma_start3A_61] : memref<40x128xi32, #tpu.memory_space<vmem>> -> memref<1x128xi32, #tpu.memory_space<vmem>>
      %dma_start3A_63 = tpu.memref_squeeze %dma_start3A_62 : memref<1x128xi32, #tpu.memory_space<vmem>> -> memref<128xi32, #tpu.memory_space<vmem>>
      %dma_start3A_64 = arith.constant 0 : i32
      %dma_start3A_65 = arith.constant 0 : i32
      %dma_start3A_66 = tpu.memref_slice %arg2[%dma_start3A_64, %dma_start3A_65] : memref<10240x128xf32, #tpu.memory_space<hbm>> -> memref<10240x128xf32, #tpu.memory_space<hbm>>
      tpu.enqueue_indirect_dma source(%dma_start3A_66 : memref<10240x128xf32, #tpu.memory_space<hbm>>) target(%dma_start3A_60 : memref<128x128xf32, #tpu.memory_space<vmem>>) offsets(%dma_start3A_63 : memref<128xi32, #tpu.memory_space<vmem>>) semaphore(%arg9 : memref<!tpu.dma_semaphore, #tpu.memory_space<semaphore_mem>>)
      %dma_start3A_67 = arith.constant 1 : i32
      %dma_start3A_68 = arith.constant 1 : i32
      %dma_start3A_69 = arith.constant 0 : i32
      %dma_start3A_70 = arith.constant 0 : i32
      %dma_start3A_71 = tpu.memref_slice %arg7[%dma_start3A_68, %dma_start3A_69, %dma_start3A_70] : memref<2x128x128xf32, #tpu.memory_space<vmem>> -> memref<1x128x128xf32, #tpu.memory_space<vmem>>
      %dma_start3A_72 = tpu.memref_squeeze %dma_start3A_71 : memref<1x128x128xf32, #tpu.memory_space<vmem>> -> memref<128x128xf32, #tpu.memory_space<vmem>>
      %dma_start3A_73 = arith.constant 0 : i32
      %dma_start3A_74 = tpu.memref_slice %arg5[%dma_start3A_67, %dma_start3A_73] : memref<40x128xi32, #tpu.memory_space<vmem>> -> memref<1x128xi32, #tpu.memory_space<vmem>>
      %dma_start3A_75 = tpu.memref_squeeze %dma_start3A_74 : memref<1x128xi32, #tpu.memory_space<vmem>> -> memref<128xi32, #tpu.memory_space<vmem>>
      %dma_start3A_76 = arith.constant 0 : i32
      %dma_start3A_77 = arith.constant 0 : i32
      %dma_start3A_78 = tpu.memref_slice %arg2[%dma_start3A_76, %dma_start3A_77] : memref<10240x128xf32, #tpu.memory_space<hbm>> -> memref<10240x128xf32, #tpu.memory_space<hbm>>
      tpu.enqueue_indirect_dma source(%dma_start3A_78 : memref<10240x128xf32, #tpu.memory_space<hbm>>) target(%dma_start3A_72 : memref<128x128xf32, #tpu.memory_space<vmem>>) offsets(%dma_start3A_75 : memref<128xi32, #tpu.memory_space<vmem>>) semaphore(%arg10 : memref<!tpu.dma_semaphore, #tpu.memory_space<semaphore_mem>>)
      %scan3A_79 = arith.constant 0 : i32
      %scan3A_80 = arith.constant 0 : i32
      %scan3A_81 = arith.constant 20 : i32
      %scan3A_82 = arith.addi %scan3A_80, %scan3A_81 : i32
      %scan3A_83 = arith.constant 1 : i32
      scf.for %scan3A_108 = %scan3A_80 to %scan3A_82 step %scan3A_83  : i32 {
        %mul3A_109 = arith.constant 2 : i32
        %mul3A_110 = arith.muli %scan3A_108, %mul3A_109 : i32
        %add3A_111 = arith.constant 0 : i32
        %add3A_112 = arith.addi %mul3A_110, %add3A_111 : i32
        %dma_wait3A_113 = arith.constant 0 : i32
        %dma_wait3A_114 = arith.constant 0 : i32
        %dma_wait3A_115 = arith.constant 0 : i32
        %dma_wait3A_116 = tpu.memref_slice %arg7[%dma_wait3A_113, %dma_wait3A_114, %dma_wait3A_115] : memref<2x128x128xf32, #tpu.memory_space<vmem>> -> memref<1x128x128xf32, #tpu.memory_space<vmem>>
        %dma_wait3A_117 = tpu.memref_squeeze %dma_wait3A_116 : memref<1x128x128xf32, #tpu.memory_space<vmem>> -> memref<128x128xf32, #tpu.memory_space<vmem>>
        %dma_wait3A_118 = arith.constant 0 : i32
        %dma_wait3A_119 = tpu.memref_slice %arg5[%add3A_112, %dma_wait3A_118] : memref<40x128xi32, #tpu.memory_space<vmem>> -> memref<1x128xi32, #tpu.memory_space<vmem>>
        %dma_wait3A_120 = tpu.memref_squeeze %dma_wait3A_119 : memref<1x128xi32, #tpu.memory_space<vmem>> -> memref<128xi32, #tpu.memory_space<vmem>>
        %dma_wait3A_121 = arith.constant 0 : i32
        %dma_wait3A_122 = arith.constant 0 : i32
        %dma_wait3A_123 = tpu.memref_slice %arg2[%dma_wait3A_121, %dma_wait3A_122] : memref<10240x128xf32, #tpu.memory_space<hbm>> -> memref<10240x128xf32, #tpu.memory_space<hbm>>
        tpu.wait_indirect_dma semaphore(%arg9 : memref<!tpu.dma_semaphore, #tpu.memory_space<semaphore_mem>>) src(%dma_wait3A_123 : memref<10240x128xf32, #tpu.memory_space<hbm>>) dst(%dma_wait3A_117 : memref<128x128xf32, #tpu.memory_space<vmem>>)
        %dma_start3A_124 = arith.constant 0 : i32
        %dma_start3A_125 = arith.constant 0 : i32
        %dma_start3A_126 = arith.constant 0 : i32
        %dma_start3A_127 = tpu.memref_slice %arg7[%dma_start3A_124, %dma_start3A_125, %dma_start3A_126] : memref<2x128x128xf32, #tpu.memory_space<vmem>> -> memref<1x128x128xf32, #tpu.memory_space<vmem>>
        %dma_start3A_128 = tpu.memref_squeeze %dma_start3A_127 : memref<1x128x128xf32, #tpu.memory_space<vmem>> -> memref<128x128xf32, #tpu.memory_space<vmem>>
        %dma_start3A_129 = arith.constant 0 : i32
        %dma_start3A_130 = tpu.memref_slice %arg6[%add3A_112, %dma_start3A_129] : memref<40x128xi32, #tpu.memory_space<vmem>> -> memref<1x128xi32, #tpu.memory_space<vmem>>
        %dma_start3A_131 = tpu.memref_squeeze %dma_start3A_130 : memref<1x128xi32, #tpu.memory_space<vmem>> -> memref<128xi32, #tpu.memory_space<vmem>>
        %dma_start3A_132 = arith.constant 0 : i32
        %dma_start3A_133 = arith.constant 0 : i32
        %dma_start3A_134 = tpu.memref_slice %arg8[%dma_start3A_132, %dma_start3A_133] : memref<10240x128xf32, #tpu.memory_space<vmem_shared>> -> memref<10240x128xf32, #tpu.memory_space<vmem_shared>>
        tpu.enqueue_indirect_dma source(%dma_start3A_128 : memref<128x128xf32, #tpu.memory_space<vmem>>) target(%dma_start3A_134 : memref<10240x128xf32, #tpu.memory_space<vmem_shared>>) offsets(%dma_start3A_131 : memref<128xi32, #tpu.memory_space<vmem>>) semaphore(%arg11 : memref<!tpu.dma_semaphore, #tpu.memory_space<semaphore_mem>>) {add = true}
        %mul3A_135 = arith.constant 2 : i32
        %mul3A_136 = arith.muli %scan3A_108, %mul3A_135 : i32
        %add3A_137 = arith.constant 1 : i32
        %add3A_138 = arith.addi %mul3A_136, %add3A_137 : i32
        %dma_wait3A_139 = arith.constant 1 : i32
        %dma_wait3A_140 = arith.constant 0 : i32
        %dma_wait3A_141 = arith.constant 0 : i32
        %dma_wait3A_142 = tpu.memref_slice %arg7[%dma_wait3A_139, %dma_wait3A_140, %dma_wait3A_141] : memref<2x128x128xf32, #tpu.memory_space<vmem>> -> memref<1x128x128xf32, #tpu.memory_space<vmem>>
        %dma_wait3A_143 = tpu.memref_squeeze %dma_wait3A_142 : memref<1x128x128xf32, #tpu.memory_space<vmem>> -> memref<128x128xf32, #tpu.memory_space<vmem>>
        %dma_wait3A_144 = arith.constant 0 : i32
        %dma_wait3A_145 = tpu.memref_slice %arg5[%add3A_138, %dma_wait3A_144] : memref<40x128xi32, #tpu.memory_space<vmem>> -> memref<1x128xi32, #tpu.memory_space<vmem>>
        %dma_wait3A_146 = tpu.memref_squeeze %dma_wait3A_145 : memref<1x128xi32, #tpu.memory_space<vmem>> -> memref<128xi32, #tpu.memory_space<vmem>>
        %dma_wait3A_147 = arith.constant 0 : i32
        %dma_wait3A_148 = arith.constant 0 : i32
        %dma_wait3A_149 = tpu.memref_slice %arg2[%dma_wait3A_147, %dma_wait3A_148] : memref<10240x128xf32, #tpu.memory_space<hbm>> -> memref<10240x128xf32, #tpu.memory_space<hbm>>
        tpu.wait_indirect_dma semaphore(%arg10 : memref<!tpu.dma_semaphore, #tpu.memory_space<semaphore_mem>>) src(%dma_wait3A_149 : memref<10240x128xf32, #tpu.memory_space<hbm>>) dst(%dma_wait3A_143 : memref<128x128xf32, #tpu.memory_space<vmem>>)
        %dma_start3A_150 = arith.constant 1 : i32
        %dma_start3A_151 = arith.constant 0 : i32
        %dma_start3A_152 = arith.constant 0 : i32
        %dma_start3A_153 = tpu.memref_slice %arg7[%dma_start3A_150, %dma_start3A_151, %dma_start3A_152] : memref<2x128x128xf32, #tpu.memory_space<vmem>> -> memref<1x128x128xf32, #tpu.memory_space<vmem>>
        %dma_start3A_154 = tpu.memref_squeeze %dma_start3A_153 : memref<1x128x128xf32, #tpu.memory_space<vmem>> -> memref<128x128xf32, #tpu.memory_space<vmem>>
        %dma_start3A_155 = arith.constant 0 : i32
        %dma_start3A_156 = tpu.memref_slice %arg6[%add3A_138, %dma_start3A_155] : memref<40x128xi32, #tpu.memory_space<vmem>> -> memref<1x128xi32, #tpu.memory_space<vmem>>
        %dma_start3A_157 = tpu.memref_squeeze %dma_start3A_156 : memref<1x128xi32, #tpu.memory_space<vmem>> -> memref<128xi32, #tpu.memory_space<vmem>>
        %dma_start3A_158 = arith.constant 0 : i32
        %dma_start3A_159 = arith.constant 0 : i32
        %dma_start3A_160 = tpu.memref_slice %arg8[%dma_start3A_158, %dma_start3A_159] : memref<10240x128xf32, #tpu.memory_space<vmem_shared>> -> memref<10240x128xf32, #tpu.memory_space<vmem_shared>>
        tpu.enqueue_indirect_dma source(%dma_start3A_154 : memref<128x128xf32, #tpu.memory_space<vmem>>) target(%dma_start3A_160 : memref<10240x128xf32, #tpu.memory_space<vmem_shared>>) offsets(%dma_start3A_157 : memref<128xi32, #tpu.memory_space<vmem>>) semaphore(%arg12 : memref<!tpu.dma_semaphore, #tpu.memory_space<semaphore_mem>>) {add = true}
        %mul3A_161 = arith.constant 2 : i32
        %mul3A_162 = arith.muli %scan3A_108, %mul3A_161 : i32
        %add3A_163 = arith.constant 0 : i32
        %add3A_164 = arith.addi %mul3A_162, %add3A_163 : i32
        %lt3A = arith.constant 19 : i32
        %lt3A_165 = arith.cmpi slt, %scan3A_108, %lt3A : i32
        %convert_element_type3A = arith.extui %lt3A_165 : i1 to i32
        %cond3A = arith.constant 0 : i32
        %cond3A_166 = arith.cmpi ne, %convert_element_type3A, %cond3A : i32
        scf.if %cond3A_166 {
          %dma_wait3A_176 = arith.constant 0 : i32
          %dma_wait3A_177 = arith.constant 0 : i32
          %dma_wait3A_178 = arith.constant 0 : i32
          %dma_wait3A_179 = tpu.memref_slice %arg7[%dma_wait3A_176, %dma_wait3A_177, %dma_wait3A_178] : memref<2x128x128xf32, #tpu.memory_space<vmem>> -> memref<1x128x128xf32, #tpu.memory_space<vmem>>
          %dma_wait3A_180 = tpu.memref_squeeze %dma_wait3A_179 : memref<1x128x128xf32, #tpu.memory_space<vmem>> -> memref<128x128xf32, #tpu.memory_space<vmem>>
          %dma_wait3A_181 = arith.constant 0 : i32
          %dma_wait3A_182 = tpu.memref_slice %arg6[%add3A_164, %dma_wait3A_181] : memref<40x128xi32, #tpu.memory_space<vmem>> -> memref<1x128xi32, #tpu.memory_space<vmem>>
          %dma_wait3A_183 = tpu.memref_squeeze %dma_wait3A_182 : memref<1x128xi32, #tpu.memory_space<vmem>> -> memref<128xi32, #tpu.memory_space<vmem>>
          %dma_wait3A_184 = arith.constant 0 : i32
          %dma_wait3A_185 = arith.constant 0 : i32
          %dma_wait3A_186 = tpu.memref_slice %arg8[%dma_wait3A_184, %dma_wait3A_185] : memref<10240x128xf32, #tpu.memory_space<vmem_shared>> -> memref<10240x128xf32, #tpu.memory_space<vmem_shared>>
          tpu.wait_indirect_dma semaphore(%arg11 : memref<!tpu.dma_semaphore, #tpu.memory_space<semaphore_mem>>) src(%dma_wait3A_180 : memref<128x128xf32, #tpu.memory_space<vmem>>) dst(%dma_wait3A_186 : memref<10240x128xf32, #tpu.memory_space<vmem_shared>>)
          %add3A_187 = arith.constant 2 : i32
          %add3A_188 = arith.addi %add3A_164, %add3A_187 : i32
          %dma_start3A_189 = arith.constant 0 : i32
          %dma_start3A_190 = arith.constant 0 : i32
          %dma_start3A_191 = arith.constant 0 : i32
          %dma_start3A_192 = tpu.memref_slice %arg7[%dma_start3A_189, %dma_start3A_190, %dma_start3A_191] : memref<2x128x128xf32, #tpu.memory_space<vmem>> -> memref<1x128x128xf32, #tpu.memory_space<vmem>>
          %dma_start3A_193 = tpu.memref_squeeze %dma_start3A_192 : memref<1x128x128xf32, #tpu.memory_space<vmem>> -> memref<128x128xf32, #tpu.memory_space<vmem>>
          %dma_start3A_194 = arith.constant 0 : i32
          %dma_start3A_195 = tpu.memref_slice %arg5[%add3A_188, %dma_start3A_194] : memref<40x128xi32, #tpu.memory_space<vmem>> -> memref<1x128xi32, #tpu.memory_space<vmem>>
          %dma_start3A_196 = tpu.memref_squeeze %dma_start3A_195 : memref<1x128xi32, #tpu.memory_space<vmem>> -> memref<128xi32, #tpu.memory_space<vmem>>
          %dma_start3A_197 = arith.constant 0 : i32
          %dma_start3A_198 = arith.constant 0 : i32
          %dma_start3A_199 = tpu.memref_slice %arg2[%dma_start3A_197, %dma_start3A_198] : memref<10240x128xf32, #tpu.memory_space<hbm>> -> memref<10240x128xf32, #tpu.memory_space<hbm>>
          tpu.enqueue_indirect_dma source(%dma_start3A_199 : memref<10240x128xf32, #tpu.memory_space<hbm>>) target(%dma_start3A_193 : memref<128x128xf32, #tpu.memory_space<vmem>>) offsets(%dma_start3A_196 : memref<128xi32, #tpu.memory_space<vmem>>) semaphore(%arg9 : memref<!tpu.dma_semaphore, #tpu.memory_space<semaphore_mem>>)
        } else {
        }
        %mul3A_167 = arith.constant 2 : i32
        %mul3A_168 = arith.muli %scan3A_108, %mul3A_167 : i32
        %add3A_169 = arith.constant 1 : i32
        %add3A_170 = arith.addi %mul3A_168, %add3A_169 : i32
        %lt3A_171 = arith.constant 19 : i32
        %lt3A_172 = arith.cmpi slt, %scan3A_108, %lt3A_171 : i32
        %convert_element_type3A_173 = arith.extui %lt3A_172 : i1 to i32
        %cond3A_174 = arith.constant 0 : i32
        %cond3A_175 = arith.cmpi ne, %convert_element_type3A_173, %cond3A_174 : i32
        scf.if %cond3A_175 {
          %dma_wait3A_176 = arith.constant 1 : i32
          %dma_wait3A_177 = arith.constant 0 : i32
          %dma_wait3A_178 = arith.constant 0 : i32
          %dma_wait3A_179 = tpu.memref_slice %arg7[%dma_wait3A_176, %dma_wait3A_177, %dma_wait3A_178] : memref<2x128x128xf32, #tpu.memory_space<vmem>> -> memref<1x128x128xf32, #tpu.memory_space<vmem>>
          %dma_wait3A_180 = tpu.memref_squeeze %dma_wait3A_179 : memref<1x128x128xf32, #tpu.memory_space<vmem>> -> memref<128x128xf32, #tpu.memory_space<vmem>>
          %dma_wait3A_181 = arith.constant 0 : i32
          %dma_wait3A_182 = tpu.memref_slice %arg6[%add3A_170, %dma_wait3A_181] : memref<40x128xi32, #tpu.memory_space<vmem>> -> memref<1x128xi32, #tpu.memory_space<vmem>>
          %dma_wait3A_183 = tpu.memref_squeeze %dma_wait3A_182 : memref<1x128xi32, #tpu.memory_space<vmem>> -> memref<128xi32, #tpu.memory_space<vmem>>
          %dma_wait3A_184 = arith.constant 0 : i32
          %dma_wait3A_185 = arith.constant 0 : i32
          %dma_wait3A_186 = tpu.memref_slice %arg8[%dma_wait3A_184, %dma_wait3A_185] : memref<10240x128xf32, #tpu.memory_space<vmem_shared>> -> memref<10240x128xf32, #tpu.memory_space<vmem_shared>>
          tpu.wait_indirect_dma semaphore(%arg12 : memref<!tpu.dma_semaphore, #tpu.memory_space<semaphore_mem>>) src(%dma_wait3A_180 : memref<128x128xf32, #tpu.memory_space<vmem>>) dst(%dma_wait3A_186 : memref<10240x128xf32, #tpu.memory_space<vmem_shared>>)
          %add3A_187 = arith.constant 2 : i32
          %add3A_188 = arith.addi %add3A_170, %add3A_187 : i32
          %dma_start3A_189 = arith.constant 1 : i32
          %dma_start3A_190 = arith.constant 0 : i32
          %dma_start3A_191 = arith.constant 0 : i32
          %dma_start3A_192 = tpu.memref_slice %arg7[%dma_start3A_189, %dma_start3A_190, %dma_start3A_191] : memref<2x128x128xf32, #tpu.memory_space<vmem>> -> memref<1x128x128xf32, #tpu.memory_space<vmem>>
          %dma_start3A_193 = tpu.memref_squeeze %dma_start3A_192 : memref<1x128x128xf32, #tpu.memory_space<vmem>> -> memref<128x128xf32, #tpu.memory_space<vmem>>
          %dma_start3A_194 = arith.constant 0 : i32
          %dma_start3A_195 = tpu.memref_slice %arg5[%add3A_188, %dma_start3A_194] : memref<40x128xi32, #tpu.memory_space<vmem>> -> memref<1x128xi32, #tpu.memory_space<vmem>>
          %dma_start3A_196 = tpu.memref_squeeze %dma_start3A_195 : memref<1x128xi32, #tpu.memory_space<vmem>> -> memref<128xi32, #tpu.memory_space<vmem>>
          %dma_start3A_197 = arith.constant 0 : i32
          %dma_start3A_198 = arith.constant 0 : i32
          %dma_start3A_199 = tpu.memref_slice %arg2[%dma_start3A_197, %dma_start3A_198] : memref<10240x128xf32, #tpu.memory_space<hbm>> -> memref<10240x128xf32, #tpu.memory_space<hbm>>
          tpu.enqueue_indirect_dma source(%dma_start3A_199 : memref<10240x128xf32, #tpu.memory_space<hbm>>) target(%dma_start3A_193 : memref<128x128xf32, #tpu.memory_space<vmem>>) offsets(%dma_start3A_196 : memref<128xi32, #tpu.memory_space<vmem>>) semaphore(%arg10 : memref<!tpu.dma_semaphore, #tpu.memory_space<semaphore_mem>>)
        } else {
        }
      }
      %scan3A_84 = arith.constant 20 : i32
      %dma_wait3A = arith.constant 0 : i32
      %dma_wait3A_85 = arith.constant 38 : i32
      %dma_wait3A_86 = arith.constant 0 : i32
      %dma_wait3A_87 = arith.constant 0 : i32
      %dma_wait3A_88 = tpu.memref_slice %arg7[%dma_wait3A, %dma_wait3A_86, %dma_wait3A_87] : memref<2x128x128xf32, #tpu.memory_space<vmem>> -> memref<1x128x128xf32, #tpu.memory_space<vmem>>
      %dma_wait3A_89 = tpu.memref_squeeze %dma_wait3A_88 : memref<1x128x128xf32, #tpu.memory_space<vmem>> -> memref<128x128xf32, #tpu.memory_space<vmem>>
      %dma_wait3A_90 = arith.constant 0 : i32
      %dma_wait3A_91 = tpu.memref_slice %arg6[%dma_wait3A_85, %dma_wait3A_90] : memref<40x128xi32, #tpu.memory_space<vmem>> -> memref<1x128xi32, #tpu.memory_space<vmem>>
      %dma_wait3A_92 = tpu.memref_squeeze %dma_wait3A_91 : memref<1x128xi32, #tpu.memory_space<vmem>> -> memref<128xi32, #tpu.memory_space<vmem>>
      %dma_wait3A_93 = arith.constant 0 : i32
      %dma_wait3A_94 = arith.constant 0 : i32
      %dma_wait3A_95 = tpu.memref_slice %arg8[%dma_wait3A_93, %dma_wait3A_94] : memref<10240x128xf32, #tpu.memory_space<vmem_shared>> -> memref<10240x128xf32, #tpu.memory_space<vmem_shared>>
      tpu.wait_indirect_dma semaphore(%arg11 : memref<!tpu.dma_semaphore, #tpu.memory_space<semaphore_mem>>) src(%dma_wait3A_89 : memref<128x128xf32, #tpu.memory_space<vmem>>) dst(%dma_wait3A_95 : memref<10240x128xf32, #tpu.memory_space<vmem_shared>>)
      %dma_wait3A_96 = arith.constant 1 : i32
      %dma_wait3A_97 = arith.constant 39 : i32
      %dma_wait3A_98 = arith.constant 0 : i32
      %dma_wait3A_99 = arith.constant 0 : i32
      %dma_wait3A_100 = tpu.memref_slice %arg7[%dma_wait3A_96, %dma_wait3A_98, %dma_wait3A_99] : memref<2x128x128xf32, #tpu.memory_space<vmem>> -> memref<1x128x128xf32, #tpu.memory_space<vmem>>
      %dma_wait3A_101 = tpu.memref_squeeze %dma_wait3A_100 : memref<1x128x128xf32, #tpu.memory_space<vmem>> -> memref<128x128xf32, #tpu.memory_space<vmem>>
      %dma_wait3A_102 = arith.constant 0 : i32
      %dma_wait3A_103 = tpu.memref_slice %arg6[%dma_wait3A_97, %dma_wait3A_102] : memref<40x128xi32, #tpu.memory_space<vmem>> -> memref<1x128xi32, #tpu.memory_space<vmem>>
      %dma_wait3A_104 = tpu.memref_squeeze %dma_wait3A_103 : memref<1x128xi32, #tpu.memory_space<vmem>> -> memref<128xi32, #tpu.memory_space<vmem>>
      %dma_wait3A_105 = arith.constant 0 : i32
      %dma_wait3A_106 = arith.constant 0 : i32
      %dma_wait3A_107 = tpu.memref_slice %arg8[%dma_wait3A_105, %dma_wait3A_106] : memref<10240x128xf32, #tpu.memory_space<vmem_shared>> -> memref<10240x128xf32, #tpu.memory_space<vmem_shared>>
      tpu.wait_indirect_dma semaphore(%arg12 : memref<!tpu.dma_semaphore, #tpu.memory_space<semaphore_mem>>) src(%dma_wait3A_101 : memref<128x128xf32, #tpu.memory_space<vmem>>) dst(%dma_wait3A_107 : memref<10240x128xf32, #tpu.memory_space<vmem_shared>>)
    }
    %barrier3A_45 = arith.constant 0 : index
    tpu.barrier barrier_id(%barrier3A_45)
    %mul3A_46 = arith.constant 640 : i32
    %mul3A_47 = arith.muli %arg1, %mul3A_46 : i32
    %mul3A_48 = arith.constant 640 : i32
    %mul3A_49 = arith.muli %arg1, %mul3A_48 : i32
    "tpu.region"() ({
      %run_scoped3A_50 = tpu.sem_alloc : memref<!tpu.dma_semaphore, #tpu.memory_space<semaphore_mem>>
      %dma_start3A = arith.constant 0 : i32
      %dma_start3A_51 = tpu.memref_slice %arg4[%arg0, %mul3A_49, %dma_start3A] : memref<2x10240x128xf32, #tpu.memory_space<hbm>> -> memref<1x640x128xf32, #tpu.memory_space<hbm>>
      %dma_start3A_52 = tpu.memref_squeeze %dma_start3A_51 : memref<1x640x128xf32, #tpu.memory_space<hbm>> -> memref<640x128xf32, #tpu.memory_space<hbm>>
      %dma_start3A_53 = arith.constant 0 : i32
      %dma_start3A_54 = tpu.memref_slice %arg8[%mul3A_47, %dma_start3A_53] : memref<10240x128xf32, #tpu.memory_space<vmem_shared>> -> memref<640x128xf32, #tpu.memory_space<vmem_shared>>
      tpu.enqueue_dma source(%dma_start3A_54 : memref<640x128xf32, #tpu.memory_space<vmem_shared>>) target(%dma_start3A_52 : memref<640x128xf32, #tpu.memory_space<hbm>>) target_semaphore(%run_scoped3A_50 : memref<!tpu.dma_semaphore, #tpu.memory_space<semaphore_mem>>)
      %dma_wait3A = arith.constant 0 : i32
      %dma_wait3A_55 = tpu.memref_slice %arg4[%arg0, %mul3A_49, %dma_wait3A] : memref<2x10240x128xf32, #tpu.memory_space<hbm>> -> memref<1x640x128xf32, #tpu.memory_space<hbm>>
      %dma_wait3A_56 = tpu.memref_squeeze %dma_wait3A_55 : memref<1x640x128xf32, #tpu.memory_space<hbm>> -> memref<640x128xf32, #tpu.memory_space<hbm>>
      %dma_wait3A_57 = arith.constant 0 : i32
      %dma_wait3A_58 = tpu.memref_slice %arg8[%mul3A_47, %dma_wait3A_57] : memref<10240x128xf32, #tpu.memory_space<vmem_shared>> -> memref<640x128xf32, #tpu.memory_space<vmem_shared>>
      tpu.wait_dma2 semaphore(%run_scoped3A_50 : memref<!tpu.dma_semaphore, #tpu.memory_space<semaphore_mem>>) src(%dma_wait3A_58 : memref<640x128xf32, #tpu.memory_space<vmem_shared>>) dst(%dma_wait3A_56 : memref<640x128xf32, #tpu.memory_space<hbm>>)
      tpu.yield
    }) : () -> ()
    return
  }
}

#map = affine_map<(d0, d1) -> (0, 0)>
#map1 = affine_map<(d0, d1) -> (0, 0, 0)>
module attributes {stable_mosaic.version = 14 : i64} {
  func.func @_prop_body(%arg0: i32, %arg1: i32, %arg2: memref<10240x128xf32, #tpu.memory_space<hbm>>, %arg3: memref<2x2560x128xi32, #tpu.memory_space<hbm>>, %arg4: memref<2x10240x128xf32, #tpu.memory_space<hbm>>, %arg5: memref<40x128xi32, #tpu.memory_space<vmem>>, %arg6: memref<40x128xi32, #tpu.memory_space<vmem>>, %arg7: memref<2x128x128xf32, #tpu.memory_space<vmem>>, %arg8: memref<10240x128xf32, #tpu.memory_space<vmem_shared>>, %arg9: memref<!tpu.dma_semaphore, #tpu.memory_space<semaphore_mem>>, %arg10: memref<!tpu.dma_semaphore, #tpu.memory_space<semaphore_mem>>, %arg11: memref<!tpu.dma_semaphore, #tpu.memory_space<semaphore_mem>>, %arg12: memref<!tpu.dma_semaphore, #tpu.memory_space<semaphore_mem>>) attributes {dimension_semantics = [#tpu.dimension_semantics<core_parallel>, #tpu.dimension_semantics<subcore_parallel>], iteration_bounds = array<i64: 2, 16>, scalar_prefetch = 0 : i64, scratch_operands = 8 : i64, tpu.core_type = #tpu.core_type<sc_vector_subcore>, window_params = [{transform_indices = #map}, {transform_indices = #map1}, {transform_indices = #map1}]} {
    %eq3A = arith.constant 1 : i32
    %eq3A_0 = arith.cmpi eq, %arg0, %eq3A : i32
    %jit3A = arith.constant 1 : i32
    %jit3A_1 = arith.constant 3 : i32
    %select_n3A = arith.select %eq3A_0, %jit3A, %jit3A_1 : i32
    %mul3A = arith.constant 40 : i32
    %mul3A_2 = arith.muli %arg1, %mul3A : i32
    %mul3A_3 = arith.constant 120 : i32
    %mul3A_4 = arith.muli %arg1, %mul3A_3 : i32
    %add3A = arith.constant 640 : i32
    %add3A_5 = arith.addi %add3A, %mul3A_4 : i32
    %select_n3A_6 = arith.select %eq3A_0, %mul3A_2, %add3A_5 : i32
    %scan3A = arith.constant 0 : i32
    %scan3A_7 = arith.constant 0 : i32
    %scan3A_8 = arith.constant 128 : i32
    %scan3A_9 = arith.addi %scan3A_7, %scan3A_8 : i32
    %scan3A_10 = arith.constant 1 : i32
    scf.for %scan3A_50 = %scan3A_7 to %scan3A_9 step %scan3A_10  : i32 {
      %broadcast_in_dim3A = arith.constant 0.000000e+00 : f32
      %broadcast_in_dim3A_51 = vector.broadcast %broadcast_in_dim3A : f32 to vector<16xf32>
      %swap3A = arith.constant 0 : i32
      %swap3A_52 = arith.index_cast %swap3A : i32 to index
      %swap3A_53 = arith.index_cast %scan3A_50 : i32 to index
      %swap3A_54 = arith.constant 0 : index
      %swap3A_55 = tpu.vector_load %arg7[%swap3A_52, %swap3A_53, %swap3A_54] {strides = array<i32>} : memref<2x128x128xf32, #tpu.memory_space<vmem>>, vector<1x1x16xf32>,
      %swap3A_56 = vector.shape_cast %swap3A_55 : vector<1x1x16xf32> to vector<16xf32>
      %swap3A_57 = vector.shape_cast %broadcast_in_dim3A_51 : vector<16xf32> to vector<1x1x16xf32>
      tpu.vector_store %arg7[%swap3A_52, %swap3A_53, %swap3A_54], %swap3A_57 {strides = array<i32>} : memref<2x128x128xf32, #tpu.memory_space<vmem>>, vector<1x1x16xf32>,
      %broadcast_in_dim3A_58 = arith.constant 0.000000e+00 : f32
      %broadcast_in_dim3A_59 = vector.broadcast %broadcast_in_dim3A_58 : f32 to vector<16xf32>
      %swap3A_60 = arith.constant 0 : i32
      %swap3A_61 = arith.index_cast %swap3A_60 : i32 to index
      %swap3A_62 = arith.index_cast %scan3A_50 : i32 to index
      %swap3A_63 = arith.constant 16 : index
      %swap3A_64 = tpu.vector_load %arg7[%swap3A_61, %swap3A_62, %swap3A_63] {strides = array<i32>} : memref<2x128x128xf32, #tpu.memory_space<vmem>>, vector<1x1x16xf32>,
      %swap3A_65 = vector.shape_cast %swap3A_64 : vector<1x1x16xf32> to vector<16xf32>
      %swap3A_66 = vector.shape_cast %broadcast_in_dim3A_59 : vector<16xf32> to vector<1x1x16xf32>
      tpu.vector_store %arg7[%swap3A_61, %swap3A_62, %swap3A_63], %swap3A_66 {strides = array<i32>} : memref<2x128x128xf32, #tpu.memory_space<vmem>>, vector<1x1x16xf32>,
      %broadcast_in_dim3A_67 = arith.constant 0.000000e+00 : f32
      %broadcast_in_dim3A_68 = vector.broadcast %broadcast_in_dim3A_67 : f32 to vector<16xf32>
      %swap3A_69 = arith.constant 0 : i32
      %swap3A_70 = arith.index_cast %swap3A_69 : i32 to index
      %swap3A_71 = arith.index_cast %scan3A_50 : i32 to index
      %swap3A_72 = arith.constant 32 : index
      %swap3A_73 = tpu.vector_load %arg7[%swap3A_70, %swap3A_71, %swap3A_72] {strides = array<i32>} : memref<2x128x128xf32, #tpu.memory_space<vmem>>, vector<1x1x16xf32>,
      %swap3A_74 = vector.shape_cast %swap3A_73 : vector<1x1x16xf32> to vector<16xf32>
      %swap3A_75 = vector.shape_cast %broadcast_in_dim3A_68 : vector<16xf32> to vector<1x1x16xf32>
      tpu.vector_store %arg7[%swap3A_70, %swap3A_71, %swap3A_72], %swap3A_75 {strides = array<i32>} : memref<2x128x128xf32, #tpu.memory_space<vmem>>, vector<1x1x16xf32>,
      %broadcast_in_dim3A_76 = arith.constant 0.000000e+00 : f32
      %broadcast_in_dim3A_77 = vector.broadcast %broadcast_in_dim3A_76 : f32 to vector<16xf32>
      %swap3A_78 = arith.constant 0 : i32
      %swap3A_79 = arith.index_cast %swap3A_78 : i32 to index
      %swap3A_80 = arith.index_cast %scan3A_50 : i32 to index
      %swap3A_81 = arith.constant 48 : index
      %swap3A_82 = tpu.vector_load %arg7[%swap3A_79, %swap3A_80, %swap3A_81] {strides = array<i32>} : memref<2x128x128xf32, #tpu.memory_space<vmem>>, vector<1x1x16xf32>,
      %swap3A_83 = vector.shape_cast %swap3A_82 : vector<1x1x16xf32> to vector<16xf32>
      %swap3A_84 = vector.shape_cast %broadcast_in_dim3A_77 : vector<16xf32> to vector<1x1x16xf32>
      tpu.vector_store %arg7[%swap3A_79, %swap3A_80, %swap3A_81], %swap3A_84 {strides = array<i32>} : memref<2x128x128xf32, #tpu.memory_space<vmem>>, vector<1x1x16xf32>,
      %broadcast_in_dim3A_85 = arith.constant 0.000000e+00 : f32
      %broadcast_in_dim3A_86 = vector.broadcast %broadcast_in_dim3A_85 : f32 to vector<16xf32>
      %swap3A_87 = arith.constant 0 : i32
      %swap3A_88 = arith.index_cast %swap3A_87 : i32 to index
      %swap3A_89 = arith.index_cast %scan3A_50 : i32 to index
      %swap3A_90 = arith.constant 64 : index
      %swap3A_91 = tpu.vector_load %arg7[%swap3A_88, %swap3A_89, %swap3A_90] {strides = array<i32>} : memref<2x128x128xf32, #tpu.memory_space<vmem>>, vector<1x1x16xf32>,
      %swap3A_92 = vector.shape_cast %swap3A_91 : vector<1x1x16xf32> to vector<16xf32>
      %swap3A_93 = vector.shape_cast %broadcast_in_dim3A_86 : vector<16xf32> to vector<1x1x16xf32>
      tpu.vector_store %arg7[%swap3A_88, %swap3A_89, %swap3A_90], %swap3A_93 {strides = array<i32>} : memref<2x128x128xf32, #tpu.memory_space<vmem>>, vector<1x1x16xf32>,
      %broadcast_in_dim3A_94 = arith.constant 0.000000e+00 : f32
      %broadcast_in_dim3A_95 = vector.broadcast %broadcast_in_dim3A_94 : f32 to vector<16xf32>
      %swap3A_96 = arith.constant 0 : i32
      %swap3A_97 = arith.index_cast %swap3A_96 : i32 to index
      %swap3A_98 = arith.index_cast %scan3A_50 : i32 to index
      %swap3A_99 = arith.constant 80 : index
      %swap3A_100 = tpu.vector_load %arg7[%swap3A_97, %swap3A_98, %swap3A_99] {strides = array<i32>} : memref<2x128x128xf32, #tpu.memory_space<vmem>>, vector<1x1x16xf32>,
      %swap3A_101 = vector.shape_cast %swap3A_100 : vector<1x1x16xf32> to vector<16xf32>
      %swap3A_102 = vector.shape_cast %broadcast_in_dim3A_95 : vector<16xf32> to vector<1x1x16xf32>
      tpu.vector_store %arg7[%swap3A_97, %swap3A_98, %swap3A_99], %swap3A_102 {strides = array<i32>} : memref<2x128x128xf32, #tpu.memory_space<vmem>>, vector<1x1x16xf32>,
      %broadcast_in_dim3A_103 = arith.constant 0.000000e+00 : f32
      %broadcast_in_dim3A_104 = vector.broadcast %broadcast_in_dim3A_103 : f32 to vector<16xf32>
      %swap3A_105 = arith.constant 0 : i32
      %swap3A_106 = arith.index_cast %swap3A_105 : i32 to index
      %swap3A_107 = arith.index_cast %scan3A_50 : i32 to index
      %swap3A_108 = arith.constant 96 : index
      %swap3A_109 = tpu.vector_load %arg7[%swap3A_106, %swap3A_107, %swap3A_108] {strides = array<i32>} : memref<2x128x128xf32, #tpu.memory_space<vmem>>, vector<1x1x16xf32>,
      %swap3A_110 = vector.shape_cast %swap3A_109 : vector<1x1x16xf32> to vector<16xf32>
      %swap3A_111 = vector.shape_cast %broadcast_in_dim3A_104 : vector<16xf32> to vector<1x1x16xf32>
      tpu.vector_store %arg7[%swap3A_106, %swap3A_107, %swap3A_108], %swap3A_111 {strides = array<i32>} : memref<2x128x128xf32, #tpu.memory_space<vmem>>, vector<1x1x16xf32>,
      %broadcast_in_dim3A_112 = arith.constant 0.000000e+00 : f32
      %broadcast_in_dim3A_113 = vector.broadcast %broadcast_in_dim3A_112 : f32 to vector<16xf32>
      %swap3A_114 = arith.constant 0 : i32
      %swap3A_115 = arith.index_cast %swap3A_114 : i32 to index
      %swap3A_116 = arith.index_cast %scan3A_50 : i32 to index
      %swap3A_117 = arith.constant 112 : index
      %swap3A_118 = tpu.vector_load %arg7[%swap3A_115, %swap3A_116, %swap3A_117] {strides = array<i32>} : memref<2x128x128xf32, #tpu.memory_space<vmem>>, vector<1x1x16xf32>,
      %swap3A_119 = vector.shape_cast %swap3A_118 : vector<1x1x16xf32> to vector<16xf32>
      %swap3A_120 = vector.shape_cast %broadcast_in_dim3A_113 : vector<16xf32> to vector<1x1x16xf32>
      tpu.vector_store %arg7[%swap3A_115, %swap3A_116, %swap3A_117], %swap3A_120 {strides = array<i32>} : memref<2x128x128xf32, #tpu.memory_space<vmem>>, vector<1x1x16xf32>,
    }
    %scan3A_11 = arith.constant 128 : i32
    %mul3A_12 = arith.constant 640 : i32
    %mul3A_13 = arith.muli %arg1, %mul3A_12 : i32
    %add3A_14 = arith.constant 0 : i32
    %add3A_15 = arith.addi %mul3A_13, %add3A_14 : i32
    %run_scoped3A = arith.constant 0 : i32
    "tpu.region"() ({
      %run_scoped3A_50 = tpu.sem_alloc : memref<!tpu.dma_semaphore, #tpu.memory_space<semaphore_mem>>
      %dma_start3A = arith.constant 0 : i32
      %dma_start3A_51 = arith.constant 0 : i32
      %dma_start3A_52 = tpu.memref_slice %arg7[%run_scoped3A, %dma_start3A, %dma_start3A_51] : memref<2x128x128xf32, #tpu.memory_space<vmem>> -> memref<1x128x128xf32, #tpu.memory_space<vmem>>
      %dma_start3A_53 = tpu.memref_squeeze %dma_start3A_52 : memref<1x128x128xf32, #tpu.memory_space<vmem>> -> memref<128x128xf32, #tpu.memory_space<vmem>>
      %dma_start3A_54 = arith.constant 0 : i32
      %dma_start3A_55 = tpu.memref_slice %arg8[%add3A_15, %dma_start3A_54] : memref<10240x128xf32, #tpu.memory_space<vmem_shared>> -> memref<128x128xf32, #tpu.memory_space<vmem_shared>>
      %dma_start3A_56 = arith.constant 0 : i32
      %dma_start3A_57 = tpu.memref_slice %arg8[%add3A_15, %dma_start3A_56] : memref<10240x128xf32, #tpu.memory_space<vmem_shared>> -> memref<128x128xf32, #tpu.memory_space<vmem_shared>>
      %dma_start3A_58 = arith.constant 0 : i32
      %dma_start3A_59 = arith.constant 0 : i32
      %dma_start3A_60 = tpu.memref_slice %arg7[%run_scoped3A, %dma_start3A_58, %dma_start3A_59] : memref<2x128x128xf32, #tpu.memory_space<vmem>> -> memref<1x128x128xf32, #tpu.memory_space<vmem>>
      %dma_start3A_61 = tpu.memref_squeeze %dma_start3A_60 : memref<1x128x128xf32, #tpu.memory_space<vmem>> -> memref<128x128xf32, #tpu.memory_space<vmem>>
      tpu.enqueue_dma source(%dma_start3A_61 : memref<128x128xf32, #tpu.memory_space<vmem>>) target(%dma_start3A_57 : memref<128x128xf32, #tpu.memory_space<vmem_shared>>) target_semaphore(%run_scoped3A_50 : memref<!tpu.dma_semaphore, #tpu.memory_space<semaphore_mem>>)
      %dma_wait3A = arith.constant 0 : i32
      %dma_wait3A_62 = arith.constant 0 : i32
      %dma_wait3A_63 = tpu.memref_slice %arg7[%run_scoped3A, %dma_wait3A, %dma_wait3A_62] : memref<2x128x128xf32, #tpu.memory_space<vmem>> -> memref<1x128x128xf32, #tpu.memory_space<vmem>>
      %dma_wait3A_64 = tpu.memref_squeeze %dma_wait3A_63 : memref<1x128x128xf32, #tpu.memory_space<vmem>> -> memref<128x128xf32, #tpu.memory_space<vmem>>
      %dma_wait3A_65 = arith.constant 0 : i32
      %dma_wait3A_66 = tpu.memref_slice %arg8[%add3A_15, %dma_wait3A_65] : memref<10240x128xf32, #tpu.memory_space<vmem_shared>> -> memref<128x128xf32, #tpu.memory_space<vmem_shared>>
      %dma_wait3A_67 = arith.constant 0 : i32
      %dma_wait3A_68 = tpu.memref_slice %arg8[%add3A_15, %dma_wait3A_67] : memref<10240x128xf32, #tpu.memory_space<vmem_shared>> -> memref<128x128xf32, #tpu.memory_space<vmem_shared>>
      %dma_wait3A_69 = arith.constant 0 : i32
      %dma_wait3A_70 = arith.constant 0 : i32
      %dma_wait3A_71 = tpu.memref_slice %arg7[%run_scoped3A, %dma_wait3A_69, %dma_wait3A_70] : memref<2x128x128xf32, #tpu.memory_space<vmem>> -> memref<1x128x128xf32, #tpu.memory_space<vmem>>
      %dma_wait3A_72 = tpu.memref_squeeze %dma_wait3A_71 : memref<1x128x128xf32, #tpu.memory_space<vmem>> -> memref<128x128xf32, #tpu.memory_space<vmem>>
      tpu.wait_dma2 semaphore(%run_scoped3A_50 : memref<!tpu.dma_semaphore, #tpu.memory_space<semaphore_mem>>) src(%dma_wait3A_72 : memref<128x128xf32, #tpu.memory_space<vmem>>) dst(%dma_wait3A_68 : memref<128x128xf32, #tpu.memory_space<vmem_shared>>)
      tpu.yield
    }) : () -> ()
    %mul3A_16 = arith.constant 640 : i32
    %mul3A_17 = arith.muli %arg1, %mul3A_16 : i32
    %add3A_18 = arith.constant 128 : i32
    %add3A_19 = arith.addi %mul3A_17, %add3A_18 : i32
    %run_scoped3A_20 = arith.constant 0 : i32
    "tpu.region"() ({
      %run_scoped3A_50 = tpu.sem_alloc : memref<!tpu.dma_semaphore, #tpu.memory_space<semaphore_mem>>
      %dma_start3A = arith.constant 0 : i32
      %dma_start3A_51 = arith.constant 0 : i32
      %dma_start3A_52 = tpu.memref_slice %arg7[%run_scoped3A_20, %dma_start3A, %dma_start3A_51] : memref<2x128x128xf32, #tpu.memory_space<vmem>> -> memref<1x128x128xf32, #tpu.memory_space<vmem>>
      %dma_start3A_53 = tpu.memref_squeeze %dma_start3A_52 : memref<1x128x128xf32, #tpu.memory_space<vmem>> -> memref<128x128xf32, #tpu.memory_space<vmem>>
      %dma_start3A_54 = arith.constant 0 : i32
      %dma_start3A_55 = tpu.memref_slice %arg8[%add3A_19, %dma_start3A_54] : memref<10240x128xf32, #tpu.memory_space<vmem_shared>> -> memref<128x128xf32, #tpu.memory_space<vmem_shared>>
      %dma_start3A_56 = arith.constant 0 : i32
      %dma_start3A_57 = tpu.memref_slice %arg8[%add3A_19, %dma_start3A_56] : memref<10240x128xf32, #tpu.memory_space<vmem_shared>> -> memref<128x128xf32, #tpu.memory_space<vmem_shared>>
      %dma_start3A_58 = arith.constant 0 : i32
      %dma_start3A_59 = arith.constant 0 : i32
      %dma_start3A_60 = tpu.memref_slice %arg7[%run_scoped3A_20, %dma_start3A_58, %dma_start3A_59] : memref<2x128x128xf32, #tpu.memory_space<vmem>> -> memref<1x128x128xf32, #tpu.memory_space<vmem>>
      %dma_start3A_61 = tpu.memref_squeeze %dma_start3A_60 : memref<1x128x128xf32, #tpu.memory_space<vmem>> -> memref<128x128xf32, #tpu.memory_space<vmem>>
      tpu.enqueue_dma source(%dma_start3A_61 : memref<128x128xf32, #tpu.memory_space<vmem>>) target(%dma_start3A_57 : memref<128x128xf32, #tpu.memory_space<vmem_shared>>) target_semaphore(%run_scoped3A_50 : memref<!tpu.dma_semaphore, #tpu.memory_space<semaphore_mem>>)
      %dma_wait3A = arith.constant 0 : i32
      %dma_wait3A_62 = arith.constant 0 : i32
      %dma_wait3A_63 = tpu.memref_slice %arg7[%run_scoped3A_20, %dma_wait3A, %dma_wait3A_62] : memref<2x128x128xf32, #tpu.memory_space<vmem>> -> memref<1x128x128xf32, #tpu.memory_space<vmem>>
      %dma_wait3A_64 = tpu.memref_squeeze %dma_wait3A_63 : memref<1x128x128xf32, #tpu.memory_space<vmem>> -> memref<128x128xf32, #tpu.memory_space<vmem>>
      %dma_wait3A_65 = arith.constant 0 : i32
      %dma_wait3A_66 = tpu.memref_slice %arg8[%add3A_19, %dma_wait3A_65] : memref<10240x128xf32, #tpu.memory_space<vmem_shared>> -> memref<128x128xf32, #tpu.memory_space<vmem_shared>>
      %dma_wait3A_67 = arith.constant 0 : i32
      %dma_wait3A_68 = tpu.memref_slice %arg8[%add3A_19, %dma_wait3A_67] : memref<10240x128xf32, #tpu.memory_space<vmem_shared>> -> memref<128x128xf32, #tpu.memory_space<vmem_shared>>
      %dma_wait3A_69 = arith.constant 0 : i32
      %dma_wait3A_70 = arith.constant 0 : i32
      %dma_wait3A_71 = tpu.memref_slice %arg7[%run_scoped3A_20, %dma_wait3A_69, %dma_wait3A_70] : memref<2x128x128xf32, #tpu.memory_space<vmem>> -> memref<1x128x128xf32, #tpu.memory_space<vmem>>
      %dma_wait3A_72 = tpu.memref_squeeze %dma_wait3A_71 : memref<1x128x128xf32, #tpu.memory_space<vmem>> -> memref<128x128xf32, #tpu.memory_space<vmem>>
      tpu.wait_dma2 semaphore(%run_scoped3A_50 : memref<!tpu.dma_semaphore, #tpu.memory_space<semaphore_mem>>) src(%dma_wait3A_72 : memref<128x128xf32, #tpu.memory_space<vmem>>) dst(%dma_wait3A_68 : memref<128x128xf32, #tpu.memory_space<vmem_shared>>)
      tpu.yield
    }) : () -> ()
    %mul3A_21 = arith.constant 640 : i32
    %mul3A_22 = arith.muli %arg1, %mul3A_21 : i32
    %add3A_23 = arith.constant 256 : i32
    %add3A_24 = arith.addi %mul3A_22, %add3A_23 : i32
    %run_scoped3A_25 = arith.constant 0 : i32
    "tpu.region"() ({
      %run_scoped3A_50 = tpu.sem_alloc : memref<!tpu.dma_semaphore, #tpu.memory_space<semaphore_mem>>
      %dma_start3A = arith.constant 0 : i32
      %dma_start3A_51 = arith.constant 0 : i32
      %dma_start3A_52 = tpu.memref_slice %arg7[%run_scoped3A_25, %dma_start3A, %dma_start3A_51] : memref<2x128x128xf32, #tpu.memory_space<vmem>> -> memref<1x128x128xf32, #tpu.memory_space<vmem>>
      %dma_start3A_53 = tpu.memref_squeeze %dma_start3A_52 : memref<1x128x128xf32, #tpu.memory_space<vmem>> -> memref<128x128xf32, #tpu.memory_space<vmem>>
      %dma_start3A_54 = arith.constant 0 : i32
      %dma_start3A_55 = tpu.memref_slice %arg8[%add3A_24, %dma_start3A_54] : memref<10240x128xf32, #tpu.memory_space<vmem_shared>> -> memref<128x128xf32, #tpu.memory_space<vmem_shared>>
      %dma_start3A_56 = arith.constant 0 : i32
      %dma_start3A_57 = tpu.memref_slice %arg8[%add3A_24, %dma_start3A_56] : memref<10240x128xf32, #tpu.memory_space<vmem_shared>> -> memref<128x128xf32, #tpu.memory_space<vmem_shared>>
      %dma_start3A_58 = arith.constant 0 : i32
      %dma_start3A_59 = arith.constant 0 : i32
      %dma_start3A_60 = tpu.memref_slice %arg7[%run_scoped3A_25, %dma_start3A_58, %dma_start3A_59] : memref<2x128x128xf32, #tpu.memory_space<vmem>> -> memref<1x128x128xf32, #tpu.memory_space<vmem>>
      %dma_start3A_61 = tpu.memref_squeeze %dma_start3A_60 : memref<1x128x128xf32, #tpu.memory_space<vmem>> -> memref<128x128xf32, #tpu.memory_space<vmem>>
      tpu.enqueue_dma source(%dma_start3A_61 : memref<128x128xf32, #tpu.memory_space<vmem>>) target(%dma_start3A_57 : memref<128x128xf32, #tpu.memory_space<vmem_shared>>) target_semaphore(%run_scoped3A_50 : memref<!tpu.dma_semaphore, #tpu.memory_space<semaphore_mem>>)
      %dma_wait3A = arith.constant 0 : i32
      %dma_wait3A_62 = arith.constant 0 : i32
      %dma_wait3A_63 = tpu.memref_slice %arg7[%run_scoped3A_25, %dma_wait3A, %dma_wait3A_62] : memref<2x128x128xf32, #tpu.memory_space<vmem>> -> memref<1x128x128xf32, #tpu.memory_space<vmem>>
      %dma_wait3A_64 = tpu.memref_squeeze %dma_wait3A_63 : memref<1x128x128xf32, #tpu.memory_space<vmem>> -> memref<128x128xf32, #tpu.memory_space<vmem>>
      %dma_wait3A_65 = arith.constant 0 : i32
      %dma_wait3A_66 = tpu.memref_slice %arg8[%add3A_24, %dma_wait3A_65] : memref<10240x128xf32, #tpu.memory_space<vmem_shared>> -> memref<128x128xf32, #tpu.memory_space<vmem_shared>>
      %dma_wait3A_67 = arith.constant 0 : i32
      %dma_wait3A_68 = tpu.memref_slice %arg8[%add3A_24, %dma_wait3A_67] : memref<10240x128xf32, #tpu.memory_space<vmem_shared>> -> memref<128x128xf32, #tpu.memory_space<vmem_shared>>
      %dma_wait3A_69 = arith.constant 0 : i32
      %dma_wait3A_70 = arith.constant 0 : i32
      %dma_wait3A_71 = tpu.memref_slice %arg7[%run_scoped3A_25, %dma_wait3A_69, %dma_wait3A_70] : memref<2x128x128xf32, #tpu.memory_space<vmem>> -> memref<1x128x128xf32, #tpu.memory_space<vmem>>
      %dma_wait3A_72 = tpu.memref_squeeze %dma_wait3A_71 : memref<1x128x128xf32, #tpu.memory_space<vmem>> -> memref<128x128xf32, #tpu.memory_space<vmem>>
      tpu.wait_dma2 semaphore(%run_scoped3A_50 : memref<!tpu.dma_semaphore, #tpu.memory_space<semaphore_mem>>) src(%dma_wait3A_72 : memref<128x128xf32, #tpu.memory_space<vmem>>) dst(%dma_wait3A_68 : memref<128x128xf32, #tpu.memory_space<vmem_shared>>)
      tpu.yield
    }) : () -> ()
    %mul3A_26 = arith.constant 640 : i32
    %mul3A_27 = arith.muli %arg1, %mul3A_26 : i32
    %add3A_28 = arith.constant 384 : i32
    %add3A_29 = arith.addi %mul3A_27, %add3A_28 : i32
    %run_scoped3A_30 = arith.constant 0 : i32
    "tpu.region"() ({
      %run_scoped3A_50 = tpu.sem_alloc : memref<!tpu.dma_semaphore, #tpu.memory_space<semaphore_mem>>
      %dma_start3A = arith.constant 0 : i32
      %dma_start3A_51 = arith.constant 0 : i32
      %dma_start3A_52 = tpu.memref_slice %arg7[%run_scoped3A_30, %dma_start3A, %dma_start3A_51] : memref<2x128x128xf32, #tpu.memory_space<vmem>> -> memref<1x128x128xf32, #tpu.memory_space<vmem>>
      %dma_start3A_53 = tpu.memref_squeeze %dma_start3A_52 : memref<1x128x128xf32, #tpu.memory_space<vmem>> -> memref<128x128xf32, #tpu.memory_space<vmem>>
      %dma_start3A_54 = arith.constant 0 : i32
      %dma_start3A_55 = tpu.memref_slice %arg8[%add3A_29, %dma_start3A_54] : memref<10240x128xf32, #tpu.memory_space<vmem_shared>> -> memref<128x128xf32, #tpu.memory_space<vmem_shared>>
      %dma_start3A_56 = arith.constant 0 : i32
      %dma_start3A_57 = tpu.memref_slice %arg8[%add3A_29, %dma_start3A_56] : memref<10240x128xf32, #tpu.memory_space<vmem_shared>> -> memref<128x128xf32, #tpu.memory_space<vmem_shared>>
      %dma_start3A_58 = arith.constant 0 : i32
      %dma_start3A_59 = arith.constant 0 : i32
      %dma_start3A_60 = tpu.memref_slice %arg7[%run_scoped3A_30, %dma_start3A_58, %dma_start3A_59] : memref<2x128x128xf32, #tpu.memory_space<vmem>> -> memref<1x128x128xf32, #tpu.memory_space<vmem>>
      %dma_start3A_61 = tpu.memref_squeeze %dma_start3A_60 : memref<1x128x128xf32, #tpu.memory_space<vmem>> -> memref<128x128xf32, #tpu.memory_space<vmem>>
      tpu.enqueue_dma source(%dma_start3A_61 : memref<128x128xf32, #tpu.memory_space<vmem>>) target(%dma_start3A_57 : memref<128x128xf32, #tpu.memory_space<vmem_shared>>) target_semaphore(%run_scoped3A_50 : memref<!tpu.dma_semaphore, #tpu.memory_space<semaphore_mem>>)
      %dma_wait3A = arith.constant 0 : i32
      %dma_wait3A_62 = arith.constant 0 : i32
      %dma_wait3A_63 = tpu.memref_slice %arg7[%run_scoped3A_30, %dma_wait3A, %dma_wait3A_62] : memref<2x128x128xf32, #tpu.memory_space<vmem>> -> memref<1x128x128xf32, #tpu.memory_space<vmem>>
      %dma_wait3A_64 = tpu.memref_squeeze %dma_wait3A_63 : memref<1x128x128xf32, #tpu.memory_space<vmem>> -> memref<128x128xf32, #tpu.memory_space<vmem>>
      %dma_wait3A_65 = arith.constant 0 : i32
      %dma_wait3A_66 = tpu.memref_slice %arg8[%add3A_29, %dma_wait3A_65] : memref<10240x128xf32, #tpu.memory_space<vmem_shared>> -> memref<128x128xf32, #tpu.memory_space<vmem_shared>>
      %dma_wait3A_67 = arith.constant 0 : i32
      %dma_wait3A_68 = tpu.memref_slice %arg8[%add3A_29, %dma_wait3A_67] : memref<10240x128xf32, #tpu.memory_space<vmem_shared>> -> memref<128x128xf32, #tpu.memory_space<vmem_shared>>
      %dma_wait3A_69 = arith.constant 0 : i32
      %dma_wait3A_70 = arith.constant 0 : i32
      %dma_wait3A_71 = tpu.memref_slice %arg7[%run_scoped3A_30, %dma_wait3A_69, %dma_wait3A_70] : memref<2x128x128xf32, #tpu.memory_space<vmem>> -> memref<1x128x128xf32, #tpu.memory_space<vmem>>
      %dma_wait3A_72 = tpu.memref_squeeze %dma_wait3A_71 : memref<1x128x128xf32, #tpu.memory_space<vmem>> -> memref<128x128xf32, #tpu.memory_space<vmem>>
      tpu.wait_dma2 semaphore(%run_scoped3A_50 : memref<!tpu.dma_semaphore, #tpu.memory_space<semaphore_mem>>) src(%dma_wait3A_72 : memref<128x128xf32, #tpu.memory_space<vmem>>) dst(%dma_wait3A_68 : memref<128x128xf32, #tpu.memory_space<vmem_shared>>)
      tpu.yield
    }) : () -> ()
    %mul3A_31 = arith.constant 640 : i32
    %mul3A_32 = arith.muli %arg1, %mul3A_31 : i32
    %add3A_33 = arith.constant 512 : i32
    %add3A_34 = arith.addi %mul3A_32, %add3A_33 : i32
    %run_scoped3A_35 = arith.constant 0 : i32
    "tpu.region"() ({
      %run_scoped3A_50 = tpu.sem_alloc : memref<!tpu.dma_semaphore, #tpu.memory_space<semaphore_mem>>
      %dma_start3A = arith.constant 0 : i32
      %dma_start3A_51 = arith.constant 0 : i32
      %dma_start3A_52 = tpu.memref_slice %arg7[%run_scoped3A_35, %dma_start3A, %dma_start3A_51] : memref<2x128x128xf32, #tpu.memory_space<vmem>> -> memref<1x128x128xf32, #tpu.memory_space<vmem>>
      %dma_start3A_53 = tpu.memref_squeeze %dma_start3A_52 : memref<1x128x128xf32, #tpu.memory_space<vmem>> -> memref<128x128xf32, #tpu.memory_space<vmem>>
      %dma_start3A_54 = arith.constant 0 : i32
      %dma_start3A_55 = tpu.memref_slice %arg8[%add3A_34, %dma_start3A_54] : memref<10240x128xf32, #tpu.memory_space<vmem_shared>> -> memref<128x128xf32, #tpu.memory_space<vmem_shared>>
      %dma_start3A_56 = arith.constant 0 : i32
      %dma_start3A_57 = tpu.memref_slice %arg8[%add3A_34, %dma_start3A_56] : memref<10240x128xf32, #tpu.memory_space<vmem_shared>> -> memref<128x128xf32, #tpu.memory_space<vmem_shared>>
      %dma_start3A_58 = arith.constant 0 : i32
      %dma_start3A_59 = arith.constant 0 : i32
      %dma_start3A_60 = tpu.memref_slice %arg7[%run_scoped3A_35, %dma_start3A_58, %dma_start3A_59] : memref<2x128x128xf32, #tpu.memory_space<vmem>> -> memref<1x128x128xf32, #tpu.memory_space<vmem>>
      %dma_start3A_61 = tpu.memref_squeeze %dma_start3A_60 : memref<1x128x128xf32, #tpu.memory_space<vmem>> -> memref<128x128xf32, #tpu.memory_space<vmem>>
      tpu.enqueue_dma source(%dma_start3A_61 : memref<128x128xf32, #tpu.memory_space<vmem>>) target(%dma_start3A_57 : memref<128x128xf32, #tpu.memory_space<vmem_shared>>) target_semaphore(%run_scoped3A_50 : memref<!tpu.dma_semaphore, #tpu.memory_space<semaphore_mem>>)
      %dma_wait3A = arith.constant 0 : i32
      %dma_wait3A_62 = arith.constant 0 : i32
      %dma_wait3A_63 = tpu.memref_slice %arg7[%run_scoped3A_35, %dma_wait3A, %dma_wait3A_62] : memref<2x128x128xf32, #tpu.memory_space<vmem>> -> memref<1x128x128xf32, #tpu.memory_space<vmem>>
      %dma_wait3A_64 = tpu.memref_squeeze %dma_wait3A_63 : memref<1x128x128xf32, #tpu.memory_space<vmem>> -> memref<128x128xf32, #tpu.memory_space<vmem>>
      %dma_wait3A_65 = arith.constant 0 : i32
      %dma_wait3A_66 = tpu.memref_slice %arg8[%add3A_34, %dma_wait3A_65] : memref<10240x128xf32, #tpu.memory_space<vmem_shared>> -> memref<128x128xf32, #tpu.memory_space<vmem_shared>>
      %dma_wait3A_67 = arith.constant 0 : i32
      %dma_wait3A_68 = tpu.memref_slice %arg8[%add3A_34, %dma_wait3A_67] : memref<10240x128xf32, #tpu.memory_space<vmem_shared>> -> memref<128x128xf32, #tpu.memory_space<vmem_shared>>
      %dma_wait3A_69 = arith.constant 0 : i32
      %dma_wait3A_70 = arith.constant 0 : i32
      %dma_wait3A_71 = tpu.memref_slice %arg7[%run_scoped3A_35, %dma_wait3A_69, %dma_wait3A_70] : memref<2x128x128xf32, #tpu.memory_space<vmem>> -> memref<1x128x128xf32, #tpu.memory_space<vmem>>
      %dma_wait3A_72 = tpu.memref_squeeze %dma_wait3A_71 : memref<1x128x128xf32, #tpu.memory_space<vmem>> -> memref<128x128xf32, #tpu.memory_space<vmem>>
      tpu.wait_dma2 semaphore(%run_scoped3A_50 : memref<!tpu.dma_semaphore, #tpu.memory_space<semaphore_mem>>) src(%dma_wait3A_72 : memref<128x128xf32, #tpu.memory_space<vmem>>) dst(%dma_wait3A_68 : memref<128x128xf32, #tpu.memory_space<vmem_shared>>)
      tpu.yield
    }) : () -> ()
    %barrier3A = arith.constant 0 : index
    tpu.barrier barrier_id(%barrier3A)
    %while3A = arith.constant 0 : i32
    %while3A_36 = arith.constant 0 : i32
    %while3A_37 = arith.subi %select_n3A, %while3A_36 : i32
    %while3A_38 = arith.addi %while3A_36, %while3A_37 : i32
    %while3A_39 = arith.constant 1 : i32
    %while3A_40 = arith.divsi %while3A_37, %while3A_39 : i32
    %while3A_41 = arith.muli %while3A_40, %while3A_39 : i32
    %while3A_42 = arith.addi %while3A_36, %while3A_41 : i32
    %while3A_43 = arith.constant 1 : i32
    scf.for %while3A_50 = %while3A_36 to %while3A_42 step %while3A_43  : i32 {
      %mul3A_51 = arith.constant 40 : i32
      %mul3A_52 = arith.muli %while3A_50, %mul3A_51 : i32
      %add3A_53 = arith.addi %select_n3A_6, %mul3A_52 : i32
      %run_scoped3A_54 = arith.constant 0 : i32
      "tpu.region"() ({
        %run_scoped3A_108 = tpu.sem_alloc : memref<!tpu.dma_semaphore, #tpu.memory_space<semaphore_mem>>
        %dma_start3A_109 = arith.constant 0 : i32
        %dma_start3A_110 = tpu.memref_slice %arg3[%run_scoped3A_54, %add3A_53, %dma_start3A_109] : memref<2x2560x128xi32, #tpu.memory_space<hbm>> -> memref<1x40x128xi32, #tpu.memory_space<hbm>>
        %dma_start3A_111 = tpu.memref_squeeze %dma_start3A_110 : memref<1x40x128xi32, #tpu.memory_space<hbm>> -> memref<40x128xi32, #tpu.memory_space<hbm>>
        %dma_start3A_112 = arith.constant 0 : i32
        %dma_start3A_113 = tpu.memref_slice %arg3[%run_scoped3A_54, %add3A_53, %dma_start3A_112] : memref<2x2560x128xi32, #tpu.memory_space<hbm>> -> memref<1x40x128xi32, #tpu.memory_space<hbm>>
        %dma_start3A_114 = tpu.memref_squeeze %dma_start3A_113 : memref<1x40x128xi32, #tpu.memory_space<hbm>> -> memref<40x128xi32, #tpu.memory_space<hbm>>
        tpu.enqueue_dma source(%dma_start3A_114 : memref<40x128xi32, #tpu.memory_space<hbm>>) target(%arg5 : memref<40x128xi32, #tpu.memory_space<vmem>>) target_semaphore(%run_scoped3A_108 : memref<!tpu.dma_semaphore, #tpu.memory_space<semaphore_mem>>)
        %dma_wait3A_115 = arith.constant 0 : i32
        %dma_wait3A_116 = tpu.memref_slice %arg3[%run_scoped3A_54, %add3A_53, %dma_wait3A_115] : memref<2x2560x128xi32, #tpu.memory_space<hbm>> -> memref<1x40x128xi32, #tpu.memory_space<hbm>>
        %dma_wait3A_117 = tpu.memref_squeeze %dma_wait3A_116 : memref<1x40x128xi32, #tpu.memory_space<hbm>> -> memref<40x128xi32, #tpu.memory_space<hbm>>
        %dma_wait3A_118 = arith.constant 0 : i32
        %dma_wait3A_119 = tpu.memref_slice %arg3[%run_scoped3A_54, %add3A_53, %dma_wait3A_118] : memref<2x2560x128xi32, #tpu.memory_space<hbm>> -> memref<1x40x128xi32, #tpu.memory_space<hbm>>
        %dma_wait3A_120 = tpu.memref_squeeze %dma_wait3A_119 : memref<1x40x128xi32, #tpu.memory_space<hbm>> -> memref<40x128xi32, #tpu.memory_space<hbm>>
        tpu.wait_dma2 semaphore(%run_scoped3A_108 : memref<!tpu.dma_semaphore, #tpu.memory_space<semaphore_mem>>) src(%dma_wait3A_120 : memref<40x128xi32, #tpu.memory_space<hbm>>) dst(%arg5 : memref<40x128xi32, #tpu.memory_space<vmem>>)
        tpu.yield
      }) : () -> ()
      %run_scoped3A_55 = arith.constant 1 : i32
      "tpu.region"() ({
        %run_scoped3A_108 = tpu.sem_alloc : memref<!tpu.dma_semaphore, #tpu.memory_space<semaphore_mem>>
        %dma_start3A_109 = arith.constant 0 : i32
        %dma_start3A_110 = tpu.memref_slice %arg3[%run_scoped3A_55, %add3A_53, %dma_start3A_109] : memref<2x2560x128xi32, #tpu.memory_space<hbm>> -> memref<1x40x128xi32, #tpu.memory_space<hbm>>
        %dma_start3A_111 = tpu.memref_squeeze %dma_start3A_110 : memref<1x40x128xi32, #tpu.memory_space<hbm>> -> memref<40x128xi32, #tpu.memory_space<hbm>>
        %dma_start3A_112 = arith.constant 0 : i32
        %dma_start3A_113 = tpu.memref_slice %arg3[%run_scoped3A_55, %add3A_53, %dma_start3A_112] : memref<2x2560x128xi32, #tpu.memory_space<hbm>> -> memref<1x40x128xi32, #tpu.memory_space<hbm>>
        %dma_start3A_114 = tpu.memref_squeeze %dma_start3A_113 : memref<1x40x128xi32, #tpu.memory_space<hbm>> -> memref<40x128xi32, #tpu.memory_space<hbm>>
        tpu.enqueue_dma source(%dma_start3A_114 : memref<40x128xi32, #tpu.memory_space<hbm>>) target(%arg6 : memref<40x128xi32, #tpu.memory_space<vmem>>) target_semaphore(%run_scoped3A_108 : memref<!tpu.dma_semaphore, #tpu.memory_space<semaphore_mem>>)
        %dma_wait3A_115 = arith.constant 0 : i32
        %dma_wait3A_116 = tpu.memref_slice %arg3[%run_scoped3A_55, %add3A_53, %dma_wait3A_115] : memref<2x2560x128xi32, #tpu.memory_space<hbm>> -> memref<1x40x128xi32, #tpu.memory_space<hbm>>
        %dma_wait3A_117 = tpu.memref_squeeze %dma_wait3A_116 : memref<1x40x128xi32, #tpu.memory_space<hbm>> -> memref<40x128xi32, #tpu.memory_space<hbm>>
        %dma_wait3A_118 = arith.constant 0 : i32
        %dma_wait3A_119 = tpu.memref_slice %arg3[%run_scoped3A_55, %add3A_53, %dma_wait3A_118] : memref<2x2560x128xi32, #tpu.memory_space<hbm>> -> memref<1x40x128xi32, #tpu.memory_space<hbm>>
        %dma_wait3A_120 = tpu.memref_squeeze %dma_wait3A_119 : memref<1x40x128xi32, #tpu.memory_space<hbm>> -> memref<40x128xi32, #tpu.memory_space<hbm>>
        tpu.wait_dma2 semaphore(%run_scoped3A_108 : memref<!tpu.dma_semaphore, #tpu.memory_space<semaphore_mem>>) src(%dma_wait3A_120 : memref<40x128xi32, #tpu.memory_space<hbm>>) dst(%arg6 : memref<40x128xi32, #tpu.memory_space<vmem>>)
        tpu.yield
      }) : () -> ()
      %dma_start3A = arith.constant 0 : i32
      %dma_start3A_56 = arith.constant 0 : i32
      %dma_start3A_57 = arith.constant 0 : i32
      %dma_start3A_58 = arith.constant 0 : i32
      %dma_start3A_59 = tpu.memref_slice %arg7[%dma_start3A_56, %dma_start3A_57, %dma_start3A_58] : memref<2x128x128xf32, #tpu.memory_space<vmem>> -> memref<1x128x128xf32, #tpu.memory_space<vmem>>
      %dma_start3A_60 = tpu.memref_squeeze %dma_start3A_59 : memref<1x128x128xf32, #tpu.memory_space<vmem>> -> memref<128x128xf32, #tpu.memory_space<vmem>>
      %dma_start3A_61 = arith.constant 0 : i32
      %dma_start3A_62 = tpu.memref_slice %arg5[%dma_start3A, %dma_start3A_61] : memref<40x128xi32, #tpu.memory_space<vmem>> -> memref<1x128xi32, #tpu.memory_space<vmem>>
      %dma_start3A_63 = tpu.memref_squeeze %dma_start3A_62 : memref<1x128xi32, #tpu.memory_space<vmem>> -> memref<128xi32, #tpu.memory_space<vmem>>
      %dma_start3A_64 = arith.constant 0 : i32
      %dma_start3A_65 = arith.constant 0 : i32
      %dma_start3A_66 = tpu.memref_slice %arg2[%dma_start3A_64, %dma_start3A_65] : memref<10240x128xf32, #tpu.memory_space<hbm>> -> memref<10240x128xf32, #tpu.memory_space<hbm>>
      tpu.enqueue_indirect_dma source(%dma_start3A_66 : memref<10240x128xf32, #tpu.memory_space<hbm>>) target(%dma_start3A_60 : memref<128x128xf32, #tpu.memory_space<vmem>>) offsets(%dma_start3A_63 : memref<128xi32, #tpu.memory_space<vmem>>) semaphore(%arg9 : memref<!tpu.dma_semaphore, #tpu.memory_space<semaphore_mem>>)
      %dma_start3A_67 = arith.constant 1 : i32
      %dma_start3A_68 = arith.constant 1 : i32
      %dma_start3A_69 = arith.constant 0 : i32
      %dma_start3A_70 = arith.constant 0 : i32
      %dma_start3A_71 = tpu.memref_slice %arg7[%dma_start3A_68, %dma_start3A_69, %dma_start3A_70] : memref<2x128x128xf32, #tpu.memory_space<vmem>> -> memref<1x128x128xf32, #tpu.memory_space<vmem>>
      %dma_start3A_72 = tpu.memref_squeeze %dma_start3A_71 : memref<1x128x128xf32, #tpu.memory_space<vmem>> -> memref<128x128xf32, #tpu.memory_space<vmem>>
      %dma_start3A_73 = arith.constant 0 : i32
      %dma_start3A_74 = tpu.memref_slice %arg5[%dma_start3A_67, %dma_start3A_73] : memref<40x128xi32, #tpu.memory_space<vmem>> -> memref<1x128xi32, #tpu.memory_space<vmem>>
      %dma_start3A_75 = tpu.memref_squeeze %dma_start3A_74 : memref<1x128xi32, #tpu.memory_space<vmem>> -> memref<128xi32, #tpu.memory_space<vmem>>
      %dma_start3A_76 = arith.constant 0 : i32
      %dma_start3A_77 = arith.constant 0 : i32
      %dma_start3A_78 = tpu.memref_slice %arg2[%dma_start3A_76, %dma_start3A_77] : memref<10240x128xf32, #tpu.memory_space<hbm>> -> memref<10240x128xf32, #tpu.memory_space<hbm>>
      tpu.enqueue_indirect_dma source(%dma_start3A_78 : memref<10240x128xf32, #tpu.memory_space<hbm>>) target(%dma_start3A_72 : memref<128x128xf32, #tpu.memory_space<vmem>>) offsets(%dma_start3A_75 : memref<128xi32, #tpu.memory_space<vmem>>) semaphore(%arg10 : memref<!tpu.dma_semaphore, #tpu.memory_space<semaphore_mem>>)
      %scan3A_79 = arith.constant 0 : i32
      %scan3A_80 = arith.constant 0 : i32
      %scan3A_81 = arith.constant 20 : i32
      %scan3A_82 = arith.addi %scan3A_80, %scan3A_81 : i32
      %scan3A_83 = arith.constant 1 : i32
      scf.for %scan3A_108 = %scan3A_80 to %scan3A_82 step %scan3A_83  : i32 {
        %mul3A_109 = arith.constant 2 : i32
        %mul3A_110 = arith.muli %scan3A_108, %mul3A_109 : i32
        %add3A_111 = arith.constant 0 : i32
        %add3A_112 = arith.addi %mul3A_110, %add3A_111 : i32
        %dma_wait3A_113 = arith.constant 0 : i32
        %dma_wait3A_114 = arith.constant 0 : i32
        %dma_wait3A_115 = arith.constant 0 : i32
        %dma_wait3A_116 = tpu.memref_slice %arg7[%dma_wait3A_113, %dma_wait3A_114, %dma_wait3A_115] : memref<2x128x128xf32, #tpu.memory_space<vmem>> -> memref<1x128x128xf32, #tpu.memory_space<vmem>>
        %dma_wait3A_117 = tpu.memref_squeeze %dma_wait3A_116 : memref<1x128x128xf32, #tpu.memory_space<vmem>> -> memref<128x128xf32, #tpu.memory_space<vmem>>
        %dma_wait3A_118 = arith.constant 0 : i32
        %dma_wait3A_119 = tpu.memref_slice %arg5[%add3A_112, %dma_wait3A_118] : memref<40x128xi32, #tpu.memory_space<vmem>> -> memref<1x128xi32, #tpu.memory_space<vmem>>
        %dma_wait3A_120 = tpu.memref_squeeze %dma_wait3A_119 : memref<1x128xi32, #tpu.memory_space<vmem>> -> memref<128xi32, #tpu.memory_space<vmem>>
        %dma_wait3A_121 = arith.constant 0 : i32
        %dma_wait3A_122 = arith.constant 0 : i32
        %dma_wait3A_123 = tpu.memref_slice %arg2[%dma_wait3A_121, %dma_wait3A_122] : memref<10240x128xf32, #tpu.memory_space<hbm>> -> memref<10240x128xf32, #tpu.memory_space<hbm>>
        tpu.wait_indirect_dma semaphore(%arg9 : memref<!tpu.dma_semaphore, #tpu.memory_space<semaphore_mem>>) src(%dma_wait3A_123 : memref<10240x128xf32, #tpu.memory_space<hbm>>) dst(%dma_wait3A_117 : memref<128x128xf32, #tpu.memory_space<vmem>>)
        %dma_start3A_124 = arith.constant 0 : i32
        %dma_start3A_125 = arith.constant 0 : i32
        %dma_start3A_126 = arith.constant 0 : i32
        %dma_start3A_127 = tpu.memref_slice %arg7[%dma_start3A_124, %dma_start3A_125, %dma_start3A_126] : memref<2x128x128xf32, #tpu.memory_space<vmem>> -> memref<1x128x128xf32, #tpu.memory_space<vmem>>
        %dma_start3A_128 = tpu.memref_squeeze %dma_start3A_127 : memref<1x128x128xf32, #tpu.memory_space<vmem>> -> memref<128x128xf32, #tpu.memory_space<vmem>>
        %dma_start3A_129 = arith.constant 0 : i32
        %dma_start3A_130 = tpu.memref_slice %arg6[%add3A_112, %dma_start3A_129] : memref<40x128xi32, #tpu.memory_space<vmem>> -> memref<1x128xi32, #tpu.memory_space<vmem>>
        %dma_start3A_131 = tpu.memref_squeeze %dma_start3A_130 : memref<1x128xi32, #tpu.memory_space<vmem>> -> memref<128xi32, #tpu.memory_space<vmem>>
        %dma_start3A_132 = arith.constant 0 : i32
        %dma_start3A_133 = arith.constant 0 : i32
        %dma_start3A_134 = tpu.memref_slice %arg8[%dma_start3A_132, %dma_start3A_133] : memref<10240x128xf32, #tpu.memory_space<vmem_shared>> -> memref<10240x128xf32, #tpu.memory_space<vmem_shared>>
        tpu.enqueue_indirect_dma source(%dma_start3A_128 : memref<128x128xf32, #tpu.memory_space<vmem>>) target(%dma_start3A_134 : memref<10240x128xf32, #tpu.memory_space<vmem_shared>>) offsets(%dma_start3A_131 : memref<128xi32, #tpu.memory_space<vmem>>) semaphore(%arg11 : memref<!tpu.dma_semaphore, #tpu.memory_space<semaphore_mem>>) {add = true}
        %mul3A_135 = arith.constant 2 : i32
        %mul3A_136 = arith.muli %scan3A_108, %mul3A_135 : i32
        %add3A_137 = arith.constant 1 : i32
        %add3A_138 = arith.addi %mul3A_136, %add3A_137 : i32
        %dma_wait3A_139 = arith.constant 1 : i32
        %dma_wait3A_140 = arith.constant 0 : i32
        %dma_wait3A_141 = arith.constant 0 : i32
        %dma_wait3A_142 = tpu.memref_slice %arg7[%dma_wait3A_139, %dma_wait3A_140, %dma_wait3A_141] : memref<2x128x128xf32, #tpu.memory_space<vmem>> -> memref<1x128x128xf32, #tpu.memory_space<vmem>>
        %dma_wait3A_143 = tpu.memref_squeeze %dma_wait3A_142 : memref<1x128x128xf32, #tpu.memory_space<vmem>> -> memref<128x128xf32, #tpu.memory_space<vmem>>
        %dma_wait3A_144 = arith.constant 0 : i32
        %dma_wait3A_145 = tpu.memref_slice %arg5[%add3A_138, %dma_wait3A_144] : memref<40x128xi32, #tpu.memory_space<vmem>> -> memref<1x128xi32, #tpu.memory_space<vmem>>
        %dma_wait3A_146 = tpu.memref_squeeze %dma_wait3A_145 : memref<1x128xi32, #tpu.memory_space<vmem>> -> memref<128xi32, #tpu.memory_space<vmem>>
        %dma_wait3A_147 = arith.constant 0 : i32
        %dma_wait3A_148 = arith.constant 0 : i32
        %dma_wait3A_149 = tpu.memref_slice %arg2[%dma_wait3A_147, %dma_wait3A_148] : memref<10240x128xf32, #tpu.memory_space<hbm>> -> memref<10240x128xf32, #tpu.memory_space<hbm>>
        tpu.wait_indirect_dma semaphore(%arg10 : memref<!tpu.dma_semaphore, #tpu.memory_space<semaphore_mem>>) src(%dma_wait3A_149 : memref<10240x128xf32, #tpu.memory_space<hbm>>) dst(%dma_wait3A_143 : memref<128x128xf32, #tpu.memory_space<vmem>>)
        %dma_start3A_150 = arith.constant 1 : i32
        %dma_start3A_151 = arith.constant 0 : i32
        %dma_start3A_152 = arith.constant 0 : i32
        %dma_start3A_153 = tpu.memref_slice %arg7[%dma_start3A_150, %dma_start3A_151, %dma_start3A_152] : memref<2x128x128xf32, #tpu.memory_space<vmem>> -> memref<1x128x128xf32, #tpu.memory_space<vmem>>
        %dma_start3A_154 = tpu.memref_squeeze %dma_start3A_153 : memref<1x128x128xf32, #tpu.memory_space<vmem>> -> memref<128x128xf32, #tpu.memory_space<vmem>>
        %dma_start3A_155 = arith.constant 0 : i32
        %dma_start3A_156 = tpu.memref_slice %arg6[%add3A_138, %dma_start3A_155] : memref<40x128xi32, #tpu.memory_space<vmem>> -> memref<1x128xi32, #tpu.memory_space<vmem>>
        %dma_start3A_157 = tpu.memref_squeeze %dma_start3A_156 : memref<1x128xi32, #tpu.memory_space<vmem>> -> memref<128xi32, #tpu.memory_space<vmem>>
        %dma_start3A_158 = arith.constant 0 : i32
        %dma_start3A_159 = arith.constant 0 : i32
        %dma_start3A_160 = tpu.memref_slice %arg8[%dma_start3A_158, %dma_start3A_159] : memref<10240x128xf32, #tpu.memory_space<vmem_shared>> -> memref<10240x128xf32, #tpu.memory_space<vmem_shared>>
        tpu.enqueue_indirect_dma source(%dma_start3A_154 : memref<128x128xf32, #tpu.memory_space<vmem>>) target(%dma_start3A_160 : memref<10240x128xf32, #tpu.memory_space<vmem_shared>>) offsets(%dma_start3A_157 : memref<128xi32, #tpu.memory_space<vmem>>) semaphore(%arg12 : memref<!tpu.dma_semaphore, #tpu.memory_space<semaphore_mem>>) {add = true}
        %mul3A_161 = arith.constant 2 : i32
        %mul3A_162 = arith.muli %scan3A_108, %mul3A_161 : i32
        %add3A_163 = arith.constant 0 : i32
        %add3A_164 = arith.addi %mul3A_162, %add3A_163 : i32
        %lt3A = arith.constant 19 : i32
        %lt3A_165 = arith.cmpi slt, %scan3A_108, %lt3A : i32
        %convert_element_type3A = arith.extui %lt3A_165 : i1 to i32
        %cond3A = arith.constant 0 : i32
        %cond3A_166 = arith.cmpi ne, %convert_element_type3A, %cond3A : i32
        scf.if %cond3A_166 {
          %dma_wait3A_176 = arith.constant 0 : i32
          %dma_wait3A_177 = arith.constant 0 : i32
          %dma_wait3A_178 = arith.constant 0 : i32
          %dma_wait3A_179 = tpu.memref_slice %arg7[%dma_wait3A_176, %dma_wait3A_177, %dma_wait3A_178] : memref<2x128x128xf32, #tpu.memory_space<vmem>> -> memref<1x128x128xf32, #tpu.memory_space<vmem>>
          %dma_wait3A_180 = tpu.memref_squeeze %dma_wait3A_179 : memref<1x128x128xf32, #tpu.memory_space<vmem>> -> memref<128x128xf32, #tpu.memory_space<vmem>>
          %dma_wait3A_181 = arith.constant 0 : i32
          %dma_wait3A_182 = tpu.memref_slice %arg6[%add3A_164, %dma_wait3A_181] : memref<40x128xi32, #tpu.memory_space<vmem>> -> memref<1x128xi32, #tpu.memory_space<vmem>>
          %dma_wait3A_183 = tpu.memref_squeeze %dma_wait3A_182 : memref<1x128xi32, #tpu.memory_space<vmem>> -> memref<128xi32, #tpu.memory_space<vmem>>
          %dma_wait3A_184 = arith.constant 0 : i32
          %dma_wait3A_185 = arith.constant 0 : i32
          %dma_wait3A_186 = tpu.memref_slice %arg8[%dma_wait3A_184, %dma_wait3A_185] : memref<10240x128xf32, #tpu.memory_space<vmem_shared>> -> memref<10240x128xf32, #tpu.memory_space<vmem_shared>>
          tpu.wait_indirect_dma semaphore(%arg11 : memref<!tpu.dma_semaphore, #tpu.memory_space<semaphore_mem>>) src(%dma_wait3A_180 : memref<128x128xf32, #tpu.memory_space<vmem>>) dst(%dma_wait3A_186 : memref<10240x128xf32, #tpu.memory_space<vmem_shared>>)
          %add3A_187 = arith.constant 2 : i32
          %add3A_188 = arith.addi %add3A_164, %add3A_187 : i32
          %dma_start3A_189 = arith.constant 0 : i32
          %dma_start3A_190 = arith.constant 0 : i32
          %dma_start3A_191 = arith.constant 0 : i32
          %dma_start3A_192 = tpu.memref_slice %arg7[%dma_start3A_189, %dma_start3A_190, %dma_start3A_191] : memref<2x128x128xf32, #tpu.memory_space<vmem>> -> memref<1x128x128xf32, #tpu.memory_space<vmem>>
          %dma_start3A_193 = tpu.memref_squeeze %dma_start3A_192 : memref<1x128x128xf32, #tpu.memory_space<vmem>> -> memref<128x128xf32, #tpu.memory_space<vmem>>
          %dma_start3A_194 = arith.constant 0 : i32
          %dma_start3A_195 = tpu.memref_slice %arg5[%add3A_188, %dma_start3A_194] : memref<40x128xi32, #tpu.memory_space<vmem>> -> memref<1x128xi32, #tpu.memory_space<vmem>>
          %dma_start3A_196 = tpu.memref_squeeze %dma_start3A_195 : memref<1x128xi32, #tpu.memory_space<vmem>> -> memref<128xi32, #tpu.memory_space<vmem>>
          %dma_start3A_197 = arith.constant 0 : i32
          %dma_start3A_198 = arith.constant 0 : i32
          %dma_start3A_199 = tpu.memref_slice %arg2[%dma_start3A_197, %dma_start3A_198] : memref<10240x128xf32, #tpu.memory_space<hbm>> -> memref<10240x128xf32, #tpu.memory_space<hbm>>
          tpu.enqueue_indirect_dma source(%dma_start3A_199 : memref<10240x128xf32, #tpu.memory_space<hbm>>) target(%dma_start3A_193 : memref<128x128xf32, #tpu.memory_space<vmem>>) offsets(%dma_start3A_196 : memref<128xi32, #tpu.memory_space<vmem>>) semaphore(%arg9 : memref<!tpu.dma_semaphore, #tpu.memory_space<semaphore_mem>>)
        } else {
        }
        %mul3A_167 = arith.constant 2 : i32
        %mul3A_168 = arith.muli %scan3A_108, %mul3A_167 : i32
        %add3A_169 = arith.constant 1 : i32
        %add3A_170 = arith.addi %mul3A_168, %add3A_169 : i32
        %lt3A_171 = arith.constant 19 : i32
        %lt3A_172 = arith.cmpi slt, %scan3A_108, %lt3A_171 : i32
        %convert_element_type3A_173 = arith.extui %lt3A_172 : i1 to i32
        %cond3A_174 = arith.constant 0 : i32
        %cond3A_175 = arith.cmpi ne, %convert_element_type3A_173, %cond3A_174 : i32
        scf.if %cond3A_175 {
          %dma_wait3A_176 = arith.constant 1 : i32
          %dma_wait3A_177 = arith.constant 0 : i32
          %dma_wait3A_178 = arith.constant 0 : i32
          %dma_wait3A_179 = tpu.memref_slice %arg7[%dma_wait3A_176, %dma_wait3A_177, %dma_wait3A_178] : memref<2x128x128xf32, #tpu.memory_space<vmem>> -> memref<1x128x128xf32, #tpu.memory_space<vmem>>
          %dma_wait3A_180 = tpu.memref_squeeze %dma_wait3A_179 : memref<1x128x128xf32, #tpu.memory_space<vmem>> -> memref<128x128xf32, #tpu.memory_space<vmem>>
          %dma_wait3A_181 = arith.constant 0 : i32
          %dma_wait3A_182 = tpu.memref_slice %arg6[%add3A_170, %dma_wait3A_181] : memref<40x128xi32, #tpu.memory_space<vmem>> -> memref<1x128xi32, #tpu.memory_space<vmem>>
          %dma_wait3A_183 = tpu.memref_squeeze %dma_wait3A_182 : memref<1x128xi32, #tpu.memory_space<vmem>> -> memref<128xi32, #tpu.memory_space<vmem>>
          %dma_wait3A_184 = arith.constant 0 : i32
          %dma_wait3A_185 = arith.constant 0 : i32
          %dma_wait3A_186 = tpu.memref_slice %arg8[%dma_wait3A_184, %dma_wait3A_185] : memref<10240x128xf32, #tpu.memory_space<vmem_shared>> -> memref<10240x128xf32, #tpu.memory_space<vmem_shared>>
          tpu.wait_indirect_dma semaphore(%arg12 : memref<!tpu.dma_semaphore, #tpu.memory_space<semaphore_mem>>) src(%dma_wait3A_180 : memref<128x128xf32, #tpu.memory_space<vmem>>) dst(%dma_wait3A_186 : memref<10240x128xf32, #tpu.memory_space<vmem_shared>>)
          %add3A_187 = arith.constant 2 : i32
          %add3A_188 = arith.addi %add3A_170, %add3A_187 : i32
          %dma_start3A_189 = arith.constant 1 : i32
          %dma_start3A_190 = arith.constant 0 : i32
          %dma_start3A_191 = arith.constant 0 : i32
          %dma_start3A_192 = tpu.memref_slice %arg7[%dma_start3A_189, %dma_start3A_190, %dma_start3A_191] : memref<2x128x128xf32, #tpu.memory_space<vmem>> -> memref<1x128x128xf32, #tpu.memory_space<vmem>>
          %dma_start3A_193 = tpu.memref_squeeze %dma_start3A_192 : memref<1x128x128xf32, #tpu.memory_space<vmem>> -> memref<128x128xf32, #tpu.memory_space<vmem>>
          %dma_start3A_194 = arith.constant 0 : i32
          %dma_start3A_195 = tpu.memref_slice %arg5[%add3A_188, %dma_start3A_194] : memref<40x128xi32, #tpu.memory_space<vmem>> -> memref<1x128xi32, #tpu.memory_space<vmem>>
          %dma_start3A_196 = tpu.memref_squeeze %dma_start3A_195 : memref<1x128xi32, #tpu.memory_space<vmem>> -> memref<128xi32, #tpu.memory_space<vmem>>
          %dma_start3A_197 = arith.constant 0 : i32
          %dma_start3A_198 = arith.constant 0 : i32
          %dma_start3A_199 = tpu.memref_slice %arg2[%dma_start3A_197, %dma_start3A_198] : memref<10240x128xf32, #tpu.memory_space<hbm>> -> memref<10240x128xf32, #tpu.memory_space<hbm>>
          tpu.enqueue_indirect_dma source(%dma_start3A_199 : memref<10240x128xf32, #tpu.memory_space<hbm>>) target(%dma_start3A_193 : memref<128x128xf32, #tpu.memory_space<vmem>>) offsets(%dma_start3A_196 : memref<128xi32, #tpu.memory_space<vmem>>) semaphore(%arg10 : memref<!tpu.dma_semaphore, #tpu.memory_space<semaphore_mem>>)
        } else {
        }
      }
      %scan3A_84 = arith.constant 20 : i32
      %dma_wait3A = arith.constant 0 : i32
      %dma_wait3A_85 = arith.constant 38 : i32
      %dma_wait3A_86 = arith.constant 0 : i32
      %dma_wait3A_87 = arith.constant 0 : i32
      %dma_wait3A_88 = tpu.memref_slice %arg7[%dma_wait3A, %dma_wait3A_86, %dma_wait3A_87] : memref<2x128x128xf32, #tpu.memory_space<vmem>> -> memref<1x128x128xf32, #tpu.memory_space<vmem>>
      %dma_wait3A_89 = tpu.memref_squeeze %dma_wait3A_88 : memref<1x128x128xf32, #tpu.memory_space<vmem>> -> memref<128x128xf32, #tpu.memory_space<vmem>>
      %dma_wait3A_90 = arith.constant 0 : i32
      %dma_wait3A_91 = tpu.memref_slice %arg6[%dma_wait3A_85, %dma_wait3A_90] : memref<40x128xi32, #tpu.memory_space<vmem>> -> memref<1x128xi32, #tpu.memory_space<vmem>>
      %dma_wait3A_92 = tpu.memref_squeeze %dma_wait3A_91 : memref<1x128xi32, #tpu.memory_space<vmem>> -> memref<128xi32, #tpu.memory_space<vmem>>
      %dma_wait3A_93 = arith.constant 0 : i32
      %dma_wait3A_94 = arith.constant 0 : i32
      %dma_wait3A_95 = tpu.memref_slice %arg8[%dma_wait3A_93, %dma_wait3A_94] : memref<10240x128xf32, #tpu.memory_space<vmem_shared>> -> memref<10240x128xf32, #tpu.memory_space<vmem_shared>>
      tpu.wait_indirect_dma semaphore(%arg11 : memref<!tpu.dma_semaphore, #tpu.memory_space<semaphore_mem>>) src(%dma_wait3A_89 : memref<128x128xf32, #tpu.memory_space<vmem>>) dst(%dma_wait3A_95 : memref<10240x128xf32, #tpu.memory_space<vmem_shared>>)
      %dma_wait3A_96 = arith.constant 1 : i32
      %dma_wait3A_97 = arith.constant 39 : i32
      %dma_wait3A_98 = arith.constant 0 : i32
      %dma_wait3A_99 = arith.constant 0 : i32
      %dma_wait3A_100 = tpu.memref_slice %arg7[%dma_wait3A_96, %dma_wait3A_98, %dma_wait3A_99] : memref<2x128x128xf32, #tpu.memory_space<vmem>> -> memref<1x128x128xf32, #tpu.memory_space<vmem>>
      %dma_wait3A_101 = tpu.memref_squeeze %dma_wait3A_100 : memref<1x128x128xf32, #tpu.memory_space<vmem>> -> memref<128x128xf32, #tpu.memory_space<vmem>>
      %dma_wait3A_102 = arith.constant 0 : i32
      %dma_wait3A_103 = tpu.memref_slice %arg6[%dma_wait3A_97, %dma_wait3A_102] : memref<40x128xi32, #tpu.memory_space<vmem>> -> memref<1x128xi32, #tpu.memory_space<vmem>>
      %dma_wait3A_104 = tpu.memref_squeeze %dma_wait3A_103 : memref<1x128xi32, #tpu.memory_space<vmem>> -> memref<128xi32, #tpu.memory_space<vmem>>
      %dma_wait3A_105 = arith.constant 0 : i32
      %dma_wait3A_106 = arith.constant 0 : i32
      %dma_wait3A_107 = tpu.memref_slice %arg8[%dma_wait3A_105, %dma_wait3A_106] : memref<10240x128xf32, #tpu.memory_space<vmem_shared>> -> memref<10240x128xf32, #tpu.memory_space<vmem_shared>>
      tpu.wait_indirect_dma semaphore(%arg12 : memref<!tpu.dma_semaphore, #tpu.memory_space<semaphore_mem>>) src(%dma_wait3A_101 : memref<128x128xf32, #tpu.memory_space<vmem>>) dst(%dma_wait3A_107 : memref<10240x128xf32, #tpu.memory_space<vmem_shared>>)
    }
    %while3A_44 = arith.constant 1 : i32
    scf.for %while3A_50 = %while3A_42 to %while3A_38 step %while3A_44  : i32 {
      %mul3A_51 = arith.constant 40 : i32
      %mul3A_52 = arith.muli %while3A_50, %mul3A_51 : i32
      %add3A_53 = arith.addi %select_n3A_6, %mul3A_52 : i32
      %run_scoped3A_54 = arith.constant 0 : i32
      "tpu.region"() ({
        %run_scoped3A_108 = tpu.sem_alloc : memref<!tpu.dma_semaphore, #tpu.memory_space<semaphore_mem>>
        %dma_start3A_109 = arith.constant 0 : i32
        %dma_start3A_110 = tpu.memref_slice %arg3[%run_scoped3A_54, %add3A_53, %dma_start3A_109] : memref<2x2560x128xi32, #tpu.memory_space<hbm>> -> memref<1x40x128xi32, #tpu.memory_space<hbm>>
        %dma_start3A_111 = tpu.memref_squeeze %dma_start3A_110 : memref<1x40x128xi32, #tpu.memory_space<hbm>> -> memref<40x128xi32, #tpu.memory_space<hbm>>
        %dma_start3A_112 = arith.constant 0 : i32
        %dma_start3A_113 = tpu.memref_slice %arg3[%run_scoped3A_54, %add3A_53, %dma_start3A_112] : memref<2x2560x128xi32, #tpu.memory_space<hbm>> -> memref<1x40x128xi32, #tpu.memory_space<hbm>>
        %dma_start3A_114 = tpu.memref_squeeze %dma_start3A_113 : memref<1x40x128xi32, #tpu.memory_space<hbm>> -> memref<40x128xi32, #tpu.memory_space<hbm>>
        tpu.enqueue_dma source(%dma_start3A_114 : memref<40x128xi32, #tpu.memory_space<hbm>>) target(%arg5 : memref<40x128xi32, #tpu.memory_space<vmem>>) target_semaphore(%run_scoped3A_108 : memref<!tpu.dma_semaphore, #tpu.memory_space<semaphore_mem>>)
        %dma_wait3A_115 = arith.constant 0 : i32
        %dma_wait3A_116 = tpu.memref_slice %arg3[%run_scoped3A_54, %add3A_53, %dma_wait3A_115] : memref<2x2560x128xi32, #tpu.memory_space<hbm>> -> memref<1x40x128xi32, #tpu.memory_space<hbm>>
        %dma_wait3A_117 = tpu.memref_squeeze %dma_wait3A_116 : memref<1x40x128xi32, #tpu.memory_space<hbm>> -> memref<40x128xi32, #tpu.memory_space<hbm>>
        %dma_wait3A_118 = arith.constant 0 : i32
        %dma_wait3A_119 = tpu.memref_slice %arg3[%run_scoped3A_54, %add3A_53, %dma_wait3A_118] : memref<2x2560x128xi32, #tpu.memory_space<hbm>> -> memref<1x40x128xi32, #tpu.memory_space<hbm>>
        %dma_wait3A_120 = tpu.memref_squeeze %dma_wait3A_119 : memref<1x40x128xi32, #tpu.memory_space<hbm>> -> memref<40x128xi32, #tpu.memory_space<hbm>>
        tpu.wait_dma2 semaphore(%run_scoped3A_108 : memref<!tpu.dma_semaphore, #tpu.memory_space<semaphore_mem>>) src(%dma_wait3A_120 : memref<40x128xi32, #tpu.memory_space<hbm>>) dst(%arg5 : memref<40x128xi32, #tpu.memory_space<vmem>>)
        tpu.yield
      }) : () -> ()
      %run_scoped3A_55 = arith.constant 1 : i32
      "tpu.region"() ({
        %run_scoped3A_108 = tpu.sem_alloc : memref<!tpu.dma_semaphore, #tpu.memory_space<semaphore_mem>>
        %dma_start3A_109 = arith.constant 0 : i32
        %dma_start3A_110 = tpu.memref_slice %arg3[%run_scoped3A_55, %add3A_53, %dma_start3A_109] : memref<2x2560x128xi32, #tpu.memory_space<hbm>> -> memref<1x40x128xi32, #tpu.memory_space<hbm>>
        %dma_start3A_111 = tpu.memref_squeeze %dma_start3A_110 : memref<1x40x128xi32, #tpu.memory_space<hbm>> -> memref<40x128xi32, #tpu.memory_space<hbm>>
        %dma_start3A_112 = arith.constant 0 : i32
        %dma_start3A_113 = tpu.memref_slice %arg3[%run_scoped3A_55, %add3A_53, %dma_start3A_112] : memref<2x2560x128xi32, #tpu.memory_space<hbm>> -> memref<1x40x128xi32, #tpu.memory_space<hbm>>
        %dma_start3A_114 = tpu.memref_squeeze %dma_start3A_113 : memref<1x40x128xi32, #tpu.memory_space<hbm>> -> memref<40x128xi32, #tpu.memory_space<hbm>>
        tpu.enqueue_dma source(%dma_start3A_114 : memref<40x128xi32, #tpu.memory_space<hbm>>) target(%arg6 : memref<40x128xi32, #tpu.memory_space<vmem>>) target_semaphore(%run_scoped3A_108 : memref<!tpu.dma_semaphore, #tpu.memory_space<semaphore_mem>>)
        %dma_wait3A_115 = arith.constant 0 : i32
        %dma_wait3A_116 = tpu.memref_slice %arg3[%run_scoped3A_55, %add3A_53, %dma_wait3A_115] : memref<2x2560x128xi32, #tpu.memory_space<hbm>> -> memref<1x40x128xi32, #tpu.memory_space<hbm>>
        %dma_wait3A_117 = tpu.memref_squeeze %dma_wait3A_116 : memref<1x40x128xi32, #tpu.memory_space<hbm>> -> memref<40x128xi32, #tpu.memory_space<hbm>>
        %dma_wait3A_118 = arith.constant 0 : i32
        %dma_wait3A_119 = tpu.memref_slice %arg3[%run_scoped3A_55, %add3A_53, %dma_wait3A_118] : memref<2x2560x128xi32, #tpu.memory_space<hbm>> -> memref<1x40x128xi32, #tpu.memory_space<hbm>>
        %dma_wait3A_120 = tpu.memref_squeeze %dma_wait3A_119 : memref<1x40x128xi32, #tpu.memory_space<hbm>> -> memref<40x128xi32, #tpu.memory_space<hbm>>
        tpu.wait_dma2 semaphore(%run_scoped3A_108 : memref<!tpu.dma_semaphore, #tpu.memory_space<semaphore_mem>>) src(%dma_wait3A_120 : memref<40x128xi32, #tpu.memory_space<hbm>>) dst(%arg6 : memref<40x128xi32, #tpu.memory_space<vmem>>)
        tpu.yield
      }) : () -> ()
      %dma_start3A = arith.constant 0 : i32
      %dma_start3A_56 = arith.constant 0 : i32
      %dma_start3A_57 = arith.constant 0 : i32
      %dma_start3A_58 = arith.constant 0 : i32
      %dma_start3A_59 = tpu.memref_slice %arg7[%dma_start3A_56, %dma_start3A_57, %dma_start3A_58] : memref<2x128x128xf32, #tpu.memory_space<vmem>> -> memref<1x128x128xf32, #tpu.memory_space<vmem>>
      %dma_start3A_60 = tpu.memref_squeeze %dma_start3A_59 : memref<1x128x128xf32, #tpu.memory_space<vmem>> -> memref<128x128xf32, #tpu.memory_space<vmem>>
      %dma_start3A_61 = arith.constant 0 : i32
      %dma_start3A_62 = tpu.memref_slice %arg5[%dma_start3A, %dma_start3A_61] : memref<40x128xi32, #tpu.memory_space<vmem>> -> memref<1x128xi32, #tpu.memory_space<vmem>>
      %dma_start3A_63 = tpu.memref_squeeze %dma_start3A_62 : memref<1x128xi32, #tpu.memory_space<vmem>> -> memref<128xi32, #tpu.memory_space<vmem>>
      %dma_start3A_64 = arith.constant 0 : i32
      %dma_start3A_65 = arith.constant 0 : i32
      %dma_start3A_66 = tpu.memref_slice %arg2[%dma_start3A_64, %dma_start3A_65] : memref<10240x128xf32, #tpu.memory_space<hbm>> -> memref<10240x128xf32, #tpu.memory_space<hbm>>
      tpu.enqueue_indirect_dma source(%dma_start3A_66 : memref<10240x128xf32, #tpu.memory_space<hbm>>) target(%dma_start3A_60 : memref<128x128xf32, #tpu.memory_space<vmem>>) offsets(%dma_start3A_63 : memref<128xi32, #tpu.memory_space<vmem>>) semaphore(%arg9 : memref<!tpu.dma_semaphore, #tpu.memory_space<semaphore_mem>>)
      %dma_start3A_67 = arith.constant 1 : i32
      %dma_start3A_68 = arith.constant 1 : i32
      %dma_start3A_69 = arith.constant 0 : i32
      %dma_start3A_70 = arith.constant 0 : i32
      %dma_start3A_71 = tpu.memref_slice %arg7[%dma_start3A_68, %dma_start3A_69, %dma_start3A_70] : memref<2x128x128xf32, #tpu.memory_space<vmem>> -> memref<1x128x128xf32, #tpu.memory_space<vmem>>
      %dma_start3A_72 = tpu.memref_squeeze %dma_start3A_71 : memref<1x128x128xf32, #tpu.memory_space<vmem>> -> memref<128x128xf32, #tpu.memory_space<vmem>>
      %dma_start3A_73 = arith.constant 0 : i32
      %dma_start3A_74 = tpu.memref_slice %arg5[%dma_start3A_67, %dma_start3A_73] : memref<40x128xi32, #tpu.memory_space<vmem>> -> memref<1x128xi32, #tpu.memory_space<vmem>>
      %dma_start3A_75 = tpu.memref_squeeze %dma_start3A_74 : memref<1x128xi32, #tpu.memory_space<vmem>> -> memref<128xi32, #tpu.memory_space<vmem>>
      %dma_start3A_76 = arith.constant 0 : i32
      %dma_start3A_77 = arith.constant 0 : i32
      %dma_start3A_78 = tpu.memref_slice %arg2[%dma_start3A_76, %dma_start3A_77] : memref<10240x128xf32, #tpu.memory_space<hbm>> -> memref<10240x128xf32, #tpu.memory_space<hbm>>
      tpu.enqueue_indirect_dma source(%dma_start3A_78 : memref<10240x128xf32, #tpu.memory_space<hbm>>) target(%dma_start3A_72 : memref<128x128xf32, #tpu.memory_space<vmem>>) offsets(%dma_start3A_75 : memref<128xi32, #tpu.memory_space<vmem>>) semaphore(%arg10 : memref<!tpu.dma_semaphore, #tpu.memory_space<semaphore_mem>>)
      %scan3A_79 = arith.constant 0 : i32
      %scan3A_80 = arith.constant 0 : i32
      %scan3A_81 = arith.constant 20 : i32
      %scan3A_82 = arith.addi %scan3A_80, %scan3A_81 : i32
      %scan3A_83 = arith.constant 1 : i32
      scf.for %scan3A_108 = %scan3A_80 to %scan3A_82 step %scan3A_83  : i32 {
        %mul3A_109 = arith.constant 2 : i32
        %mul3A_110 = arith.muli %scan3A_108, %mul3A_109 : i32
        %add3A_111 = arith.constant 0 : i32
        %add3A_112 = arith.addi %mul3A_110, %add3A_111 : i32
        %dma_wait3A_113 = arith.constant 0 : i32
        %dma_wait3A_114 = arith.constant 0 : i32
        %dma_wait3A_115 = arith.constant 0 : i32
        %dma_wait3A_116 = tpu.memref_slice %arg7[%dma_wait3A_113, %dma_wait3A_114, %dma_wait3A_115] : memref<2x128x128xf32, #tpu.memory_space<vmem>> -> memref<1x128x128xf32, #tpu.memory_space<vmem>>
        %dma_wait3A_117 = tpu.memref_squeeze %dma_wait3A_116 : memref<1x128x128xf32, #tpu.memory_space<vmem>> -> memref<128x128xf32, #tpu.memory_space<vmem>>
        %dma_wait3A_118 = arith.constant 0 : i32
        %dma_wait3A_119 = tpu.memref_slice %arg5[%add3A_112, %dma_wait3A_118] : memref<40x128xi32, #tpu.memory_space<vmem>> -> memref<1x128xi32, #tpu.memory_space<vmem>>
        %dma_wait3A_120 = tpu.memref_squeeze %dma_wait3A_119 : memref<1x128xi32, #tpu.memory_space<vmem>> -> memref<128xi32, #tpu.memory_space<vmem>>
        %dma_wait3A_121 = arith.constant 0 : i32
        %dma_wait3A_122 = arith.constant 0 : i32
        %dma_wait3A_123 = tpu.memref_slice %arg2[%dma_wait3A_121, %dma_wait3A_122] : memref<10240x128xf32, #tpu.memory_space<hbm>> -> memref<10240x128xf32, #tpu.memory_space<hbm>>
        tpu.wait_indirect_dma semaphore(%arg9 : memref<!tpu.dma_semaphore, #tpu.memory_space<semaphore_mem>>) src(%dma_wait3A_123 : memref<10240x128xf32, #tpu.memory_space<hbm>>) dst(%dma_wait3A_117 : memref<128x128xf32, #tpu.memory_space<vmem>>)
        %dma_start3A_124 = arith.constant 0 : i32
        %dma_start3A_125 = arith.constant 0 : i32
        %dma_start3A_126 = arith.constant 0 : i32
        %dma_start3A_127 = tpu.memref_slice %arg7[%dma_start3A_124, %dma_start3A_125, %dma_start3A_126] : memref<2x128x128xf32, #tpu.memory_space<vmem>> -> memref<1x128x128xf32, #tpu.memory_space<vmem>>
        %dma_start3A_128 = tpu.memref_squeeze %dma_start3A_127 : memref<1x128x128xf32, #tpu.memory_space<vmem>> -> memref<128x128xf32, #tpu.memory_space<vmem>>
        %dma_start3A_129 = arith.constant 0 : i32
        %dma_start3A_130 = tpu.memref_slice %arg6[%add3A_112, %dma_start3A_129] : memref<40x128xi32, #tpu.memory_space<vmem>> -> memref<1x128xi32, #tpu.memory_space<vmem>>
        %dma_start3A_131 = tpu.memref_squeeze %dma_start3A_130 : memref<1x128xi32, #tpu.memory_space<vmem>> -> memref<128xi32, #tpu.memory_space<vmem>>
        %dma_start3A_132 = arith.constant 0 : i32
        %dma_start3A_133 = arith.constant 0 : i32
        %dma_start3A_134 = tpu.memref_slice %arg8[%dma_start3A_132, %dma_start3A_133] : memref<10240x128xf32, #tpu.memory_space<vmem_shared>> -> memref<10240x128xf32, #tpu.memory_space<vmem_shared>>
        tpu.enqueue_indirect_dma source(%dma_start3A_128 : memref<128x128xf32, #tpu.memory_space<vmem>>) target(%dma_start3A_134 : memref<10240x128xf32, #tpu.memory_space<vmem_shared>>) offsets(%dma_start3A_131 : memref<128xi32, #tpu.memory_space<vmem>>) semaphore(%arg11 : memref<!tpu.dma_semaphore, #tpu.memory_space<semaphore_mem>>) {add = true}
        %mul3A_135 = arith.constant 2 : i32
        %mul3A_136 = arith.muli %scan3A_108, %mul3A_135 : i32
        %add3A_137 = arith.constant 1 : i32
        %add3A_138 = arith.addi %mul3A_136, %add3A_137 : i32
        %dma_wait3A_139 = arith.constant 1 : i32
        %dma_wait3A_140 = arith.constant 0 : i32
        %dma_wait3A_141 = arith.constant 0 : i32
        %dma_wait3A_142 = tpu.memref_slice %arg7[%dma_wait3A_139, %dma_wait3A_140, %dma_wait3A_141] : memref<2x128x128xf32, #tpu.memory_space<vmem>> -> memref<1x128x128xf32, #tpu.memory_space<vmem>>
        %dma_wait3A_143 = tpu.memref_squeeze %dma_wait3A_142 : memref<1x128x128xf32, #tpu.memory_space<vmem>> -> memref<128x128xf32, #tpu.memory_space<vmem>>
        %dma_wait3A_144 = arith.constant 0 : i32
        %dma_wait3A_145 = tpu.memref_slice %arg5[%add3A_138, %dma_wait3A_144] : memref<40x128xi32, #tpu.memory_space<vmem>> -> memref<1x128xi32, #tpu.memory_space<vmem>>
        %dma_wait3A_146 = tpu.memref_squeeze %dma_wait3A_145 : memref<1x128xi32, #tpu.memory_space<vmem>> -> memref<128xi32, #tpu.memory_space<vmem>>
        %dma_wait3A_147 = arith.constant 0 : i32
        %dma_wait3A_148 = arith.constant 0 : i32
        %dma_wait3A_149 = tpu.memref_slice %arg2[%dma_wait3A_147, %dma_wait3A_148] : memref<10240x128xf32, #tpu.memory_space<hbm>> -> memref<10240x128xf32, #tpu.memory_space<hbm>>
        tpu.wait_indirect_dma semaphore(%arg10 : memref<!tpu.dma_semaphore, #tpu.memory_space<semaphore_mem>>) src(%dma_wait3A_149 : memref<10240x128xf32, #tpu.memory_space<hbm>>) dst(%dma_wait3A_143 : memref<128x128xf32, #tpu.memory_space<vmem>>)
        %dma_start3A_150 = arith.constant 1 : i32
        %dma_start3A_151 = arith.constant 0 : i32
        %dma_start3A_152 = arith.constant 0 : i32
        %dma_start3A_153 = tpu.memref_slice %arg7[%dma_start3A_150, %dma_start3A_151, %dma_start3A_152] : memref<2x128x128xf32, #tpu.memory_space<vmem>> -> memref<1x128x128xf32, #tpu.memory_space<vmem>>
        %dma_start3A_154 = tpu.memref_squeeze %dma_start3A_153 : memref<1x128x128xf32, #tpu.memory_space<vmem>> -> memref<128x128xf32, #tpu.memory_space<vmem>>
        %dma_start3A_155 = arith.constant 0 : i32
        %dma_start3A_156 = tpu.memref_slice %arg6[%add3A_138, %dma_start3A_155] : memref<40x128xi32, #tpu.memory_space<vmem>> -> memref<1x128xi32, #tpu.memory_space<vmem>>
        %dma_start3A_157 = tpu.memref_squeeze %dma_start3A_156 : memref<1x128xi32, #tpu.memory_space<vmem>> -> memref<128xi32, #tpu.memory_space<vmem>>
        %dma_start3A_158 = arith.constant 0 : i32
        %dma_start3A_159 = arith.constant 0 : i32
        %dma_start3A_160 = tpu.memref_slice %arg8[%dma_start3A_158, %dma_start3A_159] : memref<10240x128xf32, #tpu.memory_space<vmem_shared>> -> memref<10240x128xf32, #tpu.memory_space<vmem_shared>>
        tpu.enqueue_indirect_dma source(%dma_start3A_154 : memref<128x128xf32, #tpu.memory_space<vmem>>) target(%dma_start3A_160 : memref<10240x128xf32, #tpu.memory_space<vmem_shared>>) offsets(%dma_start3A_157 : memref<128xi32, #tpu.memory_space<vmem>>) semaphore(%arg12 : memref<!tpu.dma_semaphore, #tpu.memory_space<semaphore_mem>>) {add = true}
        %mul3A_161 = arith.constant 2 : i32
        %mul3A_162 = arith.muli %scan3A_108, %mul3A_161 : i32
        %add3A_163 = arith.constant 0 : i32
        %add3A_164 = arith.addi %mul3A_162, %add3A_163 : i32
        %lt3A = arith.constant 19 : i32
        %lt3A_165 = arith.cmpi slt, %scan3A_108, %lt3A : i32
        %convert_element_type3A = arith.extui %lt3A_165 : i1 to i32
        %cond3A = arith.constant 0 : i32
        %cond3A_166 = arith.cmpi ne, %convert_element_type3A, %cond3A : i32
        scf.if %cond3A_166 {
          %dma_wait3A_176 = arith.constant 0 : i32
          %dma_wait3A_177 = arith.constant 0 : i32
          %dma_wait3A_178 = arith.constant 0 : i32
          %dma_wait3A_179 = tpu.memref_slice %arg7[%dma_wait3A_176, %dma_wait3A_177, %dma_wait3A_178] : memref<2x128x128xf32, #tpu.memory_space<vmem>> -> memref<1x128x128xf32, #tpu.memory_space<vmem>>
          %dma_wait3A_180 = tpu.memref_squeeze %dma_wait3A_179 : memref<1x128x128xf32, #tpu.memory_space<vmem>> -> memref<128x128xf32, #tpu.memory_space<vmem>>
          %dma_wait3A_181 = arith.constant 0 : i32
          %dma_wait3A_182 = tpu.memref_slice %arg6[%add3A_164, %dma_wait3A_181] : memref<40x128xi32, #tpu.memory_space<vmem>> -> memref<1x128xi32, #tpu.memory_space<vmem>>
          %dma_wait3A_183 = tpu.memref_squeeze %dma_wait3A_182 : memref<1x128xi32, #tpu.memory_space<vmem>> -> memref<128xi32, #tpu.memory_space<vmem>>
          %dma_wait3A_184 = arith.constant 0 : i32
          %dma_wait3A_185 = arith.constant 0 : i32
          %dma_wait3A_186 = tpu.memref_slice %arg8[%dma_wait3A_184, %dma_wait3A_185] : memref<10240x128xf32, #tpu.memory_space<vmem_shared>> -> memref<10240x128xf32, #tpu.memory_space<vmem_shared>>
          tpu.wait_indirect_dma semaphore(%arg11 : memref<!tpu.dma_semaphore, #tpu.memory_space<semaphore_mem>>) src(%dma_wait3A_180 : memref<128x128xf32, #tpu.memory_space<vmem>>) dst(%dma_wait3A_186 : memref<10240x128xf32, #tpu.memory_space<vmem_shared>>)
          %add3A_187 = arith.constant 2 : i32
          %add3A_188 = arith.addi %add3A_164, %add3A_187 : i32
          %dma_start3A_189 = arith.constant 0 : i32
          %dma_start3A_190 = arith.constant 0 : i32
          %dma_start3A_191 = arith.constant 0 : i32
          %dma_start3A_192 = tpu.memref_slice %arg7[%dma_start3A_189, %dma_start3A_190, %dma_start3A_191] : memref<2x128x128xf32, #tpu.memory_space<vmem>> -> memref<1x128x128xf32, #tpu.memory_space<vmem>>
          %dma_start3A_193 = tpu.memref_squeeze %dma_start3A_192 : memref<1x128x128xf32, #tpu.memory_space<vmem>> -> memref<128x128xf32, #tpu.memory_space<vmem>>
          %dma_start3A_194 = arith.constant 0 : i32
          %dma_start3A_195 = tpu.memref_slice %arg5[%add3A_188, %dma_start3A_194] : memref<40x128xi32, #tpu.memory_space<vmem>> -> memref<1x128xi32, #tpu.memory_space<vmem>>
          %dma_start3A_196 = tpu.memref_squeeze %dma_start3A_195 : memref<1x128xi32, #tpu.memory_space<vmem>> -> memref<128xi32, #tpu.memory_space<vmem>>
          %dma_start3A_197 = arith.constant 0 : i32
          %dma_start3A_198 = arith.constant 0 : i32
          %dma_start3A_199 = tpu.memref_slice %arg2[%dma_start3A_197, %dma_start3A_198] : memref<10240x128xf32, #tpu.memory_space<hbm>> -> memref<10240x128xf32, #tpu.memory_space<hbm>>
          tpu.enqueue_indirect_dma source(%dma_start3A_199 : memref<10240x128xf32, #tpu.memory_space<hbm>>) target(%dma_start3A_193 : memref<128x128xf32, #tpu.memory_space<vmem>>) offsets(%dma_start3A_196 : memref<128xi32, #tpu.memory_space<vmem>>) semaphore(%arg9 : memref<!tpu.dma_semaphore, #tpu.memory_space<semaphore_mem>>)
        } else {
        }
        %mul3A_167 = arith.constant 2 : i32
        %mul3A_168 = arith.muli %scan3A_108, %mul3A_167 : i32
        %add3A_169 = arith.constant 1 : i32
        %add3A_170 = arith.addi %mul3A_168, %add3A_169 : i32
        %lt3A_171 = arith.constant 19 : i32
        %lt3A_172 = arith.cmpi slt, %scan3A_108, %lt3A_171 : i32
        %convert_element_type3A_173 = arith.extui %lt3A_172 : i1 to i32
        %cond3A_174 = arith.constant 0 : i32
        %cond3A_175 = arith.cmpi ne, %convert_element_type3A_173, %cond3A_174 : i32
        scf.if %cond3A_175 {
          %dma_wait3A_176 = arith.constant 1 : i32
          %dma_wait3A_177 = arith.constant 0 : i32
          %dma_wait3A_178 = arith.constant 0 : i32
          %dma_wait3A_179 = tpu.memref_slice %arg7[%dma_wait3A_176, %dma_wait3A_177, %dma_wait3A_178] : memref<2x128x128xf32, #tpu.memory_space<vmem>> -> memref<1x128x128xf32, #tpu.memory_space<vmem>>
          %dma_wait3A_180 = tpu.memref_squeeze %dma_wait3A_179 : memref<1x128x128xf32, #tpu.memory_space<vmem>> -> memref<128x128xf32, #tpu.memory_space<vmem>>
          %dma_wait3A_181 = arith.constant 0 : i32
          %dma_wait3A_182 = tpu.memref_slice %arg6[%add3A_170, %dma_wait3A_181] : memref<40x128xi32, #tpu.memory_space<vmem>> -> memref<1x128xi32, #tpu.memory_space<vmem>>
          %dma_wait3A_183 = tpu.memref_squeeze %dma_wait3A_182 : memref<1x128xi32, #tpu.memory_space<vmem>> -> memref<128xi32, #tpu.memory_space<vmem>>
          %dma_wait3A_184 = arith.constant 0 : i32
          %dma_wait3A_185 = arith.constant 0 : i32
          %dma_wait3A_186 = tpu.memref_slice %arg8[%dma_wait3A_184, %dma_wait3A_185] : memref<10240x128xf32, #tpu.memory_space<vmem_shared>> -> memref<10240x128xf32, #tpu.memory_space<vmem_shared>>
          tpu.wait_indirect_dma semaphore(%arg12 : memref<!tpu.dma_semaphore, #tpu.memory_space<semaphore_mem>>) src(%dma_wait3A_180 : memref<128x128xf32, #tpu.memory_space<vmem>>) dst(%dma_wait3A_186 : memref<10240x128xf32, #tpu.memory_space<vmem_shared>>)
          %add3A_187 = arith.constant 2 : i32
          %add3A_188 = arith.addi %add3A_170, %add3A_187 : i32
          %dma_start3A_189 = arith.constant 1 : i32
          %dma_start3A_190 = arith.constant 0 : i32
          %dma_start3A_191 = arith.constant 0 : i32
          %dma_start3A_192 = tpu.memref_slice %arg7[%dma_start3A_189, %dma_start3A_190, %dma_start3A_191] : memref<2x128x128xf32, #tpu.memory_space<vmem>> -> memref<1x128x128xf32, #tpu.memory_space<vmem>>
          %dma_start3A_193 = tpu.memref_squeeze %dma_start3A_192 : memref<1x128x128xf32, #tpu.memory_space<vmem>> -> memref<128x128xf32, #tpu.memory_space<vmem>>
          %dma_start3A_194 = arith.constant 0 : i32
          %dma_start3A_195 = tpu.memref_slice %arg5[%add3A_188, %dma_start3A_194] : memref<40x128xi32, #tpu.memory_space<vmem>> -> memref<1x128xi32, #tpu.memory_space<vmem>>
          %dma_start3A_196 = tpu.memref_squeeze %dma_start3A_195 : memref<1x128xi32, #tpu.memory_space<vmem>> -> memref<128xi32, #tpu.memory_space<vmem>>
          %dma_start3A_197 = arith.constant 0 : i32
          %dma_start3A_198 = arith.constant 0 : i32
          %dma_start3A_199 = tpu.memref_slice %arg2[%dma_start3A_197, %dma_start3A_198] : memref<10240x128xf32, #tpu.memory_space<hbm>> -> memref<10240x128xf32, #tpu.memory_space<hbm>>
          tpu.enqueue_indirect_dma source(%dma_start3A_199 : memref<10240x128xf32, #tpu.memory_space<hbm>>) target(%dma_start3A_193 : memref<128x128xf32, #tpu.memory_space<vmem>>) offsets(%dma_start3A_196 : memref<128xi32, #tpu.memory_space<vmem>>) semaphore(%arg10 : memref<!tpu.dma_semaphore, #tpu.memory_space<semaphore_mem>>)
        } else {
        }
      }
      %scan3A_84 = arith.constant 20 : i32
      %dma_wait3A = arith.constant 0 : i32
      %dma_wait3A_85 = arith.constant 38 : i32
      %dma_wait3A_86 = arith.constant 0 : i32
      %dma_wait3A_87 = arith.constant 0 : i32
      %dma_wait3A_88 = tpu.memref_slice %arg7[%dma_wait3A, %dma_wait3A_86, %dma_wait3A_87] : memref<2x128x128xf32, #tpu.memory_space<vmem>> -> memref<1x128x128xf32, #tpu.memory_space<vmem>>
      %dma_wait3A_89 = tpu.memref_squeeze %dma_wait3A_88 : memref<1x128x128xf32, #tpu.memory_space<vmem>> -> memref<128x128xf32, #tpu.memory_space<vmem>>
      %dma_wait3A_90 = arith.constant 0 : i32
      %dma_wait3A_91 = tpu.memref_slice %arg6[%dma_wait3A_85, %dma_wait3A_90] : memref<40x128xi32, #tpu.memory_space<vmem>> -> memref<1x128xi32, #tpu.memory_space<vmem>>
      %dma_wait3A_92 = tpu.memref_squeeze %dma_wait3A_91 : memref<1x128xi32, #tpu.memory_space<vmem>> -> memref<128xi32, #tpu.memory_space<vmem>>
      %dma_wait3A_93 = arith.constant 0 : i32
      %dma_wait3A_94 = arith.constant 0 : i32
      %dma_wait3A_95 = tpu.memref_slice %arg8[%dma_wait3A_93, %dma_wait3A_94] : memref<10240x128xf32, #tpu.memory_space<vmem_shared>> -> memref<10240x128xf32, #tpu.memory_space<vmem_shared>>
      tpu.wait_indirect_dma semaphore(%arg11 : memref<!tpu.dma_semaphore, #tpu.memory_space<semaphore_mem>>) src(%dma_wait3A_89 : memref<128x128xf32, #tpu.memory_space<vmem>>) dst(%dma_wait3A_95 : memref<10240x128xf32, #tpu.memory_space<vmem_shared>>)
      %dma_wait3A_96 = arith.constant 1 : i32
      %dma_wait3A_97 = arith.constant 39 : i32
      %dma_wait3A_98 = arith.constant 0 : i32
      %dma_wait3A_99 = arith.constant 0 : i32
      %dma_wait3A_100 = tpu.memref_slice %arg7[%dma_wait3A_96, %dma_wait3A_98, %dma_wait3A_99] : memref<2x128x128xf32, #tpu.memory_space<vmem>> -> memref<1x128x128xf32, #tpu.memory_space<vmem>>
      %dma_wait3A_101 = tpu.memref_squeeze %dma_wait3A_100 : memref<1x128x128xf32, #tpu.memory_space<vmem>> -> memref<128x128xf32, #tpu.memory_space<vmem>>
      %dma_wait3A_102 = arith.constant 0 : i32
      %dma_wait3A_103 = tpu.memref_slice %arg6[%dma_wait3A_97, %dma_wait3A_102] : memref<40x128xi32, #tpu.memory_space<vmem>> -> memref<1x128xi32, #tpu.memory_space<vmem>>
      %dma_wait3A_104 = tpu.memref_squeeze %dma_wait3A_103 : memref<1x128xi32, #tpu.memory_space<vmem>> -> memref<128xi32, #tpu.memory_space<vmem>>
      %dma_wait3A_105 = arith.constant 0 : i32
      %dma_wait3A_106 = arith.constant 0 : i32
      %dma_wait3A_107 = tpu.memref_slice %arg8[%dma_wait3A_105, %dma_wait3A_106] : memref<10240x128xf32, #tpu.memory_space<vmem_shared>> -> memref<10240x128xf32, #tpu.memory_space<vmem_shared>>
      tpu.wait_indirect_dma semaphore(%arg12 : memref<!tpu.dma_semaphore, #tpu.memory_space<semaphore_mem>>) src(%dma_wait3A_101 : memref<128x128xf32, #tpu.memory_space<vmem>>) dst(%dma_wait3A_107 : memref<10240x128xf32, #tpu.memory_space<vmem_shared>>)
    }
    %barrier3A_45 = arith.constant 0 : index
    tpu.barrier barrier_id(%barrier3A_45)
    %mul3A_46 = arith.constant 640 : i32
    %mul3A_47 = arith.muli %arg1, %mul3A_46 : i32
    %mul3A_48 = arith.constant 640 : i32
    %mul3A_49 = arith.muli %arg1, %mul3A_48 : i32
    "tpu.region"() ({
      %run_scoped3A_50 = tpu.sem_alloc : memref<!tpu.dma_semaphore, #tpu.memory_space<semaphore_mem>>
      %dma_start3A = arith.constant 0 : i32
      %dma_start3A_51 = tpu.memref_slice %arg4[%arg0, %mul3A_49, %dma_start3A] : memref<2x10240x128xf32, #tpu.memory_space<hbm>> -> memref<1x640x128xf32, #tpu.memory_space<hbm>>
      %dma_start3A_52 = tpu.memref_squeeze %dma_start3A_51 : memref<1x640x128xf32, #tpu.memory_space<hbm>> -> memref<640x128xf32, #tpu.memory_space<hbm>>
      %dma_start3A_53 = arith.constant 0 : i32
      %dma_start3A_54 = tpu.memref_slice %arg8[%mul3A_47, %dma_start3A_53] : memref<10240x128xf32, #tpu.memory_space<vmem_shared>> -> memref<640x128xf32, #tpu.memory_space<vmem_shared>>
      tpu.enqueue_dma source(%dma_start3A_54 : memref<640x128xf32, #tpu.memory_space<vmem_shared>>) target(%dma_start3A_52 : memref<640x128xf32, #tpu.memory_space<hbm>>) target_semaphore(%run_scoped3A_50 : memref<!tpu.dma_semaphore, #tpu.memory_space<semaphore_mem>>)
      %dma_wait3A = arith.constant 0 : i32
      %dma_wait3A_55 = tpu.memref_slice %arg4[%arg0, %mul3A_49, %dma_wait3A] : memref<2x10240x128xf32, #tpu.memory_space<hbm>> -> memref<1x640x128xf32, #tpu.memory_space<hbm>>
      %dma_wait3A_56 = tpu.memref_squeeze %dma_wait3A_55 : memref<1x640x128xf32, #tpu.memory_space<hbm>> -> memref<640x128xf32, #tpu.memory_space<hbm>>
      %dma_wait3A_57 = arith.constant 0 : i32
      %dma_wait3A_58 = tpu.memref_slice %arg8[%mul3A_47, %dma_wait3A_57] : memref<10240x128xf32, #tpu.memory_space<vmem_shared>> -> memref<640x128xf32, #tpu.memory_space<vmem_shared>>
      tpu.wait_dma2 semaphore(%run_scoped3A_50 : memref<!tpu.dma_semaphore, #tpu.memory_space<semaphore_mem>>) src(%dma_wait3A_58 : memref<640x128xf32, #tpu.memory_space<vmem_shared>>) dst(%dma_wait3A_56 : memref<640x128xf32, #tpu.memory_space<hbm>>)
      tpu.yield
    }) : () -> ()
    return
  }
}

module attributes {stable_mosaic.version = 14 : i64} {
  func.func @_tc1_body(%arg0: i32, %arg1: memref<640x128xf32, #tpu.memory_space<vmem>>, %arg2: memref<2x640xf32, #tpu.memory_space<vmem>>, %arg3: memref<128x128xf32, #tpu.memory_space<vmem>>, %arg4: memref<1x128xf32, #tpu.memory_space<vmem>>, %arg5: memref<640x128xf32, #tpu.memory_space<vmem>>, %arg6: memref<640x1xf32, #tpu.memory_space<vmem>>) attributes {dimension_semantics = [#tpu.dimension_semantics<arbitrary>], iteration_bounds = array<i64: 16>, scalar_prefetch = 0 : i64, scratch_operands = 0 : i64, tpu.core_type = #tpu.core_type<tc>, window_params = [{transform_indices = @transform_0, window_bounds = array<i64: 640, 128>}, {transform_indices = @transform_1, window_bounds = array<i64: 2, 640>}, {pipeline_mode = #tpu.pipeline_mode<synchronous>, transform_indices = @transform_2, window_bounds = array<i64: 128, 128>}, {pipeline_mode = #tpu.pipeline_mode<synchronous>, transform_indices = @transform_3, window_bounds = array<i64: 1, 128>}, {transform_indices = @transform_4, window_bounds = array<i64: 640, 128>}, {transform_indices = @transform_5, window_bounds = array<i64: 640, 1>}]} {
    %get3A = arith.constant 0 : index
    %get3A_0 = arith.constant 0 : index
    %get3A_1 = vector.load %arg2[%get3A, %get3A_0] : memref<2x640xf32, #tpu.memory_space<vmem>>, vector<1x640xf32>
    %get3A_2 = vector.shape_cast %get3A_1 : vector<1x640xf32> to vector<640xf32>
    %get3A_3 = arith.constant 1 : index
    %get3A_4 = arith.constant 0 : index
    %get3A_5 = vector.load %arg2[%get3A_3, %get3A_4] : memref<2x640xf32, #tpu.memory_space<vmem>>, vector<1x640xf32>
    %get3A_6 = vector.shape_cast %get3A_5 : vector<1x640xf32> to vector<640xf32>
    %add3A = arith.addf %get3A_2, %get3A_6 : vector<640xf32>
    %add3A_7 = arith.constant 1.000000e+00 : f32
    %add3A_8 = vector.broadcast %add3A_7 : f32 to vector<640xf32>
    %add3A_9 = arith.addf %add3A, %add3A_8 : vector<640xf32>
    %rsqrt3A = math.rsqrt %add3A_9 : vector<640xf32>
    %get3A_10 = arith.constant 0 : index
    %get3A_11 = arith.constant 0 : index
    %get3A_12 = vector.load %arg1[%get3A_10, %get3A_11] : memref<640x128xf32, #tpu.memory_space<vmem>>, vector<640x128xf32>
    %get3A_13 = arith.constant 0 : index
    %get3A_14 = arith.constant 0 : index
    %get3A_15 = vector.load %arg3[%get3A_13, %get3A_14] : memref<128x128xf32, #tpu.memory_space<vmem>>, vector<128x128xf32>
    %dot_general3A = arith.constant dense<0.000000e+00> : vector<640x128xf32>
    %dot_general3A_16 = tpu.matmul %get3A_12, %get3A_15, %dot_general3A {dimension_numbers = #tpu.dot_dimension_numbers<[1], [1], [0], [0], [0, 0, 1, 0], [], []>, transpose_lhs_hint = false} : vector<640x128xf32>, vector<128x128xf32>, vector<640x128xf32> -> vector<640x128xf32>
    %get3A_17 = arith.constant 0 : index
    %get3A_18 = arith.constant 0 : index
    %get3A_19 = vector.load %arg4[%get3A_17, %get3A_18] : memref<1x128xf32, #tpu.memory_space<vmem>>, vector<1x128xf32>
    %add3A_20 = vector.broadcast %get3A_19 : vector<1x128xf32> to vector<640x128xf32>
    %add3A_21 = arith.addf %dot_general3A_16, %add3A_20 : vector<640x128xf32>
    %broadcast_in_dim3A = vector.shape_cast %rsqrt3A : vector<640xf32> to vector<640x1xf32>
    %mul3A = vector.broadcast %broadcast_in_dim3A : vector<640x1xf32> to vector<640x128xf32>
    %mul3A_22 = arith.mulf %add3A_21, %mul3A : vector<640x128xf32>
    %swap3A = arith.constant 0 : index
    %swap3A_23 = arith.constant 0 : index
    %swap3A_24 = vector.load %arg5[%swap3A, %swap3A_23] : memref<640x128xf32, #tpu.memory_space<vmem>>, vector<640x128xf32>
    tpu.vector_store %arg5[%swap3A, %swap3A_23], %mul3A_22 {strides = array<i32>} : memref<640x128xf32, #tpu.memory_space<vmem>>, vector<640x128xf32>,
    %broadcast_in_dim3A_25 = vector.shape_cast %rsqrt3A : vector<640xf32> to vector<640x1xf32>
    %swap3A_26 = arith.constant 0 : index
    %swap3A_27 = arith.constant 0 : index
    %swap3A_28 = vector.load %arg6[%swap3A_26, %swap3A_27] : memref<640x1xf32, #tpu.memory_space<vmem>>, vector<640x1xf32>
    tpu.vector_store %arg6[%swap3A_26, %swap3A_27], %broadcast_in_dim3A_25 {strides = array<i32>} : memref<640x1xf32, #tpu.memory_space<vmem>>, vector<640x1xf32>,
    return
  }
  func.func @transform_0(%arg0: i32) -> (i32, i32) {
    %c0_i32 = arith.constant 0 : i32
    %c0_i32_0 = arith.constant 0 : i32
    return %arg0, %c0_i32 : i32, i32
  }
  func.func @transform_1(%arg0: i32) -> (i32, i32) {
    %c0_i32 = arith.constant 0 : i32
    %c0_i32_0 = arith.constant 0 : i32
    return %c0_i32, %arg0 : i32, i32
  }
  func.func @transform_2(%arg0: i32) -> (i32, i32) {
    %c0_i32 = arith.constant 0 : i32
    %c0_i32_0 = arith.constant 0 : i32
    %c0_i32_1 = arith.constant 0 : i32
    return %c0_i32, %c0_i32_0 : i32, i32
  }
  func.func @transform_3(%arg0: i32) -> (i32, i32) {
    %c0_i32 = arith.constant 0 : i32
    %c0_i32_0 = arith.constant 0 : i32
    %c0_i32_1 = arith.constant 0 : i32
    return %c0_i32, %c0_i32_0 : i32, i32
  }
  func.func @transform_4(%arg0: i32) -> (i32, i32) {
    %c0_i32 = arith.constant 0 : i32
    %c0_i32_0 = arith.constant 0 : i32
    return %arg0, %c0_i32 : i32, i32
  }
  func.func @transform_5(%arg0: i32) -> (i32, i32) {
    %c0_i32 = arith.constant 0 : i32
    %c0_i32_0 = arith.constant 0 : i32
    return %arg0, %c0_i32 : i32, i32
  }
}

module attributes {stable_mosaic.version = 14 : i64} {
  func.func @_tc2_body(%arg0: i32, %arg1: memref<2x640x128xf32, #tpu.memory_space<vmem>>, %arg2: memref<640x128xf32, #tpu.memory_space<vmem>>, %arg3: memref<640x1xf32, #tpu.memory_space<vmem>>, %arg4: memref<128x128xf32, #tpu.memory_space<vmem>>, %arg5: memref<1x128xf32, #tpu.memory_space<vmem>>, %arg6: memref<640x128xf32, #tpu.memory_space<vmem>>) attributes {dimension_semantics = [#tpu.dimension_semantics<arbitrary>], iteration_bounds = array<i64: 16>, scalar_prefetch = 0 : i64, scratch_operands = 0 : i64, tpu.core_type = #tpu.core_type<tc>, window_params = [{transform_indices = @transform_0, window_bounds = array<i64: 2, 640, 128>}, {transform_indices = @transform_1, window_bounds = array<i64: 640, 128>}, {transform_indices = @transform_2, window_bounds = array<i64: 640, 1>}, {pipeline_mode = #tpu.pipeline_mode<synchronous>, transform_indices = @transform_3, window_bounds = array<i64: 128, 128>}, {pipeline_mode = #tpu.pipeline_mode<synchronous>, transform_indices = @transform_4, window_bounds = array<i64: 1, 128>}, {transform_indices = @transform_5, window_bounds = array<i64: 640, 128>}]} {
    %get3A = arith.constant 0 : index
    %get3A_0 = arith.constant 0 : index
    %get3A_1 = vector.load %arg3[%get3A, %get3A_0] : memref<640x1xf32, #tpu.memory_space<vmem>>, vector<640x1xf32>
    %get3A_2 = arith.constant 0 : index
    %get3A_3 = arith.constant 0 : index
    %get3A_4 = arith.constant 0 : index
    %get3A_5 = vector.load %arg1[%get3A_2, %get3A_3, %get3A_4] : memref<2x640x128xf32, #tpu.memory_space<vmem>>, vector<1x640x128xf32>
    %get3A_6 = vector.shape_cast %get3A_5 : vector<1x640x128xf32> to vector<640x128xf32>
    %get3A_7 = arith.constant 1 : index
    %get3A_8 = arith.constant 0 : index
    %get3A_9 = arith.constant 0 : index
    %get3A_10 = vector.load %arg1[%get3A_7, %get3A_8, %get3A_9] : memref<2x640x128xf32, #tpu.memory_space<vmem>>, vector<1x640x128xf32>
    %get3A_11 = vector.shape_cast %get3A_10 : vector<1x640x128xf32> to vector<640x128xf32>
    %add3A = arith.addf %get3A_6, %get3A_11 : vector<640x128xf32>
    %get3A_12 = arith.constant 0 : index
    %get3A_13 = arith.constant 0 : index
    %get3A_14 = vector.load %arg2[%get3A_12, %get3A_13] : memref<640x128xf32, #tpu.memory_space<vmem>>, vector<640x128xf32>
    %add3A_15 = arith.addf %add3A, %get3A_14 : vector<640x128xf32>
    %mul3A = vector.broadcast %get3A_1 : vector<640x1xf32> to vector<640x128xf32>
    %mul3A_16 = arith.mulf %add3A_15, %mul3A : vector<640x128xf32>
    %max3A = arith.constant 0.000000e+00 : f32
    %max3A_17 = vector.broadcast %max3A : f32 to vector<640x128xf32>
    %max3A_18 = arith.maximumf %mul3A_16, %max3A_17 : vector<640x128xf32>
    %get3A_19 = arith.constant 0 : index
    %get3A_20 = arith.constant 0 : index
    %get3A_21 = vector.load %arg4[%get3A_19, %get3A_20] : memref<128x128xf32, #tpu.memory_space<vmem>>, vector<128x128xf32>
    %dot_general3A = arith.constant dense<0.000000e+00> : vector<640x128xf32>
    %dot_general3A_22 = tpu.matmul %max3A_18, %get3A_21, %dot_general3A {dimension_numbers = #tpu.dot_dimension_numbers<[1], [1], [0], [0], [0, 0, 1, 0], [], []>, transpose_lhs_hint = false} : vector<640x128xf32>, vector<128x128xf32>, vector<640x128xf32> -> vector<640x128xf32>
    %get3A_23 = arith.constant 0 : index
    %get3A_24 = arith.constant 0 : index
    %get3A_25 = vector.load %arg5[%get3A_23, %get3A_24] : memref<1x128xf32, #tpu.memory_space<vmem>>, vector<1x128xf32>
    %add3A_26 = vector.broadcast %get3A_25 : vector<1x128xf32> to vector<640x128xf32>
    %add3A_27 = arith.addf %dot_general3A_22, %add3A_26 : vector<640x128xf32>
    %mul3A_28 = vector.broadcast %get3A_1 : vector<640x1xf32> to vector<640x128xf32>
    %mul3A_29 = arith.mulf %add3A_27, %mul3A_28 : vector<640x128xf32>
    %swap3A = arith.constant 0 : index
    %swap3A_30 = arith.constant 0 : index
    %swap3A_31 = vector.load %arg6[%swap3A, %swap3A_30] : memref<640x128xf32, #tpu.memory_space<vmem>>, vector<640x128xf32>
    tpu.vector_store %arg6[%swap3A, %swap3A_30], %mul3A_29 {strides = array<i32>} : memref<640x128xf32, #tpu.memory_space<vmem>>, vector<640x128xf32>,
    return
  }
  func.func @transform_0(%arg0: i32) -> (i32, i32, i32) {
    %c0_i32 = arith.constant 0 : i32
    %c0_i32_0 = arith.constant 0 : i32
    %c0_i32_1 = arith.constant 0 : i32
    return %c0_i32, %arg0, %c0_i32_0 : i32, i32, i32
  }
  func.func @transform_1(%arg0: i32) -> (i32, i32) {
    %c0_i32 = arith.constant 0 : i32
    %c0_i32_0 = arith.constant 0 : i32
    return %arg0, %c0_i32 : i32, i32
  }
  func.func @transform_2(%arg0: i32) -> (i32, i32) {
    %c0_i32 = arith.constant 0 : i32
    %c0_i32_0 = arith.constant 0 : i32
    return %arg0, %c0_i32 : i32, i32
  }
  func.func @transform_3(%arg0: i32) -> (i32, i32) {
    %c0_i32 = arith.constant 0 : i32
    %c0_i32_0 = arith.constant 0 : i32
    %c0_i32_1 = arith.constant 0 : i32
    return %c0_i32, %c0_i32_0 : i32, i32
  }
  func.func @transform_4(%arg0: i32) -> (i32, i32) {
    %c0_i32 = arith.constant 0 : i32
    %c0_i32_0 = arith.constant 0 : i32
    %c0_i32_1 = arith.constant 0 : i32
    return %c0_i32, %c0_i32_0 : i32, i32
  }
  func.func @transform_5(%arg0: i32) -> (i32, i32) {
    %c0_i32 = arith.constant 0 : i32
    %c0_i32_0 = arith.constant 0 : i32
    return %arg0, %c0_i32 : i32, i32
  }
}

module attributes {stable_mosaic.version = 14 : i64} {
  func.func @_tc3_body(%arg0: i32, %arg1: memref<2x640x128xf32, #tpu.memory_space<vmem>>, %arg2: memref<640x128xf32, #tpu.memory_space<vmem>>, %arg3: memref<640x1xf32, #tpu.memory_space<vmem>>, %arg4: memref<640x128xf32, #tpu.memory_space<vmem>>) attributes {dimension_semantics = [#tpu.dimension_semantics<arbitrary>], iteration_bounds = array<i64: 16>, scalar_prefetch = 0 : i64, scratch_operands = 0 : i64, tpu.core_type = #tpu.core_type<tc>, window_params = [{transform_indices = @transform_0, window_bounds = array<i64: 2, 640, 128>}, {transform_indices = @transform_1, window_bounds = array<i64: 640, 128>}, {transform_indices = @transform_2, window_bounds = array<i64: 640, 1>}, {transform_indices = @transform_3, window_bounds = array<i64: 640, 128>}]} {
    %get3A = arith.constant 0 : index
    %get3A_0 = arith.constant 0 : index
    %get3A_1 = arith.constant 0 : index
    %get3A_2 = vector.load %arg1[%get3A, %get3A_0, %get3A_1] : memref<2x640x128xf32, #tpu.memory_space<vmem>>, vector<1x640x128xf32>
    %get3A_3 = vector.shape_cast %get3A_2 : vector<1x640x128xf32> to vector<640x128xf32>
    %get3A_4 = arith.constant 1 : index
    %get3A_5 = arith.constant 0 : index
    %get3A_6 = arith.constant 0 : index
    %get3A_7 = vector.load %arg1[%get3A_4, %get3A_5, %get3A_6] : memref<2x640x128xf32, #tpu.memory_space<vmem>>, vector<1x640x128xf32>
    %get3A_8 = vector.shape_cast %get3A_7 : vector<1x640x128xf32> to vector<640x128xf32>
    %add3A = arith.addf %get3A_3, %get3A_8 : vector<640x128xf32>
    %get3A_9 = arith.constant 0 : index
    %get3A_10 = arith.constant 0 : index
    %get3A_11 = vector.load %arg2[%get3A_9, %get3A_10] : memref<640x128xf32, #tpu.memory_space<vmem>>, vector<640x128xf32>
    %add3A_12 = arith.addf %add3A, %get3A_11 : vector<640x128xf32>
    %get3A_13 = arith.constant 0 : index
    %get3A_14 = arith.constant 0 : index
    %get3A_15 = vector.load %arg3[%get3A_13, %get3A_14] : memref<640x1xf32, #tpu.memory_space<vmem>>, vector<640x1xf32>
    %mul3A = vector.broadcast %get3A_15 : vector<640x1xf32> to vector<640x128xf32>
    %mul3A_16 = arith.mulf %add3A_12, %mul3A : vector<640x128xf32>
    %max3A = arith.constant 0.000000e+00 : f32
    %max3A_17 = vector.broadcast %max3A : f32 to vector<640x128xf32>
    %max3A_18 = arith.maximumf %mul3A_16, %max3A_17 : vector<640x128xf32>
    %swap3A = arith.constant 0 : index
    %swap3A_19 = arith.constant 0 : index
    %swap3A_20 = vector.load %arg4[%swap3A, %swap3A_19] : memref<640x128xf32, #tpu.memory_space<vmem>>, vector<640x128xf32>
    tpu.vector_store %arg4[%swap3A, %swap3A_19], %max3A_18 {strides = array<i32>} : memref<640x128xf32, #tpu.memory_space<vmem>>, vector<640x128xf32>,
    return
  }
  func.func @transform_0(%arg0: i32) -> (i32, i32, i32) {
    %c0_i32 = arith.constant 0 : i32
    %c0_i32_0 = arith.constant 0 : i32
    %c0_i32_1 = arith.constant 0 : i32
    return %c0_i32, %arg0, %c0_i32_0 : i32, i32, i32
  }
  func.func @transform_1(%arg0: i32) -> (i32, i32) {
    %c0_i32 = arith.constant 0 : i32
    %c0_i32_0 = arith.constant 0 : i32
    return %arg0, %c0_i32 : i32, i32
  }
  func.func @transform_2(%arg0: i32) -> (i32, i32) {
    %c0_i32 = arith.constant 0 : i32
    %c0_i32_0 = arith.constant 0 : i32
    return %arg0, %c0_i32 : i32, i32
  }
  func.func @transform_3(%arg0: i32) -> (i32, i32) {
    %c0_i32 = arith.constant 0 : i32
    %c0_i32_0 = arith.constant 0 : i32
    return %arg0, %c0_i32 : i32, i32
  }
}

</mosaic_0001>

<sc_bundles>
// kernel: kernel.11.cloned.1.call-start
scs
__scs_entry_jumppad:
0x0: {  	(pc) =	sbr.rel $0x88, $3  }
0x1: {  	(tag) =	ssettag $0x0;
	lr =	simm.s32 $0x1  }
0x2: {  	[smem:$0x3F9B] =	sst lr;
	_ =	strace $0xD0000000  }
0x3: {  	_ = 	snop  }
0x4: {  	_ = 	snop  }
0x5: {  	_ = 	snop  }
0x6: {  	_ = 	snop  }
0x7: {  	_ = 	snop  }
__scs_overlays_trampoline_lowered:
0x8: {  	[smem:$0x3FAA] =	sst s0  }
0x9: {  	[smem:$0x3FAB] =	sst s1  }
0xa: {  	[smem:$0x3FAC] =	sst s2  }
0xb: {  	[smem:$0x3FAD] =	sst s3  }
0xc: {  	[smem:$0x3FAE] =	sst s4  }
0xd: {  	[smem:$0x3FAF] =	sst s5  }
0xe: {  	[smem:$0x3FB0] =	sst s6  }
0xf: {  	[smem:$0x3FB1] =	sst s7  }
0x10: {  	[smem:$0x3FB2] =	sst s8  }
0x11: {  	[smem:$0x3FB3] =	sst s9;
	s0 =	simm.s32 @!p0 $0x0  }
0x12: {  	s1 =	sld [smem:$0x3F99];
	s0 =	simm.s32 @p0 $0x1  }
0x13: {  	[smem:$0x3FB4] =	sst s0;
	s0 =	simm.s32 @!p1 $0x0  }
0x14: {  	s2 =	sld [smem:$0x3F98];
	s0 =	simm.s32 @p1 $0x1  }
0x15: {  	[smem:$0x3FB5] =	sst s0;
	s0 =	simm.s32 @!p2 $0x0  }
0x16: {  	s3 =	sld [smem:$0x3FDB];
	s0 =	simm.s32 @p2 $0x1  }
0x17: {  	s4 =	simm.s32 $0x1BF5;
	[smem:$0x3FB7] =	sst s0  }
0x18: {  	s0 =	sld [smem:$0x3F9A];
	_ =	swait.ge [sflag:s4], $0x0  }
0x19: {  	s7 =	sld [smem:$0x3F9B]  }
0x1a: {  	s8 =	sadd.s32 $0xFFFFE003, lr  }
0x1b: {  	s9 =	sadd.s32 $0xFFFFFEF7, lr;
	s5 =	simm.s32 $0xFFFFFFFF;
	p2 =	slt.u32 s8, $0xFFFFF086  }
0x1c: {  	p1 =	slt.u32 s9, $0xF7A;
	s5 =	simm.s32 @!p2 $0x0  }
0x1d: {  	s5 =	simm.s32 @p1 $0x1;
	p0 =	seq.s32 s7, s2  }
0x1e: {  	s7 =	smul.u32 @!p0 $0xF7A, s2;
	p2 =	seq.s32 @!p0 s5, $0x0  }
0x1f: {  	s9 =	smul.u32 $0xF7A, s1;
	s8 =	simm.s32 @!p0 $0x1BF5;
	p2 =	por !p2, p0  }
0x20: {  	[sflag:s8] =	ssyncset.s32 @!p0 $0xFFFFF086;
	s6 =	sadd.s32 @!p0 s3, s7;
	s7 =	simm.s32 @!p0 $0x108  }
0x21: {  	s3 =	sadd.s32 s3, s9;
	s6 =	sadd.s32 @!p0 $0x88, s6;
	s7 =	simm.s32 @p2 $0x1082  }
0x22: {  	[simem:s7], [sflag:s8] =	dma.local @!p0 [hbm:s6], $0xF7A  }
0x23: {  	s9 =	sor.u32 $0xD0000000, s2;
	s6 =	simm.s32 $0x108;
	_ =	swait.ge @!p0 [sflag:s8], $0x0  }
0x24: {  	s3 =	sadd.s32 $0x88, s3;
	s6 =	simm.s32 @!p1 $0x1082;
	[sflag:s4] =	ssyncset.s32 $0xFFFFF086  }
0x25: {  	[simem:s6], [sflag:s4] =	dma.local [hbm:s3], $0xF7A  }
0x26: {  	[smem:$0x3F9B] =	sst s1;
	(tag) =	ssettag s2;
	_ =	strace s9  }
0x27: {  	s1 =	sld [smem:$0x3FAB]  }
0x28: {  	s2 =	sld [smem:$0x3FAC]  }
0x29: {  	s4 =	sld [smem:$0x3FAE]  }
0x2a: {  	p0 =	seq.s32 s5, $0x0;
	s5 =	sld [smem:$0x3FAF]  }
0x2b: {  	s6 =	sld [smem:$0x3FB0]  }
0x2c: {  	s7 =	sld [smem:$0x3FB1]  }
0x2d: {  	s3 =	simm.s32 $0x108;
	s8 =	sld [smem:$0x3FB2]  }
0x2e: {  	s3 =	simm.s32 @!p0 $0x1082;
	s9 =	sld [smem:$0x3FB3]  }
0x2f: {  	lr =	sadd.s32 s0, s3;
	s0 =	sld [smem:$0x3FAA]  }
0x30: {  	s3 =	sld [smem:$0x3FAD]  }
0x31: {  	[smem:$0x3FB6] =	sst s10  }
0x32: {  	s10 =	sld [smem:$0x3FB4];
	_ =	sdelay $0x3  }
0x33: {  	p0 =	seq.s32 s10, $0x1;
	s10 =	sld [smem:$0x3FB6];
	_ =	sdelay $0x3  }
0x34: {  	[smem:$0x3FB6] =	sst s10  }
0x35: {  	s10 =	sld [smem:$0x3FB5];
	_ =	sdelay $0x3  }
0x36: {  	p1 =	seq.s32 s10, $0x1;
	s10 =	sld [smem:$0x3FB6];
	_ =	sdelay $0x3  }
0x37: {  	[smem:$0x3FB6] =	sst s10  }
0x38: {  	s10 =	sld [smem:$0x3FB7]  }
0x39: {  	_ = 	snop;
	(pc) =	sbr.ind lr, $3  }
0x3a: {  	_ = 	snop  }
0x3b: {  	_ = 	snop  }
0x3c: {  	p2 =	seq.s32 s10, $0x1;
	s10 =	sld [smem:$0x3FB6]  }
0x3d: {  	_ =	shalt  }
0x3e: {  	_ =	shalt  }
0x3f: {  	_ =	shalt  }
0x40: {  	_ =	shalt  }
0x41: {  	_ =	shalt  }
0x42: {  	_ =	shalt  }
0x43: {  	_ =	shalt  }
0x44: {  	_ =	shalt  }
0x45: {  	_ =	shalt  }
0x46: {  	_ =	shalt  }
0x47: {  	_ =	shalt  }
0x48: {  	_ =	shalt  }
0x49: {  	_ =	shalt  }
0x4a: {  	_ =	shalt  }
0x4b: {  	_ =	shalt  }
0x4c: {  	_ =	shalt  }
0x4d: {  	_ =	shalt  }
0x4e: {  	_ =	shalt  }
0x4f: {  	_ =	shalt  }
0x50: {  	_ =	shalt  }
0x51: {  	_ =	shalt  }
0x52: {  	_ =	shalt  }
0x53: {  	_ =	shalt  }
0x54: {  	_ =	shalt  }
0x55: {  	_ =	shalt  }
0x56: {  	_ =	shalt  }
0x57: {  	_ =	shalt  }
0x58: {  	_ =	shalt  }
0x59: {  	_ =	shalt  }
0x5a: {  	_ =	shalt  }
0x5b: {  	_ =	shalt  }
0x5c: {  	_ =	shalt  }
0x5d: {  	_ =	shalt  }
0x5e: {  	_ =	shalt  }
0x5f: {  	_ =	shalt  }
0x60: {  	_ =	shalt  }
0x61: {  	_ =	shalt  }
0x62: {  	_ =	shalt  }
0x63: {  	_ =	shalt  }
0x64: {  	_ =	shalt  }
0x65: {  	_ =	shalt  }
0x66: {  	_ =	shalt  }
0x67: {  	_ =	shalt  }
0x68: {  	_ =	shalt  }
0x69: {  	_ =	shalt  }
0x6a: {  	_ =	shalt  }
0x6b: {  	_ =	shalt  }
0x6c: {  	_ =	shalt  }
0x6d: {  	_ =	shalt  }
0x6e: {  	_ =	shalt  }
0x6f: {  	_ =	shalt  }
0x70: {  	_ =	shalt  }
0x71: {  	_ =	shalt  }
0x72: {  	_ =	shalt  }
0x73: {  	_ =	shalt  }
0x74: {  	_ =	shalt  }
0x75: {  	_ =	shalt  }
0x76: {  	_ =	shalt  }
0x77: {  	_ =	shalt  }
0x78: {  	_ =	shalt  }
0x79: {  	_ =	shalt  }
0x7a: {  	_ =	shalt  }
0x7b: {  	_ =	shalt  }
0x7c: {  	_ =	shalt  }
0x7d: {  	_ =	shalt  }
0x7e: {  	_ =	shalt  }
0x7f: {  	_ =	shalt  }
0x80: {  	_ =	shalt  }
0x81: {  	_ =	shalt  }
0x82: {  	_ =	shalt  }
0x83: {  	_ =	shalt  }
0x84: {  	_ =	shalt  }
0x85: {  	_ =	shalt  }
0x86: {  	_ =	shalt  }
0x87: {  	_ =	shalt  }
.Lfunc_end0:
.L_simem_size_0:
called_computation.1_lowered:
.L_overlay_start_0:
0x88: {  	s2 =	sld [smem:$0x3FD9]  }
0x89: {  	s3 =	sld [smem:$0x3FFE];
	_ =	sdelay $0x1  }
0x8a: {  	s1 =	srdreg.scid  }
0x8b: {  	s0 =	sand.u32 $0x1, s1  }
0x8c: {  	s17 =	sshll.u32 s0, $0xA;
	s2 =	sadd.s32 s3, s2  }
0x8d: {  	s2 =	sadd.s32 s2, s17  }
0x8e: {  	[smem:$0x3FC2] =	sst s2  }
0x8f: {  	_ = 	snop  }
0x90: {  	s2 =	sld [smem:$0x3FD0];
	(tm) =	ssettm $0x1  }
0x91: {  	s18 =	sld [smem:$0x3FFB];
	_ =	sdelay $0x3  }
0x92: {  	_ =	strace s18  }
0x93: {  	s3 =	sld [smem:$0x3FFC];
	_ =	sdelay $0x3  }
0x94: {  	_ =	strace s3  }
0x95: {  	s3 =	sld [smem:$0x3FFD];
	_ =	sdelay $0x3  }
0x96: {  	_ =	strace s3  }
0x97: {  	_ =	strace $0x8FFFFFFF  }
0x98: {  	s19 =	sld [smem:$0x3FDB];
	_ =	sdelay $0x1  }
0x99: {  	s4 =	simm.s32 $_scs_section_size  }
0x9a: {  	s5 =	simm.s32 $_size__tile_overlayer_lowered;
	s6 =	simm.s32 $_tile_overlayer_lowered  }
0x9b: {  	s22 =	simm.s32 $0x1BFF;
	s21 =	sshll.u32 s6, $0x1;
	s3 =	sadd.s32 s4, s19  }
0x9c: {  	s7 =	simm.s32 $0x0;
	s20 =	sshll.u32 s5, $0x1;
	s5 =	sadd.s32 s21, s3  }
0x9d: {  	[timem:s7], [sflag:s22] =	dma.local [hbm:s5], s20  }
0x9e: {  	_ =	swait.ge [sflag:s22], s20  }
0x9f: {  	s4 =	ssub.s32 $0x0, s20;
	[sflag:s22] =	ssyncset.done $0x0  }
0xa0: {  	[sflag:s22] =	ssyncadd.s32 s4;
	_ =	sdelay $0x1  }
0xa1: {  	s23 =	simm.s32 $0x1B8B  }
0xa2: {  	_ =	swait.ge [sflag:s23], $0x1  }
0xa3: {  	[sflag:s23] =	ssyncset.done $0x0  }
0xa4: {  	s25 =	simm.s32 $0x1B8E;
	s24 =	sld [smem:$0x3FFE];
	[sflag:s23] =	ssyncadd.s32 $0xFFFFFFFF  }
0xa5: {  	s26 =	simm.s32 $execute0_lowered;
	[smem:$0x3FD2] =	sst s25  }
0xa6: {  	s5 =	sshll.u32 s26, $0x1;
	_ =	strace $0x80000049;
	[dreg:$0x1] =	wrdreg $0xFFFFFFFF  }
0xa7: {  	s28 =	simm.s32 $_size_execute0_lowered;
	s3 =	sadd.s32 s3, s5;
	[dreg:$0x0] =	wrdreg $0x0  }
0xa8: {  	s5 =	sshll.u32 s28, $0x1;
	[dreg:$0x2] =	wrdreg s3  }
0xa9: {  	[dreg:$0x3] =	wrdreg s5  }
0xaa: {  	[dreg:$0x4] =	wrdreg $0xC0  }
0xab: {  	_ =	task [dreg:s7], $0x5FFFF  }
0xac: {  	[dreg:$0x1] =	wrdreg $0xFFFFFFFF  }
0xad: {  	[dreg:$0x0] =	wrdreg $0x60  }
0xae: {  	[dreg:$0x2] =	wrdreg s24  }
0xaf: {  	[dreg:$0x3] =	wrdreg s2  }
0xb0: {  	[dreg:$0x4] =	wrdreg $0xA8000  }
0xb1: {  	[dreg:$0x5] =	wrdreg $0x9  }
0xb2: {  	_ =	task.clear_ibuf [dreg:s7], $0x6FFFF;
	_ =	strace $0x90000049  }
0xb3: {  	s29 =	simm.s32 $0x9;
	_ =	strace $0x8000004B  }
0xb4: {  	_ =	swait.ge [sflag:s29], $0x1  }
0xb5: {  	[sflag:s29] =	ssyncadd.s32 $0xFFFFFFFF  }
0xb6: {  	_ =	strace $0x9000004B  }
0xb7: {  	_ =	sfence  }
0xb8: {  	s30 =	sld [smem:$0x0];
	_ =	sdelay $0x2  }
0xb9: {  	s31 =	sshll.u32 s1, $0xD;
	s1 =	sshrl.u32 s1, $0x2  }
0xba: {  	s3 =	sand.u32 $0x4000, s31;
	s1 =	sadd.s32 s1, s30  }
0xbb: {  	s0 =	sor.u32 s3, s0;
	s1 =	sshll.u32 s1, $0x11  }
0xbc: {  	s0 =	sor.u32 s1, s0  }
0xbd: {  	s0 =	sadd.s32 $0x8F2B, s0  }
0xbe: {  	[sflag:s0] =	ssyncadd.remote.s32 $0x1  }
0xbf: {  	_ =	sfence.sel $0xFFFF  }
0xc0: {  	[dreg:$0x0] =	wrdreg $0xFFFFFFFF;
	(pc) =	sbr.abs _section_cstart, $3  }
0xc1: {  	[dreg:$0x1] =	wrdreg $0xFFFFFFFF  }
0xc2: {  	_ =	task.clear_ibuf [dreg:s7], $0x2FFFF;
	_ =	strace $0x9FFFFFFF  }
0xc3: {  	(tm) =	ssettm $0x7FFFFFFF  }
tec
execute0_lowered:
.L_overlay_start_1:
0x0: {  	(tag) =	ssettag $0x1  }
0x1: {  	s6 =	rddreg [dreg:$0x0]  }
0x2: {  	s1 =	rddreg [dreg:$0x1]  }
0x3: {  	s2 =	rddreg [dreg:$0x2]  }
0x4: {  	s3 =	srdreg.scid;
	s0 =	rddreg [dreg:$0x3];
	s4 =	simm.s32 $0x0  }
0x5: {  	s14 =	simm.s32 $0x2800;
	s15 =	simm.s32 $0x5;
	s16 =	simm.s32 $0x1400  }
0x6: {  	s17 =	simm.s32 $0x80;
	s18 =	simm.s32 $0x6800;
	s19 =	simm.s32 $0x1  }
0x7: {  	s20 =	simm.s32 $0x2;
	s21 =	simm.s32 $0x3;
	s23 =	sand.u32 $0x1, s3  }
0x8: {  	s22 =	simm.s32 $0x4;
	s3 =	stileid.u32;
	s7 =	smul.u32 $0x140000, s23  }
0x9: {  	s24 =	simm.s32 $0x2780;
	[smem:$0x7FF] =	sst s4;
	s8 =	smul.u32 $0x14000, s3  }
0xa: {  	s5 =	sadd.s32 $0x2800, s6;
	_ =	strace $0x8000004A;
	s30 =	smul.u32 $0x78, s3  }
0xb: {  	s9 =	ssub.s32 $0x2, s23;
	s10 =	smul.u32 $0x50000, s3;
	p0 =	seq.s32 s23, $0x0  }
0xc: {  	s31 =	sshrl.u32 s9, $0x1;
	s7 =	sadd.s32 s8, s7;
	s8 =	sadd.s32 $0x280, s30  }
0xd: {  	s10 =	sshrl.u32 s10, $0x2;
	s13 =	ssub.s32 s9, s31;
	s7 =	sshrl.u32 s7, $0x3  }
0xe: {  	s12 =	sadd.s32 s7, s6;
	s6 =	smul.u32 $0x28, s3;
	s7 =	sadd.s32 s10, s2  }
0xf: {  	s13 =	smax.u32 s13, $0x1;
	s9 =	sadd.s32 $0x8000, s7;
	s10 =	sadd.s32 $0xC000, s7  }
0x10: {  	s11 =	sadd.s32 $0x10000, s7;
	s12 =	sadd.s32 $0x2A800, s12;
	s6 =	smov.u32 @p0 s8  }
0x11: {  	v0 =	vimm.f32 $0.0e+00;
	s8 =	sadd.s32 $0x4000, s7;
	p0 =	sne.s32 s23, $0x0;
	s23 =	simm.s32 $0x2700  }
.LBB2_1:
0x12: {  	s25 =	simm.s32 $0x0;
	s26 =	simm.s32 $0x200  }
.LBB2_2:
0x13: {  	p1 =	sne.s32 s26, $0xFE00;
	[tilespmem:s25+$0x2870] =	vst v0  }
0x14: {  	[tilespmem:s25+$0x2800] =	vst v0  }
0x15: {  	[tilespmem:s25+$0x2810] =	vst v0  }
.Ltmp0:
0x16: {  	[tilespmem:s25+$0x2820] =	vst v0;
	(pc) =	sbr.rel @p1 .LBB2_2-.Ltmp0, $4  }
0x17: {  	[tilespmem:s25+$0x2830] =	vst v0  }
0x18: {  	[tilespmem:s25+$0x2840] =	vst v0  }
0x19: {  	[tilespmem:s25+$0x2850] =	vst v0  }
0x1a: {  	[tilespmem:s25+$0x2860] =	vst v0;
	s25 =	sshra.s32 s26, $0x2;
	s26 =	sadd.s32 $0x200, s26  }
0x1b: {  	[tilespmem:s25+$0x2870] =	vst v0  }
0x1c: {  	[tilespmem:s25+$0x2800] =	vst v0  }
0x1d: {  	[tilespmem:s25+$0x2810] =	vst v0  }
0x1e: {  	[tilespmem:s25+$0x2820] =	vst v0  }
0x1f: {  	[tilespmem:s25+$0x2830] =	vst v0  }
0x20: {  	[tilespmem:s25+$0x2840] =	vst v0  }
0x21: {  	[tilespmem:s25+$0x2850] =	vst v0  }
0x22: {  	[tilespmem:s25+$0x2860] =	vst v0  }
0x23: {  	[spmem:s7] =	stream.linear.scatter [tilespmem:s14], [sflag:$0x5], $0x4000, $0x38;
	[tilespmem:$0x1E800] =	vst v63  }
0x24: {  	_ =	swait.ge [sflag:s15], $0x4000  }
0x25: {  	[sflag:s15] =	ssyncset.done $0x0  }
0x26: {  	[sflag:s15] =	ssyncadd.s32 $0xFFFFC000  }
0x27: {  	[spmem:s8] =	stream.linear.scatter [tilespmem:s14], [sflag:$0x5], $0x4000, $0x38;
	[tilespmem:$0x1E800] =	vst v63  }
0x28: {  	_ =	swait.ge [sflag:s15], $0x4000  }
0x29: {  	[sflag:s15] =	ssyncset.done $0x0  }
0x2a: {  	[sflag:s15] =	ssyncadd.s32 $0xFFFFC000  }
0x2b: {  	[spmem:s9] =	stream.linear.scatter [tilespmem:s14], [sflag:$0x5], $0x4000, $0x38;
	[tilespmem:$0x1E800] =	vst v63  }
0x2c: {  	_ =	swait.ge [sflag:s15], $0x4000  }
0x2d: {  	[sflag:s15] =	ssyncset.done $0x0  }
0x2e: {  	[sflag:s15] =	ssyncadd.s32 $0xFFFFC000  }
0x2f: {  	[spmem:s10] =	stream.linear.scatter [tilespmem:s14], [sflag:$0x5], $0x4000, $0x38;
	[tilespmem:$0x1E800] =	vst v63  }
0x30: {  	_ =	swait.ge [sflag:s15], $0x4000  }
0x31: {  	[sflag:s15] =	ssyncset.done $0x0  }
0x32: {  	[sflag:s15] =	ssyncadd.s32 $0xFFFFC000  }
0x33: {  	[spmem:s11] =	stream.linear.scatter [tilespmem:s14], [sflag:$0x5], $0x4000, $0x38;
	[tilespmem:$0x1E800] =	vst v63  }
0x34: {  	_ =	swait.ge [sflag:s15], $0x4000  }
0x35: {  	[sflag:s15] =	ssyncset.done $0x0  }
0x36: {  	[sflag:s15] =	ssyncadd.s32 $0xFFFFC000  }
0x37: {  	s25 =	simm.s32 $0x0;
	s26 =	simm.s32 $0x0;
	[bflag:$0x0] =	sbarrier.arrive $0xFFFF  }
.LBB2_4:
0x38: {  	s28 =	smul.u32 $0x28, s26;
	_ =	sdelay $0x1  }
0x39: {  	s28 =	sadd.s32 s6, s28  }
0x3a: {  	s28 =	sshll.u32 s28, $0x4  }
0x3b: {  	s29 =	sadd.s32 s1, s28  }
0x3c: {  	[tilespmem:s25], [sflag:$0x5] =	stream.linear.gather [hbm4b:s29+s25], $0x1400, $0x38;
	[tilespmem:$0x1E800] =	vst v63  }
0x3d: {  	s28 =	sand.u32 $0x1FFFFFF0, s28;
	_ =	swait.ge [sflag:s15], $0x1400  }
0x3e: {  	s28 =	sadd.s32 s1, s28;
	[sflag:s15] =	ssyncset.done $0x0  }
0x3f: {  	s28 =	sadd.s32 $0xA000, s28;
	[sflag:s15] =	ssyncadd.s32 $0xFFFFEC00  }
0x40: {  	[tilespmem:s16], [sflag:$0x5] =	stream.linear.gather [hbm4b:s28+s25], $0x1400, $0x38;
	[tilespmem:$0x1E800] =	vst v63  }
0x41: {  	_ =	swait.ge [sflag:s15], $0x1400  }
0x42: {  	[sflag:s15] =	ssyncset.done $0x0  }
0x43: {  	[sflag:s15] =	ssyncadd.s32 $0xFFFFEC00  }
0x44: {  	[tilespmem:s14], [sflag:$0x1] =	stream.indirect.gather [hbm4b:s5+s17], $0x80, s25, s17, $0xb8;
	[tilespmem:$0x1E800] =	vst v63  }
0x45: {  	_ = 	snop  }
0x46: {  	[tilespmem:s18], [sflag:$0x2] =	stream.indirect.gather [hbm4b:s5+s17], $0x80, s17, s17, $0xb8;
	[tilespmem:$0x1E800] =	vst v63  }
0x47: {  	_ =	swait.ge [sflag:s19], $0x4000  }
0x48: {  	[sflag:s19] =	ssyncset.done $0x0  }
0x49: {  	s28 =	simm.s32 $0x1400;
	[sflag:s19] =	ssyncadd.s32 $0xFFFFC000  }
0x4a: {  	[spmem:s2] =	stream.indirect.scatter.add.f32 [tilespmem:s14], [sflag:$0x3], $0x80, s28, s17, $0xb8;
	[tilespmem:$0x1E800] =	vst v63  }
0x4b: {  	_ =	swait.ge [sflag:s20], $0x4000  }
0x4c: {  	[sflag:s20] =	ssyncset.done $0x0  }
0x4d: {  	s28 =	simm.s32 $0x1480;
	[sflag:s20] =	ssyncadd.s32 $0xFFFFC000  }
0x4e: {  	[spmem:s2] =	stream.indirect.scatter.add.f32 [tilespmem:s18], [sflag:$0x4], $0x80, s28, s17, $0xb8;
	[tilespmem:$0x1E800] =	vst v63  }
0x4f: {  	_ =	swait.ge [sflag:s21], $0x4000  }
0x50: {  	[sflag:s21] =	ssyncset.done $0x0  }
0x51: {  	s28 =	simm.s32 $0x100;
	[sflag:s21] =	ssyncadd.s32 $0xFFFFC000  }
0x52: {  	[tilespmem:s14], [sflag:$0x1] =	stream.indirect.gather [hbm4b:s5+s17], $0x80, s28, s17, $0xb8;
	[tilespmem:$0x1E800] =	vst v63  }
0x53: {  	_ =	swait.ge [sflag:s22], $0x4000  }
0x54: {  	[sflag:s22] =	ssyncset.done $0x0  }
0x55: {  	s29 =	simm.s32 $0x180;
	s28 =	simm.s32 $0x400;
	[sflag:s22] =	ssyncadd.s32 $0xFFFFC000  }
.LBB2_5:
0x56: {  	[tilespmem:s18], [sflag:$0x2] =	stream.indirect.gather [hbm4b:s5+s17], $0x80, s29, s17, $0xb8;
	[tilespmem:$0x1E800] =	vst v63  }
0x57: {  	s29 =	smov.u32 s28  }
0x58: {  	p1 =	sne.s32 s28, $0x4800;
	s28 =	sadd.s32 $0x400, s28;
	_ =	swait.ge [sflag:s19], $0x4000  }
0x59: {  	s29 =	sshra.s32 s29, $0x2;
	[sflag:s19] =	ssyncset.done $0x0  }
0x5a: {  	s30 =	sadd.s32 $0x1400, s29;
	[sflag:s19] =	ssyncadd.s32 $0xFFFFC000  }
0x5b: {  	[spmem:s2] =	stream.indirect.scatter.add.f32 [tilespmem:s14], [sflag:$0x3], $0x80, s30, s17, $0xb8;
	[tilespmem:$0x1E800] =	vst v63  }
0x5c: {  	_ =	swait.ge [sflag:s20], $0x4000  }
0x5d: {  	[sflag:s20] =	ssyncset.done $0x0  }
0x5e: {  	s30 =	sadd.s32 $0x1480, s29;
	[sflag:s20] =	ssyncadd.s32 $0xFFFFC000  }
0x5f: {  	[spmem:s2] =	stream.indirect.scatter.add.f32 [tilespmem:s18], [sflag:$0x4], $0x80, s30, s17, $0xb8;
	[tilespmem:$0x1E800] =	vst v63  }
0x60: {  	_ =	swait.ge [sflag:s21], $0x4000  }
0x61: {  	[sflag:s21] =	ssyncset.done $0x0  }
.Ltmp1:
0x62: {  	s30 =	sadd.s32 $0x100, s29;
	[sflag:s21] =	ssyncadd.s32 $0xFFFFC000;
	(pc) =	sbr.rel @p1 .LBB2_5-.Ltmp1, $4  }
0x63: {  	[tilespmem:s14], [sflag:$0x1] =	stream.indirect.gather [hbm4b:s5+s17], $0x80, s30, s17, $0xb8;
	[tilespmem:$0x1E800] =	vst v63  }
0x64: {  	_ =	swait.ge [sflag:s22], $0x4000  }
0x65: {  	[sflag:s22] =	ssyncset.done $0x0  }
0x66: {  	s29 =	sadd.s32 $0x180, s29;
	[sflag:s22] =	ssyncadd.s32 $0xFFFFC000  }
0x67: {  	[tilespmem:s18], [sflag:$0x2] =	stream.indirect.gather [hbm4b:s5+s17], $0x80, s29, s17, $0xb8;
	[tilespmem:$0x1E800] =	vst v63  }
0x68: {  	_ =	swait.ge [sflag:s19], $0x4000  }
0x69: {  	[sflag:s19] =	ssyncset.done $0x0  }
0x6a: {  	[sflag:s19] =	ssyncadd.s32 $0xFFFFC000  }
0x6b: {  	[spmem:s2] =	stream.indirect.scatter.add.f32 [tilespmem:s14], [sflag:$0x3], $0x80, s23, s17, $0xb8;
	[tilespmem:$0x1E800] =	vst v63  }
0x6c: {  	_ =	swait.ge [sflag:s20], $0x4000  }
0x6d: {  	[sflag:s20] =	ssyncset.done $0x0  }
0x6e: {  	p1 =	slt.u32 @!p0 s26, $0x2;
	[sflag:s20] =	ssyncadd.s32 $0xFFFFC000  }
0x6f: {  	[spmem:s2] =	stream.indirect.scatter.add.f32 [tilespmem:s18], [sflag:$0x4], $0x80, s24, s17, $0xb8;
	[tilespmem:$0x1E800] =	vst v63  }
0x70: {  	p1 =	por p0, !p1;
	_ =	swait.ge [sflag:s21], $0x4000  }
.Ltmp2:
0x71: {  	[sflag:s21] =	ssyncset.done $0x0;
	(pc) =	sbr.rel @!p1 .LBB2_4-.Ltmp2, $4  }
0x72: {  	[sflag:s21] =	ssyncadd.s32 $0xFFFFC000  }
0x73: {  	_ =	swait.ge [sflag:s22], $0x4000  }
0x74: {  	[sflag:s22] =	ssyncset.done $0x0  }
0x75: {  	s26 =	sadd.s32 $0x1, s26;
	[sflag:s22] =	ssyncadd.s32 $0xFFFFC000  }
0x76: {  	s4 =	sadd.s32 $0x1, s4  }
0x77: {  	s25 =	sshll.u32 s3, $0x6;
	[bflag:$0x0] =	sbarrier.arrive $0xFFFF;
	p1 =	sne.s32 s4, s13  }
.Ltmp3:
0x78: {  	s26 =	sshrl.u32 s7, $0x3;
	s25 =	sor.u32 $0x1C05, s25;
	(pc) =	sbr.rel @p1 .LBB2_1-.Ltmp3, $4  }
0x79: {  	[hbm:s12], [sflag:s25] =	dma.local [spmem:s26], $0x2800  }
0x7a: {  	_ =	swait.ge [sflag:s15], $0x2800  }
0x7b: {  	[sflag:s15] =	ssyncset.done $0x0  }
0x7c: {  	[sflag:s15] =	ssyncadd.s32 $0xFFFFD800  }
0x7d: {  	_ =	sfence.sel $0x180000  }
0x7e: {  	[bflag:$0x0] =	sbarrier.arrive $0xFFFF  }
0x7f: {  	p0 =	sne.s32 s3, $0x0;
	_ =	strace $0x9000004A  }
0x80: {  	s0 =	sadd.s32 @!p0 $0x100000, s0;
	[bflag:$0x2] =	sbarrier.arrive $0xFFFF  }
0x81: {  	[sflag:s0] =	ssyncadd.tile.s32 @!p0 $0x1;
	_ =	shalt  }
.Lfunc_end2:
_tile_overlayer_lowered:
.L_overlay_start_2:
0x82: {  	(tag) =	ssettag $0x2  }
0x83: {  	s0 =	rddreg [dreg:$0x0];
	s2 =	stileid.u32  }
0x84: {  	s1 =	rddreg [dreg:$0x1];
	p0 =	sne.s32 s2, $0x0  }
0x85: {  	s3 =	rddreg [dreg:$0x2];
	[bflag:$0x3] =	sbarrier.arrive $0xFFFF;
	s2 =	simm.s32 @!p0 $0x1C05  }
0x86: {  	[timem:s3], [sflag:s2] =	dma.local @!p0 [hbm:s0], s1  }
0x87: {  	s0 =	simm.s32 @!p0 $0x5  }
0x88: {  	_ =	swait.ge @!p0 [sflag:s0], s1  }
0x89: {  	s1 =	ssub.s32 @!p0 $0x0, s1;
	[sflag:s0] =	ssyncset.done @!p0 $0x0  }
0x8a: {  	[sflag:s0] =	ssyncadd.s32 @!p0 s1  }
0x8b: {  	[bflag:$0x3] =	sbarrier.arrive $0xFFFF  }
0x8c: {  	_ =	shalt  }

// kernel: kernel.14.cloned.1.call-start
scs
__scs_entry_jumppad:
0x0: {  	(pc) =	sbr.rel $0x88, $3  }
0x1: {  	(tag) =	ssettag $0x0;
	lr =	simm.s32 $0x1  }
0x2: {  	[smem:$0x3F9B] =	sst lr;
	_ =	strace $0xD0000000  }
0x3: {  	_ = 	snop  }
0x4: {  	_ = 	snop  }
0x5: {  	_ = 	snop  }
0x6: {  	_ = 	snop  }
0x7: {  	_ = 	snop  }
__scs_overlays_trampoline_lowered:
0x8: {  	[smem:$0x3FAA] =	sst s0  }
0x9: {  	[smem:$0x3FAB] =	sst s1  }
0xa: {  	[smem:$0x3FAC] =	sst s2  }
0xb: {  	[smem:$0x3FAD] =	sst s3  }
0xc: {  	[smem:$0x3FAE] =	sst s4  }
0xd: {  	[smem:$0x3FAF] =	sst s5  }
0xe: {  	[smem:$0x3FB0] =	sst s6  }
0xf: {  	[smem:$0x3FB1] =	sst s7  }
0x10: {  	[smem:$0x3FB2] =	sst s8  }
0x11: {  	[smem:$0x3FB3] =	sst s9;
	s0 =	simm.s32 @!p0 $0x0  }
0x12: {  	s1 =	sld [smem:$0x3F99];
	s0 =	simm.s32 @p0 $0x1  }
0x13: {  	[smem:$0x3FB4] =	sst s0;
	s0 =	simm.s32 @!p1 $0x0  }
0x14: {  	s2 =	sld [smem:$0x3F98];
	s0 =	simm.s32 @p1 $0x1  }
0x15: {  	[smem:$0x3FB5] =	sst s0;
	s0 =	simm.s32 @!p2 $0x0  }
0x16: {  	s3 =	sld [smem:$0x3FDB];
	s0 =	simm.s32 @p2 $0x1  }
0x17: {  	s4 =	simm.s32 $0x1BF5;
	[smem:$0x3FB7] =	sst s0  }
0x18: {  	s0 =	sld [smem:$0x3F9A];
	_ =	swait.ge [sflag:s4], $0x0  }
0x19: {  	s7 =	sld [smem:$0x3F9B]  }
0x1a: {  	s8 =	sadd.s32 $0xFFFFE003, lr  }
0x1b: {  	s9 =	sadd.s32 $0xFFFFFEF7, lr;
	s5 =	simm.s32 $0xFFFFFFFF;
	p2 =	slt.u32 s8, $0xFFFFF086  }
0x1c: {  	p1 =	slt.u32 s9, $0xF7A;
	s5 =	simm.s32 @!p2 $0x0  }
0x1d: {  	s5 =	simm.s32 @p1 $0x1;
	p0 =	seq.s32 s7, s2  }
0x1e: {  	s7 =	smul.u32 @!p0 $0xF7A, s2;
	p2 =	seq.s32 @!p0 s5, $0x0  }
0x1f: {  	s9 =	smul.u32 $0xF7A, s1;
	s8 =	simm.s32 @!p0 $0x1BF5;
	p2 =	por !p2, p0  }
0x20: {  	[sflag:s8] =	ssyncset.s32 @!p0 $0xFFFFF086;
	s6 =	sadd.s32 @!p0 s3, s7;
	s7 =	simm.s32 @!p0 $0x108  }
0x21: {  	s3 =	sadd.s32 s3, s9;
	s6 =	sadd.s32 @!p0 $0x88, s6;
	s7 =	simm.s32 @p2 $0x1082  }
0x22: {  	[simem:s7], [sflag:s8] =	dma.local @!p0 [hbm:s6], $0xF7A  }
0x23: {  	s9 =	sor.u32 $0xD0000000, s2;
	s6 =	simm.s32 $0x108;
	_ =	swait.ge @!p0 [sflag:s8], $0x0  }
0x24: {  	s3 =	sadd.s32 $0x88, s3;
	s6 =	simm.s32 @!p1 $0x1082;
	[sflag:s4] =	ssyncset.s32 $0xFFFFF086  }
0x25: {  	[simem:s6], [sflag:s4] =	dma.local [hbm:s3], $0xF7A  }
0x26: {  	[smem:$0x3F9B] =	sst s1;
	(tag) =	ssettag s2;
	_ =	strace s9  }
0x27: {  	s1 =	sld [smem:$0x3FAB]  }
0x28: {  	s2 =	sld [smem:$0x3FAC]  }
0x29: {  	s4 =	sld [smem:$0x3FAE]  }
0x2a: {  	p0 =	seq.s32 s5, $0x0;
	s5 =	sld [smem:$0x3FAF]  }
0x2b: {  	s6 =	sld [smem:$0x3FB0]  }
0x2c: {  	s7 =	sld [smem:$0x3FB1]  }
0x2d: {  	s3 =	simm.s32 $0x108;
	s8 =	sld [smem:$0x3FB2]  }
0x2e: {  	s3 =	simm.s32 @!p0 $0x1082;
	s9 =	sld [smem:$0x3FB3]  }
0x2f: {  	lr =	sadd.s32 s0, s3;
	s0 =	sld [smem:$0x3FAA]  }
0x30: {  	s3 =	sld [smem:$0x3FAD]  }
0x31: {  	[smem:$0x3FB6] =	sst s10  }
0x32: {  	s10 =	sld [smem:$0x3FB4];
	_ =	sdelay $0x3  }
0x33: {  	p0 =	seq.s32 s10, $0x1;
	s10 =	sld [smem:$0x3FB6];
	_ =	sdelay $0x3  }
0x34: {  	[smem:$0x3FB6] =	sst s10  }
0x35: {  	s10 =	sld [smem:$0x3FB5];
	_ =	sdelay $0x3  }
0x36: {  	p1 =	seq.s32 s10, $0x1;
	s10 =	sld [smem:$0x3FB6];
	_ =	sdelay $0x3  }
0x37: {  	[smem:$0x3FB6] =	sst s10  }
0x38: {  	s10 =	sld [smem:$0x3FB7]  }
0x39: {  	_ = 	snop;
	(pc) =	sbr.ind lr, $3  }
0x3a: {  	_ = 	snop  }
0x3b: {  	_ = 	snop  }
0x3c: {  	p2 =	seq.s32 s10, $0x1;
	s10 =	sld [smem:$0x3FB6]  }
0x3d: {  	_ =	shalt  }
0x3e: {  	_ =	shalt  }
0x3f: {  	_ =	shalt  }
0x40: {  	_ =	shalt  }
0x41: {  	_ =	shalt  }
0x42: {  	_ =	shalt  }
0x43: {  	_ =	shalt  }
0x44: {  	_ =	shalt  }
0x45: {  	_ =	shalt  }
0x46: {  	_ =	shalt  }
0x47: {  	_ =	shalt  }
0x48: {  	_ =	shalt  }
0x49: {  	_ =	shalt  }
0x4a: {  	_ =	shalt  }
0x4b: {  	_ =	shalt  }
0x4c: {  	_ =	shalt  }
0x4d: {  	_ =	shalt  }
0x4e: {  	_ =	shalt  }
0x4f: {  	_ =	shalt  }
0x50: {  	_ =	shalt  }
0x51: {  	_ =	shalt  }
0x52: {  	_ =	shalt  }
0x53: {  	_ =	shalt  }
0x54: {  	_ =	shalt  }
0x55: {  	_ =	shalt  }
0x56: {  	_ =	shalt  }
0x57: {  	_ =	shalt  }
0x58: {  	_ =	shalt  }
0x59: {  	_ =	shalt  }
0x5a: {  	_ =	shalt  }
0x5b: {  	_ =	shalt  }
0x5c: {  	_ =	shalt  }
0x5d: {  	_ =	shalt  }
0x5e: {  	_ =	shalt  }
0x5f: {  	_ =	shalt  }
0x60: {  	_ =	shalt  }
0x61: {  	_ =	shalt  }
0x62: {  	_ =	shalt  }
0x63: {  	_ =	shalt  }
0x64: {  	_ =	shalt  }
0x65: {  	_ =	shalt  }
0x66: {  	_ =	shalt  }
0x67: {  	_ =	shalt  }
0x68: {  	_ =	shalt  }
0x69: {  	_ =	shalt  }
0x6a: {  	_ =	shalt  }
0x6b: {  	_ =	shalt  }
0x6c: {  	_ =	shalt  }
0x6d: {  	_ =	shalt  }
0x6e: {  	_ =	shalt  }
0x6f: {  	_ =	shalt  }
0x70: {  	_ =	shalt  }
0x71: {  	_ =	shalt  }
0x72: {  	_ =	shalt  }
0x73: {  	_ =	shalt  }
0x74: {  	_ =	shalt  }
0x75: {  	_ =	shalt  }
0x76: {  	_ =	shalt  }
0x77: {  	_ =	shalt  }
0x78: {  	_ =	shalt  }
0x79: {  	_ =	shalt  }
0x7a: {  	_ =	shalt  }
0x7b: {  	_ =	shalt  }
0x7c: {  	_ =	shalt  }
0x7d: {  	_ =	shalt  }
0x7e: {  	_ =	shalt  }
0x7f: {  	_ =	shalt  }
0x80: {  	_ =	shalt  }
0x81: {  	_ =	shalt  }
0x82: {  	_ =	shalt  }
0x83: {  	_ =	shalt  }
0x84: {  	_ =	shalt  }
0x85: {  	_ =	shalt  }
0x86: {  	_ =	shalt  }
0x87: {  	_ =	shalt  }
.Lfunc_end0:
.L_simem_size_0:
called_computation.2_lowered:
.L_overlay_start_0:
0x88: {  	s2 =	sld [smem:$0x3FD9]  }
0x89: {  	s3 =	sld [smem:$0x3FFE];
	_ =	sdelay $0x1  }
0x8a: {  	s1 =	srdreg.scid  }
0x8b: {  	s0 =	sand.u32 $0x1, s1  }
0x8c: {  	s17 =	sshll.u32 s0, $0xA;
	s2 =	sadd.s32 s3, s2  }
0x8d: {  	s2 =	sadd.s32 s2, s17  }
0x8e: {  	[smem:$0x3FC2] =	sst s2  }
0x8f: {  	_ = 	snop  }
0x90: {  	s2 =	sld [smem:$0x3FD0];
	(tm) =	ssettm $0x1  }
0x91: {  	s18 =	sld [smem:$0x3FFB];
	_ =	sdelay $0x3  }
0x92: {  	_ =	strace s18  }
0x93: {  	s3 =	sld [smem:$0x3FFC];
	_ =	sdelay $0x3  }
0x94: {  	_ =	strace s3  }
0x95: {  	s3 =	sld [smem:$0x3FFD];
	_ =	sdelay $0x3  }
0x96: {  	_ =	strace s3  }
0x97: {  	_ =	strace $0x8FFFFFFF  }
0x98: {  	s19 =	sld [smem:$0x3FDB];
	_ =	sdelay $0x1  }
0x99: {  	s4 =	simm.s32 $_scs_section_size  }
0x9a: {  	s5 =	simm.s32 $_size__tile_overlayer_lowered;
	s6 =	simm.s32 $_tile_overlayer_lowered  }
0x9b: {  	s22 =	simm.s32 $0x1BFF;
	s21 =	sshll.u32 s6, $0x1;
	s3 =	sadd.s32 s4, s19  }
0x9c: {  	s7 =	simm.s32 $0x0;
	s20 =	sshll.u32 s5, $0x1;
	s5 =	sadd.s32 s21, s3  }
0x9d: {  	[timem:s7], [sflag:s22] =	dma.local [hbm:s5], s20  }
0x9e: {  	_ =	swait.ge [sflag:s22], s20  }
0x9f: {  	s4 =	ssub.s32 $0x0, s20;
	[sflag:s22] =	ssyncset.done $0x0  }
0xa0: {  	[sflag:s22] =	ssyncadd.s32 s4;
	_ =	sdelay $0x1  }
0xa1: {  	s23 =	simm.s32 $0x1B8B  }
0xa2: {  	_ =	swait.ge [sflag:s23], $0x1  }
0xa3: {  	[sflag:s23] =	ssyncset.done $0x0  }
0xa4: {  	s25 =	simm.s32 $0x1B8E;
	s24 =	sld [smem:$0x3FFE];
	[sflag:s23] =	ssyncadd.s32 $0xFFFFFFFF  }
0xa5: {  	s26 =	simm.s32 $execute0_lowered;
	[smem:$0x3FD2] =	sst s25  }
0xa6: {  	s5 =	sshll.u32 s26, $0x1;
	_ =	strace $0x8000004C;
	[dreg:$0x1] =	wrdreg $0xFFFFFFFF  }
0xa7: {  	s28 =	simm.s32 $_size_execute0_lowered;
	s3 =	sadd.s32 s3, s5;
	[dreg:$0x0] =	wrdreg $0x0  }
0xa8: {  	s5 =	sshll.u32 s28, $0x1;
	[dreg:$0x2] =	wrdreg s3  }
0xa9: {  	[dreg:$0x3] =	wrdreg s5  }
0xaa: {  	[dreg:$0x4] =	wrdreg $0xC0  }
0xab: {  	_ =	task [dreg:s7], $0x5FFFF  }
0xac: {  	[dreg:$0x1] =	wrdreg $0xFFFFFFFF  }
0xad: {  	[dreg:$0x0] =	wrdreg $0x60  }
0xae: {  	[dreg:$0x2] =	wrdreg s24  }
0xaf: {  	[dreg:$0x3] =	wrdreg s2  }
0xb0: {  	[dreg:$0x4] =	wrdreg $0xA8000  }
0xb1: {  	[dreg:$0x5] =	wrdreg $0x9  }
0xb2: {  	_ =	task.clear_ibuf [dreg:s7], $0x6FFFF;
	_ =	strace $0x9000004C  }
0xb3: {  	s29 =	simm.s32 $0x9;
	_ =	strace $0x8000004E  }
0xb4: {  	_ =	swait.ge [sflag:s29], $0x1  }
0xb5: {  	[sflag:s29] =	ssyncadd.s32 $0xFFFFFFFF  }
0xb6: {  	_ =	strace $0x9000004E  }
0xb7: {  	_ =	sfence  }
0xb8: {  	s30 =	sld [smem:$0x0];
	_ =	sdelay $0x2  }
0xb9: {  	s31 =	sshll.u32 s1, $0xD;
	s1 =	sshrl.u32 s1, $0x2  }
0xba: {  	s3 =	sand.u32 $0x4000, s31;
	s1 =	sadd.s32 s1, s30  }
0xbb: {  	s0 =	sor.u32 s3, s0;
	s1 =	sshll.u32 s1, $0x11  }
0xbc: {  	s0 =	sor.u32 s1, s0  }
0xbd: {  	s0 =	sadd.s32 $0x8F2B, s0  }
0xbe: {  	[sflag:s0] =	ssyncadd.remote.s32 $0x1  }
0xbf: {  	_ =	sfence.sel $0xFFFF  }
0xc0: {  	[dreg:$0x0] =	wrdreg $0xFFFFFFFF;
	(pc) =	sbr.abs _section_cstart, $3  }
0xc1: {  	[dreg:$0x1] =	wrdreg $0xFFFFFFFF  }
0xc2: {  	_ =	task.clear_ibuf [dreg:s7], $0x2FFFF;
	_ =	strace $0x9FFFFFFF  }
0xc3: {  	(tm) =	ssettm $0x7FFFFFFF  }
tec
execute0_lowered:
.L_overlay_start_1:
0x0: {  	(tag) =	ssettag $0x1  }
0x1: {  	s6 =	rddreg [dreg:$0x0]  }
0x2: {  	s1 =	rddreg [dreg:$0x1]  }
0x3: {  	s2 =	rddreg [dreg:$0x2]  }
0x4: {  	s3 =	srdreg.scid;
	s0 =	rddreg [dreg:$0x3];
	s4 =	simm.s32 $0x0  }
0x5: {  	s14 =	simm.s32 $0x2800;
	s15 =	simm.s32 $0x5;
	s16 =	simm.s32 $0x1400  }
0x6: {  	s17 =	simm.s32 $0x80;
	s18 =	simm.s32 $0x6800;
	s19 =	simm.s32 $0x1  }
0x7: {  	s20 =	simm.s32 $0x2;
	s21 =	simm.s32 $0x3;
	s23 =	sand.u32 $0x1, s3  }
0x8: {  	s22 =	simm.s32 $0x4;
	s3 =	stileid.u32;
	s7 =	smul.u32 $0x140000, s23  }
0x9: {  	s24 =	simm.s32 $0x2780;
	[smem:$0x7FF] =	sst s4;
	s8 =	smul.u32 $0x14000, s3  }
0xa: {  	s5 =	sadd.s32 $0x2800, s6;
	_ =	strace $0x8000004D;
	s30 =	smul.u32 $0x78, s3  }
0xb: {  	s9 =	ssub.s32 $0x2, s23;
	s10 =	smul.u32 $0x50000, s3;
	p0 =	seq.s32 s23, $0x0  }
0xc: {  	s31 =	sshrl.u32 s9, $0x1;
	s7 =	sadd.s32 s8, s7;
	s8 =	sadd.s32 $0x280, s30  }
0xd: {  	s10 =	sshrl.u32 s10, $0x2;
	s13 =	ssub.s32 s9, s31;
	s7 =	sshrl.u32 s7, $0x3  }
0xe: {  	s12 =	sadd.s32 s7, s6;
	s6 =	smul.u32 $0x28, s3;
	s7 =	sadd.s32 s10, s2  }
0xf: {  	s13 =	smax.u32 s13, $0x1;
	s9 =	sadd.s32 $0x8000, s7;
	s10 =	sadd.s32 $0xC000, s7  }
0x10: {  	s11 =	sadd.s32 $0x10000, s7;
	s12 =	sadd.s32 $0x2A800, s12;
	s6 =	smov.u32 @p0 s8  }
0x11: {  	v0 =	vimm.f32 $0.0e+00;
	s8 =	sadd.s32 $0x4000, s7;
	p0 =	sne.s32 s23, $0x0;
	s23 =	simm.s32 $0x2700  }
.LBB2_1:
0x12: {  	s25 =	simm.s32 $0x0;
	s26 =	simm.s32 $0x200  }
.LBB2_2:
0x13: {  	p1 =	sne.s32 s26, $0xFE00;
	[tilespmem:s25+$0x2870] =	vst v0  }
0x14: {  	[tilespmem:s25+$0x2800] =	vst v0  }
0x15: {  	[tilespmem:s25+$0x2810] =	vst v0  }
.Ltmp0:
0x16: {  	[tilespmem:s25+$0x2820] =	vst v0;
	(pc) =	sbr.rel @p1 .LBB2_2-.Ltmp0, $4  }
0x17: {  	[tilespmem:s25+$0x2830] =	vst v0  }
0x18: {  	[tilespmem:s25+$0x2840] =	vst v0  }
0x19: {  	[tilespmem:s25+$0x2850] =	vst v0  }
0x1a: {  	[tilespmem:s25+$0x2860] =	vst v0;
	s25 =	sshra.s32 s26, $0x2;
	s26 =	sadd.s32 $0x200, s26  }
0x1b: {  	[tilespmem:s25+$0x2870] =	vst v0  }
0x1c: {  	[tilespmem:s25+$0x2800] =	vst v0  }
0x1d: {  	[tilespmem:s25+$0x2810] =	vst v0  }
0x1e: {  	[tilespmem:s25+$0x2820] =	vst v0  }
0x1f: {  	[tilespmem:s25+$0x2830] =	vst v0  }
0x20: {  	[tilespmem:s25+$0x2840] =	vst v0  }
0x21: {  	[tilespmem:s25+$0x2850] =	vst v0  }
0x22: {  	[tilespmem:s25+$0x2860] =	vst v0  }
0x23: {  	[spmem:s7] =	stream.linear.scatter [tilespmem:s14], [sflag:$0x5], $0x4000, $0x38;
	[tilespmem:$0x1E800] =	vst v63  }
0x24: {  	_ =	swait.ge [sflag:s15], $0x4000  }
0x25: {  	[sflag:s15] =	ssyncset.done $0x0  }
0x26: {  	[sflag:s15] =	ssyncadd.s32 $0xFFFFC000  }
0x27: {  	[spmem:s8] =	stream.linear.scatter [tilespmem:s14], [sflag:$0x5], $0x4000, $0x38;
	[tilespmem:$0x1E800] =	vst v63  }
0x28: {  	_ =	swait.ge [sflag:s15], $0x4000  }
0x29: {  	[sflag:s15] =	ssyncset.done $0x0  }
0x2a: {  	[sflag:s15] =	ssyncadd.s32 $0xFFFFC000  }
0x2b: {  	[spmem:s9] =	stream.linear.scatter [tilespmem:s14], [sflag:$0x5], $0x4000, $0x38;
	[tilespmem:$0x1E800] =	vst v63  }
0x2c: {  	_ =	swait.ge [sflag:s15], $0x4000  }
0x2d: {  	[sflag:s15] =	ssyncset.done $0x0  }
0x2e: {  	[sflag:s15] =	ssyncadd.s32 $0xFFFFC000  }
0x2f: {  	[spmem:s10] =	stream.linear.scatter [tilespmem:s14], [sflag:$0x5], $0x4000, $0x38;
	[tilespmem:$0x1E800] =	vst v63  }
0x30: {  	_ =	swait.ge [sflag:s15], $0x4000  }
0x31: {  	[sflag:s15] =	ssyncset.done $0x0  }
0x32: {  	[sflag:s15] =	ssyncadd.s32 $0xFFFFC000  }
0x33: {  	[spmem:s11] =	stream.linear.scatter [tilespmem:s14], [sflag:$0x5], $0x4000, $0x38;
	[tilespmem:$0x1E800] =	vst v63  }
0x34: {  	_ =	swait.ge [sflag:s15], $0x4000  }
0x35: {  	[sflag:s15] =	ssyncset.done $0x0  }
0x36: {  	[sflag:s15] =	ssyncadd.s32 $0xFFFFC000  }
0x37: {  	s25 =	simm.s32 $0x0;
	s26 =	simm.s32 $0x0;
	[bflag:$0x0] =	sbarrier.arrive $0xFFFF  }
.LBB2_4:
0x38: {  	s28 =	smul.u32 $0x28, s26;
	_ =	sdelay $0x1  }
0x39: {  	s28 =	sadd.s32 s6, s28  }
0x3a: {  	s28 =	sshll.u32 s28, $0x4  }
0x3b: {  	s29 =	sadd.s32 s1, s28  }
0x3c: {  	[tilespmem:s25], [sflag:$0x5] =	stream.linear.gather [hbm4b:s29+s25], $0x1400, $0x38;
	[tilespmem:$0x1E800] =	vst v63  }
0x3d: {  	s28 =	sand.u32 $0x1FFFFFF0, s28;
	_ =	swait.ge [sflag:s15], $0x1400  }
0x3e: {  	s28 =	sadd.s32 s1, s28;
	[sflag:s15] =	ssyncset.done $0x0  }
0x3f: {  	s28 =	sadd.s32 $0xA000, s28;
	[sflag:s15] =	ssyncadd.s32 $0xFFFFEC00  }
0x40: {  	[tilespmem:s16], [sflag:$0x5] =	stream.linear.gather [hbm4b:s28+s25], $0x1400, $0x38;
	[tilespmem:$0x1E800] =	vst v63  }
0x41: {  	_ =	swait.ge [sflag:s15], $0x1400  }
0x42: {  	[sflag:s15] =	ssyncset.done $0x0  }
0x43: {  	[sflag:s15] =	ssyncadd.s32 $0xFFFFEC00  }
0x44: {  	[tilespmem:s14], [sflag:$0x1] =	stream.indirect.gather [hbm4b:s5+s17], $0x80, s25, s17, $0xb8;
	[tilespmem:$0x1E800] =	vst v63  }
0x45: {  	_ = 	snop  }
0x46: {  	[tilespmem:s18], [sflag:$0x2] =	stream.indirect.gather [hbm4b:s5+s17], $0x80, s17, s17, $0xb8;
	[tilespmem:$0x1E800] =	vst v63  }
0x47: {  	_ =	swait.ge [sflag:s19], $0x4000  }
0x48: {  	[sflag:s19] =	ssyncset.done $0x0  }
0x49: {  	s28 =	simm.s32 $0x1400;
	[sflag:s19] =	ssyncadd.s32 $0xFFFFC000  }
0x4a: {  	[spmem:s2] =	stream.indirect.scatter.add.f32 [tilespmem:s14], [sflag:$0x3], $0x80, s28, s17, $0xb8;
	[tilespmem:$0x1E800] =	vst v63  }
0x4b: {  	_ =	swait.ge [sflag:s20], $0x4000  }
0x4c: {  	[sflag:s20] =	ssyncset.done $0x0  }
0x4d: {  	s28 =	simm.s32 $0x1480;
	[sflag:s20] =	ssyncadd.s32 $0xFFFFC000  }
0x4e: {  	[spmem:s2] =	stream.indirect.scatter.add.f32 [tilespmem:s18], [sflag:$0x4], $0x80, s28, s17, $0xb8;
	[tilespmem:$0x1E800] =	vst v63  }
0x4f: {  	_ =	swait.ge [sflag:s21], $0x4000  }
0x50: {  	[sflag:s21] =	ssyncset.done $0x0  }
0x51: {  	s28 =	simm.s32 $0x100;
	[sflag:s21] =	ssyncadd.s32 $0xFFFFC000  }
0x52: {  	[tilespmem:s14], [sflag:$0x1] =	stream.indirect.gather [hbm4b:s5+s17], $0x80, s28, s17, $0xb8;
	[tilespmem:$0x1E800] =	vst v63  }
0x53: {  	_ =	swait.ge [sflag:s22], $0x4000  }
0x54: {  	[sflag:s22] =	ssyncset.done $0x0  }
0x55: {  	s29 =	simm.s32 $0x180;
	s28 =	simm.s32 $0x400;
	[sflag:s22] =	ssyncadd.s32 $0xFFFFC000  }
.LBB2_5:
0x56: {  	[tilespmem:s18], [sflag:$0x2] =	stream.indirect.gather [hbm4b:s5+s17], $0x80, s29, s17, $0xb8;
	[tilespmem:$0x1E800] =	vst v63  }
0x57: {  	s29 =	smov.u32 s28  }
0x58: {  	p1 =	sne.s32 s28, $0x4800;
	s28 =	sadd.s32 $0x400, s28;
	_ =	swait.ge [sflag:s19], $0x4000  }
0x59: {  	s29 =	sshra.s32 s29, $0x2;
	[sflag:s19] =	ssyncset.done $0x0  }
0x5a: {  	s30 =	sadd.s32 $0x1400, s29;
	[sflag:s19] =	ssyncadd.s32 $0xFFFFC000  }
0x5b: {  	[spmem:s2] =	stream.indirect.scatter.add.f32 [tilespmem:s14], [sflag:$0x3], $0x80, s30, s17, $0xb8;
	[tilespmem:$0x1E800] =	vst v63  }
0x5c: {  	_ =	swait.ge [sflag:s20], $0x4000  }
0x5d: {  	[sflag:s20] =	ssyncset.done $0x0  }
0x5e: {  	s30 =	sadd.s32 $0x1480, s29;
	[sflag:s20] =	ssyncadd.s32 $0xFFFFC000  }
0x5f: {  	[spmem:s2] =	stream.indirect.scatter.add.f32 [tilespmem:s18], [sflag:$0x4], $0x80, s30, s17, $0xb8;
	[tilespmem:$0x1E800] =	vst v63  }
0x60: {  	_ =	swait.ge [sflag:s21], $0x4000  }
0x61: {  	[sflag:s21] =	ssyncset.done $0x0  }
.Ltmp1:
0x62: {  	s30 =	sadd.s32 $0x100, s29;
	[sflag:s21] =	ssyncadd.s32 $0xFFFFC000;
	(pc) =	sbr.rel @p1 .LBB2_5-.Ltmp1, $4  }
0x63: {  	[tilespmem:s14], [sflag:$0x1] =	stream.indirect.gather [hbm4b:s5+s17], $0x80, s30, s17, $0xb8;
	[tilespmem:$0x1E800] =	vst v63  }
0x64: {  	_ =	swait.ge [sflag:s22], $0x4000  }
0x65: {  	[sflag:s22] =	ssyncset.done $0x0  }
0x66: {  	s29 =	sadd.s32 $0x180, s29;
	[sflag:s22] =	ssyncadd.s32 $0xFFFFC000  }
0x67: {  	[tilespmem:s18], [sflag:$0x2] =	stream.indirect.gather [hbm4b:s5+s17], $0x80, s29, s17, $0xb8;
	[tilespmem:$0x1E800] =	vst v63  }
0x68: {  	_ =	swait.ge [sflag:s19], $0x4000  }
0x69: {  	[sflag:s19] =	ssyncset.done $0x0  }
0x6a: {  	[sflag:s19] =	ssyncadd.s32 $0xFFFFC000  }
0x6b: {  	[spmem:s2] =	stream.indirect.scatter.add.f32 [tilespmem:s14], [sflag:$0x3], $0x80, s23, s17, $0xb8;
	[tilespmem:$0x1E800] =	vst v63  }
0x6c: {  	_ =	swait.ge [sflag:s20], $0x4000  }
0x6d: {  	[sflag:s20] =	ssyncset.done $0x0  }
0x6e: {  	p1 =	slt.u32 @!p0 s26, $0x2;
	[sflag:s20] =	ssyncadd.s32 $0xFFFFC000  }
0x6f: {  	[spmem:s2] =	stream.indirect.scatter.add.f32 [tilespmem:s18], [sflag:$0x4], $0x80, s24, s17, $0xb8;
	[tilespmem:$0x1E800] =	vst v63  }
0x70: {  	p1 =	por p0, !p1;
	_ =	swait.ge [sflag:s21], $0x4000  }
.Ltmp2:
0x71: {  	[sflag:s21] =	ssyncset.done $0x0;
	(pc) =	sbr.rel @!p1 .LBB2_4-.Ltmp2, $4  }
0x72: {  	[sflag:s21] =	ssyncadd.s32 $0xFFFFC000  }
0x73: {  	_ =	swait.ge [sflag:s22], $0x4000  }
0x74: {  	[sflag:s22] =	ssyncset.done $0x0  }
0x75: {  	s26 =	sadd.s32 $0x1, s26;
	[sflag:s22] =	ssyncadd.s32 $0xFFFFC000  }
0x76: {  	s4 =	sadd.s32 $0x1, s4  }
0x77: {  	s25 =	sshll.u32 s3, $0x6;
	[bflag:$0x0] =	sbarrier.arrive $0xFFFF;
	p1 =	sne.s32 s4, s13  }
.Ltmp3:
0x78: {  	s26 =	sshrl.u32 s7, $0x3;
	s25 =	sor.u32 $0x1C05, s25;
	(pc) =	sbr.rel @p1 .LBB2_1-.Ltmp3, $4  }
0x79: {  	[hbm:s12], [sflag:s25] =	dma.local [spmem:s26], $0x2800  }
0x7a: {  	_ =	swait.ge [sflag:s15], $0x2800  }
0x7b: {  	[sflag:s15] =	ssyncset.done $0x0  }
0x7c: {  	[sflag:s15] =	ssyncadd.s32 $0xFFFFD800  }
0x7d: {  	_ =	sfence.sel $0x180000  }
0x7e: {  	[bflag:$0x0] =	sbarrier.arrive $0xFFFF  }
0x7f: {  	p0 =	sne.s32 s3, $0x0;
	_ =	strace $0x9000004D  }
0x80: {  	s0 =	sadd.s32 @!p0 $0x100000, s0;
	[bflag:$0x2] =	sbarrier.arrive $0xFFFF  }
0x81: {  	[sflag:s0] =	ssyncadd.tile.s32 @!p0 $0x1;
	_ =	shalt  }
.Lfunc_end2:
_tile_overlayer_lowered:
.L_overlay_start_2:
0x82: {  	(tag) =	ssettag $0x2  }
0x83: {  	s0 =	rddreg [dreg:$0x0];
	s2 =	stileid.u32  }
0x84: {  	s1 =	rddreg [dreg:$0x1];
	p0 =	sne.s32 s2, $0x0  }
0x85: {  	s3 =	rddreg [dreg:$0x2];
	[bflag:$0x3] =	sbarrier.arrive $0xFFFF;
	s2 =	simm.s32 @!p0 $0x1C05  }
0x86: {  	[timem:s3], [sflag:s2] =	dma.local @!p0 [hbm:s0], s1  }
0x87: {  	s0 =	simm.s32 @!p0 $0x5  }
0x88: {  	_ =	swait.ge @!p0 [sflag:s0], s1  }
0x89: {  	s1 =	ssub.s32 @!p0 $0x0, s1;
	[sflag:s0] =	ssyncset.done @!p0 $0x0  }
0x8a: {  	[sflag:s0] =	ssyncadd.s32 @!p0 s1  }
0x8b: {  	[bflag:$0x3] =	sbarrier.arrive $0xFFFF  }
0x8c: {  	_ =	shalt  }

// kernel: kernel.8.cloned.1.call-start
scs
__scs_entry_jumppad:
0x0: {  	(pc) =	sbr.rel $0x88, $3  }
0x1: {  	(tag) =	ssettag $0x0;
	lr =	simm.s32 $0x1  }
0x2: {  	[smem:$0x3F9B] =	sst lr;
	_ =	strace $0xD0000000  }
0x3: {  	_ = 	snop  }
0x4: {  	_ = 	snop  }
0x5: {  	_ = 	snop  }
0x6: {  	_ = 	snop  }
0x7: {  	_ = 	snop  }
__scs_overlays_trampoline_lowered:
0x8: {  	[smem:$0x3FAA] =	sst s0  }
0x9: {  	[smem:$0x3FAB] =	sst s1  }
0xa: {  	[smem:$0x3FAC] =	sst s2  }
0xb: {  	[smem:$0x3FAD] =	sst s3  }
0xc: {  	[smem:$0x3FAE] =	sst s4  }
0xd: {  	[smem:$0x3FAF] =	sst s5  }
0xe: {  	[smem:$0x3FB0] =	sst s6  }
0xf: {  	[smem:$0x3FB1] =	sst s7  }
0x10: {  	[smem:$0x3FB2] =	sst s8  }
0x11: {  	[smem:$0x3FB3] =	sst s9;
	s0 =	simm.s32 @!p0 $0x0  }
0x12: {  	s1 =	sld [smem:$0x3F99];
	s0 =	simm.s32 @p0 $0x1  }
0x13: {  	[smem:$0x3FB4] =	sst s0;
	s0 =	simm.s32 @!p1 $0x0  }
0x14: {  	s2 =	sld [smem:$0x3F98];
	s0 =	simm.s32 @p1 $0x1  }
0x15: {  	[smem:$0x3FB5] =	sst s0;
	s0 =	simm.s32 @!p2 $0x0  }
0x16: {  	s3 =	sld [smem:$0x3FDB];
	s0 =	simm.s32 @p2 $0x1  }
0x17: {  	s4 =	simm.s32 $0x1BF5;
	[smem:$0x3FB7] =	sst s0  }
0x18: {  	s0 =	sld [smem:$0x3F9A];
	_ =	swait.ge [sflag:s4], $0x0  }
0x19: {  	s7 =	sld [smem:$0x3F9B]  }
0x1a: {  	s8 =	sadd.s32 $0xFFFFE003, lr  }
0x1b: {  	s9 =	sadd.s32 $0xFFFFFEF7, lr;
	s5 =	simm.s32 $0xFFFFFFFF;
	p2 =	slt.u32 s8, $0xFFFFF086  }
0x1c: {  	p1 =	slt.u32 s9, $0xF7A;
	s5 =	simm.s32 @!p2 $0x0  }
0x1d: {  	s5 =	simm.s32 @p1 $0x1;
	p0 =	seq.s32 s7, s2  }
0x1e: {  	s7 =	smul.u32 @!p0 $0xF7A, s2;
	p2 =	seq.s32 @!p0 s5, $0x0  }
0x1f: {  	s9 =	smul.u32 $0xF7A, s1;
	s8 =	simm.s32 @!p0 $0x1BF5;
	p2 =	por !p2, p0  }
0x20: {  	[sflag:s8] =	ssyncset.s32 @!p0 $0xFFFFF086;
	s6 =	sadd.s32 @!p0 s3, s7;
	s7 =	simm.s32 @!p0 $0x108  }
0x21: {  	s3 =	sadd.s32 s3, s9;
	s6 =	sadd.s32 @!p0 $0x88, s6;
	s7 =	simm.s32 @p2 $0x1082  }
0x22: {  	[simem:s7], [sflag:s8] =	dma.local @!p0 [hbm:s6], $0xF7A  }
0x23: {  	s9 =	sor.u32 $0xD0000000, s2;
	s6 =	simm.s32 $0x108;
	_ =	swait.ge @!p0 [sflag:s8], $0x0  }
0x24: {  	s3 =	sadd.s32 $0x88, s3;
	s6 =	simm.s32 @!p1 $0x1082;
	[sflag:s4] =	ssyncset.s32 $0xFFFFF086  }
0x25: {  	[simem:s6], [sflag:s4] =	dma.local [hbm:s3], $0xF7A  }
0x26: {  	[smem:$0x3F9B] =	sst s1;
	(tag) =	ssettag s2;
	_ =	strace s9  }
0x27: {  	s1 =	sld [smem:$0x3FAB]  }
0x28: {  	s2 =	sld [smem:$0x3FAC]  }
0x29: {  	s4 =	sld [smem:$0x3FAE]  }
0x2a: {  	p0 =	seq.s32 s5, $0x0;
	s5 =	sld [smem:$0x3FAF]  }
0x2b: {  	s6 =	sld [smem:$0x3FB0]  }
0x2c: {  	s7 =	sld [smem:$0x3FB1]  }
0x2d: {  	s3 =	simm.s32 $0x108;
	s8 =	sld [smem:$0x3FB2]  }
0x2e: {  	s3 =	simm.s32 @!p0 $0x1082;
	s9 =	sld [smem:$0x3FB3]  }
0x2f: {  	lr =	sadd.s32 s0, s3;
	s0 =	sld [smem:$0x3FAA]  }
0x30: {  	s3 =	sld [smem:$0x3FAD]  }
0x31: {  	[smem:$0x3FB6] =	sst s10  }
0x32: {  	s10 =	sld [smem:$0x3FB4];
	_ =	sdelay $0x3  }
0x33: {  	p0 =	seq.s32 s10, $0x1;
	s10 =	sld [smem:$0x3FB6];
	_ =	sdelay $0x3  }
0x34: {  	[smem:$0x3FB6] =	sst s10  }
0x35: {  	s10 =	sld [smem:$0x3FB5];
	_ =	sdelay $0x3  }
0x36: {  	p1 =	seq.s32 s10, $0x1;
	s10 =	sld [smem:$0x3FB6];
	_ =	sdelay $0x3  }
0x37: {  	[smem:$0x3FB6] =	sst s10  }
0x38: {  	s10 =	sld [smem:$0x3FB7]  }
0x39: {  	_ = 	snop;
	(pc) =	sbr.ind lr, $3  }
0x3a: {  	_ = 	snop  }
0x3b: {  	_ = 	snop  }
0x3c: {  	p2 =	seq.s32 s10, $0x1;
	s10 =	sld [smem:$0x3FB6]  }
0x3d: {  	_ =	shalt  }
0x3e: {  	_ =	shalt  }
0x3f: {  	_ =	shalt  }
0x40: {  	_ =	shalt  }
0x41: {  	_ =	shalt  }
0x42: {  	_ =	shalt  }
0x43: {  	_ =	shalt  }
0x44: {  	_ =	shalt  }
0x45: {  	_ =	shalt  }
0x46: {  	_ =	shalt  }
0x47: {  	_ =	shalt  }
0x48: {  	_ =	shalt  }
0x49: {  	_ =	shalt  }
0x4a: {  	_ =	shalt  }
0x4b: {  	_ =	shalt  }
0x4c: {  	_ =	shalt  }
0x4d: {  	_ =	shalt  }
0x4e: {  	_ =	shalt  }
0x4f: {  	_ =	shalt  }
0x50: {  	_ =	shalt  }
0x51: {  	_ =	shalt  }
0x52: {  	_ =	shalt  }
0x53: {  	_ =	shalt  }
0x54: {  	_ =	shalt  }
0x55: {  	_ =	shalt  }
0x56: {  	_ =	shalt  }
0x57: {  	_ =	shalt  }
0x58: {  	_ =	shalt  }
0x59: {  	_ =	shalt  }
0x5a: {  	_ =	shalt  }
0x5b: {  	_ =	shalt  }
0x5c: {  	_ =	shalt  }
0x5d: {  	_ =	shalt  }
0x5e: {  	_ =	shalt  }
0x5f: {  	_ =	shalt  }
0x60: {  	_ =	shalt  }
0x61: {  	_ =	shalt  }
0x62: {  	_ =	shalt  }
0x63: {  	_ =	shalt  }
0x64: {  	_ =	shalt  }
0x65: {  	_ =	shalt  }
0x66: {  	_ =	shalt  }
0x67: {  	_ =	shalt  }
0x68: {  	_ =	shalt  }
0x69: {  	_ =	shalt  }
0x6a: {  	_ =	shalt  }
0x6b: {  	_ =	shalt  }
0x6c: {  	_ =	shalt  }
0x6d: {  	_ =	shalt  }
0x6e: {  	_ =	shalt  }
0x6f: {  	_ =	shalt  }
0x70: {  	_ =	shalt  }
0x71: {  	_ =	shalt  }
0x72: {  	_ =	shalt  }
0x73: {  	_ =	shalt  }
0x74: {  	_ =	shalt  }
0x75: {  	_ =	shalt  }
0x76: {  	_ =	shalt  }
0x77: {  	_ =	shalt  }
0x78: {  	_ =	shalt  }
0x79: {  	_ =	shalt  }
0x7a: {  	_ =	shalt  }
0x7b: {  	_ =	shalt  }
0x7c: {  	_ =	shalt  }
0x7d: {  	_ =	shalt  }
0x7e: {  	_ =	shalt  }
0x7f: {  	_ =	shalt  }
0x80: {  	_ =	shalt  }
0x81: {  	_ =	shalt  }
0x82: {  	_ =	shalt  }
0x83: {  	_ =	shalt  }
0x84: {  	_ =	shalt  }
0x85: {  	_ =	shalt  }
0x86: {  	_ =	shalt  }
0x87: {  	_ =	shalt  }
.Lfunc_end0:
.L_simem_size_0:
called_computation_lowered:
.L_overlay_start_0:
0x88: {  	s2 =	sld [smem:$0x3FD9]  }
0x89: {  	s3 =	sld [smem:$0x3FFE];
	_ =	sdelay $0x1  }
0x8a: {  	s1 =	srdreg.scid  }
0x8b: {  	s0 =	sand.u32 $0x1, s1  }
0x8c: {  	s17 =	sshll.u32 s0, $0xA;
	s2 =	sadd.s32 s3, s2  }
0x8d: {  	s2 =	sadd.s32 s2, s17  }
0x8e: {  	[smem:$0x3FC2] =	sst s2  }
0x8f: {  	_ = 	snop  }
0x90: {  	s2 =	sld [smem:$0x3FD0];
	(tm) =	ssettm $0x1  }
0x91: {  	s18 =	sld [smem:$0x3FFB];
	_ =	sdelay $0x3  }
0x92: {  	_ =	strace s18  }
0x93: {  	s3 =	sld [smem:$0x3FFC];
	_ =	sdelay $0x3  }
0x94: {  	_ =	strace s3  }
0x95: {  	s3 =	sld [smem:$0x3FFD];
	_ =	sdelay $0x3  }
0x96: {  	_ =	strace s3  }
0x97: {  	_ =	strace $0x8FFFFFFF  }
0x98: {  	s19 =	sld [smem:$0x3FDB];
	_ =	sdelay $0x1  }
0x99: {  	s4 =	simm.s32 $_scs_section_size  }
0x9a: {  	s5 =	simm.s32 $_size__tile_overlayer_lowered;
	s6 =	simm.s32 $_tile_overlayer_lowered  }
0x9b: {  	s22 =	simm.s32 $0x1BFF;
	s21 =	sshll.u32 s6, $0x1;
	s3 =	sadd.s32 s4, s19  }
0x9c: {  	s7 =	simm.s32 $0x0;
	s20 =	sshll.u32 s5, $0x1;
	s5 =	sadd.s32 s21, s3  }
0x9d: {  	[timem:s7], [sflag:s22] =	dma.local [hbm:s5], s20  }
0x9e: {  	_ =	swait.ge [sflag:s22], s20  }
0x9f: {  	s4 =	ssub.s32 $0x0, s20;
	[sflag:s22] =	ssyncset.done $0x0  }
0xa0: {  	[sflag:s22] =	ssyncadd.s32 s4;
	_ =	sdelay $0x1  }
0xa1: {  	s23 =	simm.s32 $0x1B8B  }
0xa2: {  	_ =	swait.ge [sflag:s23], $0x1  }
0xa3: {  	[sflag:s23] =	ssyncset.done $0x0  }
0xa4: {  	s25 =	simm.s32 $0x1B8E;
	s24 =	sld [smem:$0x3FFE];
	[sflag:s23] =	ssyncadd.s32 $0xFFFFFFFF  }
0xa5: {  	s26 =	simm.s32 $execute0_lowered;
	[smem:$0x3FD2] =	sst s25  }
0xa6: {  	s5 =	sshll.u32 s26, $0x1;
	_ =	strace $0x80000046;
	[dreg:$0x1] =	wrdreg $0xFFFFFFFF  }
0xa7: {  	s28 =	simm.s32 $_size_execute0_lowered;
	s3 =	sadd.s32 s3, s5;
	[dreg:$0x0] =	wrdreg $0x0  }
0xa8: {  	s5 =	sshll.u32 s28, $0x1;
	[dreg:$0x2] =	wrdreg s3  }
0xa9: {  	[dreg:$0x3] =	wrdreg s5  }
0xaa: {  	[dreg:$0x4] =	wrdreg $0xC0  }
0xab: {  	_ =	task [dreg:s7], $0x5FFFF  }
0xac: {  	[dreg:$0x1] =	wrdreg $0xFFFFFFFF  }
0xad: {  	[dreg:$0x0] =	wrdreg $0x60  }
0xae: {  	[dreg:$0x2] =	wrdreg s2  }
0xaf: {  	[dreg:$0x3] =	wrdreg s24  }
0xb0: {  	[dreg:$0x4] =	wrdreg $0x2B000  }
0xb1: {  	[dreg:$0x5] =	wrdreg $0x9  }
0xb2: {  	_ =	task.clear_ibuf [dreg:s7], $0x6FFFF;
	_ =	strace $0x90000046  }
0xb3: {  	s29 =	simm.s32 $0x9;
	_ =	strace $0x80000048  }
0xb4: {  	_ =	swait.ge [sflag:s29], $0x1  }
0xb5: {  	[sflag:s29] =	ssyncadd.s32 $0xFFFFFFFF  }
0xb6: {  	_ =	strace $0x90000048  }
0xb7: {  	_ =	sfence  }
0xb8: {  	s30 =	sld [smem:$0x0];
	_ =	sdelay $0x2  }
0xb9: {  	s31 =	sshll.u32 s1, $0xD;
	s1 =	sshrl.u32 s1, $0x2  }
0xba: {  	s3 =	sand.u32 $0x4000, s31;
	s1 =	sadd.s32 s1, s30  }
0xbb: {  	s0 =	sor.u32 s3, s0;
	s1 =	sshll.u32 s1, $0x11  }
0xbc: {  	s0 =	sor.u32 s1, s0  }
0xbd: {  	s0 =	sadd.s32 $0x8F2B, s0  }
0xbe: {  	[sflag:s0] =	ssyncadd.remote.s32 $0x1  }
0xbf: {  	_ =	sfence.sel $0xFFFF  }
0xc0: {  	[dreg:$0x0] =	wrdreg $0xFFFFFFFF;
	(pc) =	sbr.abs _section_cstart, $3  }
0xc1: {  	[dreg:$0x1] =	wrdreg $0xFFFFFFFF  }
0xc2: {  	_ =	task.clear_ibuf [dreg:s7], $0x2FFFF;
	_ =	strace $0x9FFFFFFF  }
0xc3: {  	(tm) =	ssettm $0x7FFFFFFF  }
tec
execute0_lowered:
.L_overlay_start_1:
0x0: {  	(tag) =	ssettag $0x1  }
0x1: {  	s4 =	rddreg [dreg:$0x0]  }
0x2: {  	s3 =	rddreg [dreg:$0x1]  }
0x3: {  	s1 =	rddreg [dreg:$0x2];
	s2 =	srdreg.scid  }
0x4: {  	s0 =	rddreg [dreg:$0x3];
	s10 =	stileid.u32  }
0x5: {  	s12 =	simm.s32 $0x0;
	s5 =	sand.u32 $0x1, s2;
	s2 =	simm.s32 $0x0  }
0x6: {  	s8 =	smul.u32 $0xA00, s10;
	p0 =	sne.s32 s10, $0x0;
	s6 =	sshll.u32 s5, $0x4  }
0x7: {  	[smem:$0x7FF] =	sst s2;
	s5 =	ssub.s32 $0x2, s5;
	s11 =	sshrl.u32 @!p0 s1, $0x3  }
0x8: {  	s7 =	sor.u32 s10, s6;
	_ =	strace $0x80000047;
	s6 =	sadd.s32 s6, s3  }
0x9: {  	s31 =	sshrl.u32 s5, $0x1;
	s8 =	sshrl.u32 s8, $0x2;
	s10 =	simm.s32 $0x2800  }
0xa: {  	s7 =	smul.u32 $0x500, s7;
	s9 =	ssub.s32 s5, s31;
	s3 =	sadd.s32 s8, s1  }
0xb: {  	s5 =	sadd.s32 $0x2800, s6;
	s8 =	simm.s32 $0x1;
	s6 =	smax.u32 s9, $0x1  }
0xc: {  	v0 =	vimm.f32 $0.0e+00;
	v1 =	vimm.f32 $1.000000000e+00;
	s9 =	simm.s32 $0x80;
	s4 =	sadd.s32 s4, s7;
	s7 =	simm.s32 $0x2880  }
.LBB2_1:
0xd: {  	[tilespmem:$0x2880] =	vst v0  }
0xe: {  	[tilespmem:$0x2890] =	vst v0  }
0xf: {  	[tilespmem:$0x28A0] =	vst v0  }
0x10: {  	[tilespmem:$0x28B0] =	vst v0  }
0x11: {  	[tilespmem:$0x28C0] =	vst v0  }
0x12: {  	[tilespmem:$0x28D0] =	vst v0  }
0x13: {  	[tilespmem:$0x28E0] =	vst v0  }
0x14: {  	[tilespmem:$0x28F0] =	vst v0  }
0x15: {  	[tilespmem:$0x2900] =	vst v0  }
0x16: {  	[tilespmem:$0x2910] =	vst v0  }
0x17: {  	[tilespmem:$0x2920] =	vst v0  }
0x18: {  	[tilespmem:$0x2930] =	vst v0  }
0x19: {  	[tilespmem:$0x2940] =	vst v0  }
0x1a: {  	[tilespmem:$0x2950] =	vst v0  }
0x1b: {  	[tilespmem:$0x2960] =	vst v0  }
0x1c: {  	[tilespmem:$0x2970] =	vst v0  }
0x1d: {  	[tilespmem:$0x2980] =	vst v0  }
0x1e: {  	[tilespmem:$0x2990] =	vst v0  }
0x1f: {  	[tilespmem:$0x29A0] =	vst v0  }
0x20: {  	[tilespmem:$0x29B0] =	vst v0  }
0x21: {  	[tilespmem:$0x29C0] =	vst v0  }
0x22: {  	[tilespmem:$0x29D0] =	vst v0  }
0x23: {  	[tilespmem:$0x29E0] =	vst v0  }
0x24: {  	[tilespmem:$0x29F0] =	vst v0  }
0x25: {  	[tilespmem:$0x2A00] =	vst v0  }
0x26: {  	[tilespmem:$0x2A10] =	vst v0  }
0x27: {  	[tilespmem:$0x2A20] =	vst v0  }
0x28: {  	[tilespmem:$0x2A30] =	vst v0  }
0x29: {  	[tilespmem:$0x2A40] =	vst v0  }
0x2a: {  	[tilespmem:$0x2A50] =	vst v0  }
0x2b: {  	[tilespmem:$0x2A60] =	vst v0  }
0x2c: {  	[tilespmem:$0x2A70] =	vst v0  }
0x2d: {  	[tilespmem:$0x2A80] =	vst v0  }
0x2e: {  	[tilespmem:$0x2A90] =	vst v0  }
0x2f: {  	[tilespmem:$0x2AA0] =	vst v0  }
0x30: {  	[tilespmem:$0x2AB0] =	vst v0  }
0x31: {  	[tilespmem:$0x2AC0] =	vst v0  }
0x32: {  	[tilespmem:$0x2AD0] =	vst v0  }
0x33: {  	[tilespmem:$0x2AE0] =	vst v0  }
0x34: {  	[tilespmem:$0x2AF0] =	vst v0  }
0x35: {  	[tilespmem:$0x2800] =	vst v1  }
0x36: {  	[tilespmem:$0x2810] =	vst v1  }
0x37: {  	[tilespmem:$0x2820] =	vst v1  }
0x38: {  	[tilespmem:$0x2830] =	vst v1  }
0x39: {  	[tilespmem:$0x2840] =	vst v1  }
0x3a: {  	[tilespmem:$0x2850] =	vst v1  }
0x3b: {  	[tilespmem:$0x2860] =	vst v1  }
0x3c: {  	[tilespmem:$0x2870] =	vst v1  }
0x3d: {  	[spmem:s3] =	stream.linear.scatter [tilespmem:s7], [sflag:$0x1], $0x280, $0x38;
	[tilespmem:$0x2D80] =	vst v63  }
0x3e: {  	_ =	swait.ge [sflag:s8], $0x280  }
0x3f: {  	[sflag:s8] =	ssyncset.done $0x0  }
0x40: {  	[sflag:s8] =	ssyncadd.s32 $0xFFFFFD80  }
0x41: {  	[bflag:$0x0] =	sbarrier.arrive $0xFFFF  }
0x42: {  	[tilespmem:s2], [sflag:$0x1] =	stream.linear.gather [hbm4b:s4+s2], $0x2800, $0x38;
	[tilespmem:$0x2D80] =	vst v63  }
0x43: {  	_ =	swait.ge [sflag:s8], $0x2800  }
0x44: {  	[sflag:s8] =	ssyncset.done $0x0  }
0x45: {  	s13 =	simm.s32 $0x0;
	[sflag:s8] =	ssyncadd.s32 $0xFFFFD800  }
0x46: {  	[spmem:s1] =	stream.indirect.scatter.add.f32 [tilespmem:s10], [sflag:$0x1], $0x1, s13, s9, $0xb8;
	[tilespmem:$0x2D80] =	vst v63  }
0x47: {  	_ =	swait.ge [sflag:s8], $0x80  }
0x48: {  	s13 =	simm.s32 $0x200;
	[sflag:s8] =	ssyncset.done $0x0  }
.LBB2_2:
0x49: {  	s14 =	sshra.s32 s13, $0x2;
	[sflag:s8] =	ssyncadd.s32 $0xFFFFFF80;
	p1 =	sne.s32 s13, $0x9E00  }
0x4a: {  	[spmem:s1] =	stream.indirect.scatter.add.f32 [tilespmem:s10], [sflag:$0x1], $0x1, s14, s9, $0xb8;
	[tilespmem:$0x2D80] =	vst v63  }
.Ltmp0:
0x4b: {  	_ = 	snop;
	(pc) =	sbr.rel @p1 .LBB2_2-.Ltmp0, $4  }
0x4c: {  	_ = 	snop  }
0x4d: {  	s13 =	sadd.s32 $0x200, s13  }
0x4e: {  	_ =	swait.ge [sflag:s8], $0x80  }
0x4f: {  	[sflag:s8] =	ssyncset.done $0x0  }
0x50: {  	[sflag:s8] =	ssyncadd.s32 $0xFFFFFF80;
	s13 =	simm.s32 @!p0 $0x1;
	s12 =	sadd.s32 $0x1, s12  }
0x51: {  	s14 =	simm.s32 @!p0 $0x20;
	s15 =	simm.s32 @!p0 $0x10;
	p1 =	sne.s32 s12, s6  }
.Ltmp1:
0x52: {  	s16 =	simm.s32 @!p0 $0x1C01;
	[bflag:$0x0] =	sbarrier.arrive $0xFFFF;
	(pc) =	sbr.rel @p1 .LBB2_1-.Ltmp1, $4  }
0x53: {  	[hbm:s5@s14], [sflag:s16] =	dma.strided @!p0 [spmem:s11@s15], $0x500, s13, $0x10   }
0x54: {  	_ =	swait.ge @!p0 [sflag:s13], $0x500  }
0x55: {  	[sflag:s13] =	ssyncset.done @!p0 $0x0  }
0x56: {  	[sflag:s13] =	ssyncadd.s32 @!p0 $0xFFFFFB00  }
0x57: {  	_ =	sfence.sel $0x180000  }
0x58: {  	[bflag:$0x0] =	sbarrier.arrive $0xFFFF  }
0x59: {  	_ =	strace $0x90000047  }
0x5a: {  	s0 =	sadd.s32 @!p0 $0x100000, s0;
	[bflag:$0x2] =	sbarrier.arrive $0xFFFF  }
0x5b: {  	[sflag:s0] =	ssyncadd.tile.s32 @!p0 $0x1;
	_ =	shalt  }
.Lfunc_end2:
_tile_overlayer_lowered:
.L_overlay_start_2:
0x5c: {  	(tag) =	ssettag $0x2  }
0x5d: {  	s0 =	rddreg [dreg:$0x0];
	s2 =	stileid.u32  }
0x5e: {  	s1 =	rddreg [dreg:$0x1];
	p0 =	sne.s32 s2, $0x0  }
0x5f: {  	s3 =	rddreg [dreg:$0x2];
	[bflag:$0x3] =	sbarrier.arrive $0xFFFF;
	s2 =	simm.s32 @!p0 $0x1C01  }
0x60: {  	[timem:s3], [sflag:s2] =	dma.local @!p0 [hbm:s0], s1  }
0x61: {  	s0 =	simm.s32 @!p0 $0x1  }
0x62: {  	_ =	swait.ge @!p0 [sflag:s0], s1  }
0x63: {  	s1 =	ssub.s32 @!p0 $0x0, s1;
	[sflag:s0] =	ssyncset.done @!p0 $0x0  }
0x64: {  	[sflag:s0] =	ssyncadd.s32 @!p0 s1  }
0x65: {  	[bflag:$0x3] =	sbarrier.arrive $0xFFFF  }
0x66: {  	_ =	shalt  }

</sc_bundles>
